<compile_context>
chip_gen: v7x
topology: tpu7x:2x2x1
jax: 0.10.2.dev20260603
libtpu: 0.0.44.dev20260713+nightly
codegen_flags: <defaults>
</compile_context>

<pallas_src>
import jax
import jax.numpy as jnp
from jax import lax
from jax.experimental import pallas as pl
from jax.experimental.pallas import tpu as pltpu
from jax.experimental.pallas import tpu_sc as plsc

N_HASHES = 4
Q_ATTN = 256

_NC = 2
_NS = 16
_NW = _NC * _NS

_IPG = 128
_GCHUNK = 128
_SCHUNK = 256


def _worker_id():
    return lax.axis_index("s") * _NC + lax.axis_index("c")



def _prepack_kernel(q_ref, k_ref, v_ref, qq_ref, kv_ref):
    q = q_ref[...]
    qq_ref[...] = jnp.concatenate([q, q], axis=-1)
    kv_ref[...] = jnp.concatenate([k_ref[...], v_ref[...]], axis=-1)


def _prepack(queries2d, keys2d, values2d):
    nr, d = queries2d.shape
    blk = 4096
    spec_in = pl.BlockSpec((blk, d), lambda i: (i, 0))
    spec_out = pl.BlockSpec((blk, 2 * d), lambda i: (i, 0))
    out = jax.ShapeDtypeStruct((nr, 2 * d), jnp.float32)
    return pl.pallas_call(
        _prepack_kernel,
        grid=(nr // blk,),
        in_specs=[spec_in, spec_in, spec_in],
        out_specs=[spec_out, spec_out],
        out_shape=[out, out],
    )(queries2d, keys2d, values2d)



def _sc_gather_body(qq_hbm, kv_hbm, qidx_hbm, kidx_hbm,
                    sqq_hbm, skv_hbm,
                    idx_q, idx_k, rq0, rkv0, rq1, rkv1,
                    sg_q, sg_k, sw_q, sw_k, sem_i):
    nrows = sqq_hbm.shape[0]
    gpw = nrows // _NW
    npair = gpw // (2 * _GCHUNK)
    base = _worker_id() * gpw

    ci = pltpu.async_copy(qidx_hbm.at[pl.ds(base, gpw)], idx_q, sem_i)
    pltpu.async_copy(kidx_hbm.at[pl.ds(base, gpw)], idx_k, sem_i).wait()
    ci.wait()

    def pair(g, _):
        off0 = base + 2 * g * _GCHUNK
        off1 = off0 + _GCHUNK
        i0 = 2 * g * _GCHUNK
        i1 = i0 + _GCHUNK
        g0q = pltpu.async_copy(qq_hbm.at[idx_q.at[pl.ds(i0, _IPG)]],
                               rq0, sg_q)
        g0k = pltpu.async_copy(kv_hbm.at[idx_k.at[pl.ds(i0, _IPG)]],
                               rkv0, sg_k)
        g1q = pltpu.async_copy(qq_hbm.at[idx_q.at[pl.ds(i1, _IPG)]],
                               rq1, sg_q)
        g1k = pltpu.async_copy(kv_hbm.at[idx_k.at[pl.ds(i1, _IPG)]],
                               rkv1, sg_k)
        g0q.wait()
        w0q = pltpu.async_copy(rq0, sqq_hbm.at[pl.ds(off0, _GCHUNK)], sw_q)
        g0k.wait()
        w0k = pltpu.async_copy(rkv0, skv_hbm.at[pl.ds(off0, _GCHUNK)], sw_k)
        g1q.wait()
        w1q = pltpu.async_copy(rq1, sqq_hbm.at[pl.ds(off1, _GCHUNK)], sw_q)
        g1k.wait()
        w1k = pltpu.async_copy(rkv1, skv_hbm.at[pl.ds(off1, _GCHUNK)], sw_k)
        w0q.wait()
        w0k.wait()
        w1q.wait()
        w1k.wait()
        return 0

    lax.fori_loop(0, npair, pair, 0)


def _sc_gather(qq, kv, qidx, kidx):
    nrows = qidx.size
    w = qq.shape[-1]
    gpw = nrows // _NW
    mesh = plsc.VectorSubcoreMesh(core_axis_name="c", subcore_axis_name="s")
    out = jax.ShapeDtypeStruct((nrows, w), jnp.float32)
    run = pl.kernel(
        _sc_gather_body,
        out_type=[out, out],
        mesh=mesh,
        scratch_types=[
            pltpu.VMEM((gpw,), jnp.int32),
            pltpu.VMEM((gpw,), jnp.int32),
            pltpu.VMEM((_GCHUNK, w), jnp.float32),
            pltpu.VMEM((_GCHUNK, w), jnp.float32),
            pltpu.VMEM((_GCHUNK, w), jnp.float32),
            pltpu.VMEM((_GCHUNK, w), jnp.float32),
        ] + [pltpu.SemaphoreType.DMA] * 5,
        compiler_params=pltpu.CompilerParams(use_tc_tiling_on_sc=False),
    )
    return run(qq, kv, qidx, kidx)



def _sc_scatter_body(bo_hbm, dstidx_hbm, o_hbm, idx_s, rows0, rows1,
                     sem_i, sem_r, sem_s):
    nrows = bo_hbm.shape[0]
    gpw = nrows // _NW
    npair = gpw // (2 * _SCHUNK)
    npd = _SCHUNK // _IPG
    base = _worker_id() * gpw

    pltpu.async_copy(dstidx_hbm.at[pl.ds(base // _IPG, gpw // _IPG)],
                     idx_s, sem_i).wait()

    def pair(g, _):
        off0 = base + 2 * g * _SCHUNK
        off1 = off0 + _SCHUNK
        r0 = pltpu.async_copy(bo_hbm.at[pl.ds(off0, _SCHUNK)], rows0, sem_r)
        r1 = pltpu.async_copy(bo_hbm.at[pl.ds(off1, _SCHUNK)], rows1, sem_r)
        r0.wait()
        s0 = [pltpu.async_copy(rows0.at[pl.ds(j * _IPG, _IPG)],
                               o_hbm.at[idx_s.at[2 * npd * g + j]], sem_s)
              for j in range(npd)]
        r1.wait()
        s1 = [pltpu.async_copy(rows1.at[pl.ds(j * _IPG, _IPG)],
                               o_hbm.at[idx_s.at[2 * npd * g + npd + j]],
                               sem_s)
              for j in range(npd)]
        for h in s0 + s1:
            h.wait()
        return 0

    lax.fori_loop(0, npair, pair, 0)


def _sc_scatter(bo2d, dst_rows):
    nrows, w = bo2d.shape
    gpw = nrows // _NW
    mesh = plsc.VectorSubcoreMesh(core_axis_name="c", subcore_axis_name="s")
    run = pl.kernel(
        _sc_scatter_body,
        out_type=jax.ShapeDtypeStruct((nrows, w), jnp.float32),
        mesh=mesh,
        scratch_types=[
            pltpu.VMEM((gpw // _IPG, _IPG), jnp.int32),
            pltpu.VMEM((_SCHUNK, w), jnp.float32),
            pltpu.VMEM((_SCHUNK, w), jnp.float32),
        ] + [pltpu.SemaphoreType.DMA] * 3,
        compiler_params=pltpu.CompilerParams(use_tc_tiling_on_sc=False),
    )
    return run(bo2d, dst_rows.reshape(-1, _IPG))



_ABLK = 32


def _attn_block_kernel(qq_ref, kv_ref, bo_ref):
    for j in range(_ABLK):
        q = qq_ref[j, :, :64]
        k = kv_ref[j, :, :64]
        v = kv_ref[j, :, 64:]
        inner = lax.dot_general(q, k, (((1,), (1,)), ((), ())),
                                preferred_element_type=jnp.float32)
        m = jnp.max(inner, axis=-1, keepdims=True)
        e = jnp.exp(inner - m)
        s = jnp.sum(e, axis=-1, keepdims=True)
        bo = lax.dot_general(e.astype(jnp.bfloat16), v.astype(jnp.bfloat16),
                             (((1,), (0,)), ((), ())),
                             preferred_element_type=jnp.float32)
        lse = m + jnp.log(s)
        bo_ref[j] = jnp.concatenate(
            [bo / s, jnp.broadcast_to(lse, (Q_ATTN, 64))], axis=-1)


def _block_attention(sqq, skv):
    nb = sqq.shape[0]
    g = nb // _ABLK
    spec = pl.BlockSpec((_ABLK, Q_ATTN, 128), lambda i: (i, 0, 0))
    return pl.pallas_call(
        _attn_block_kernel,
        grid=(g,),
        in_specs=[spec, spec],
        out_specs=spec,
        out_shape=jax.ShapeDtypeStruct((nb, Q_ATTN, 128), jnp.float32),
    )(sqq, skv)



def _combine_kernel(o_ref, out_ref):
    ob = o_ref[:, 0]
    o = ob[:, :, :64]
    l = ob[:, :, 64:65]
    m = jnp.max(l, axis=0, keepdims=True)
    w = jnp.exp(l - m)
    p = w / jnp.sum(w, axis=0, keepdims=True)
    out_ref[0] = jnp.sum(o * p, axis=0)


def _combine(o_pad, bs, n, d):
    h = o_pad.shape[0]
    c = 4096
    return pl.pallas_call(
        _combine_kernel,
        grid=(bs, n // c),
        in_specs=[pl.BlockSpec((h, 1, c, 128), lambda b, i: (0, b, i, 0))],
        out_specs=pl.BlockSpec((1, c, d), lambda b, i: (b, i, 0)),
        out_shape=jax.ShapeDtypeStruct((bs, n, d), jnp.float32),
    )(o_pad)



def _lsh_projections(queries, keys, alpha, beta):
    q_norms = jnp.linalg.norm(queries, axis=-1, keepdims=True)
    k_norms = jnp.linalg.norm(keys, axis=-1, keepdims=True)
    MQ = jnp.max(q_norms, axis=1, keepdims=True)
    MK = jnp.max(k_norms, axis=1, keepdims=True)
    Msq = MQ**2 + MK**2
    ext_q = jnp.sqrt(jnp.maximum(Msq - q_norms**2, 0.0))
    ext_k = jnp.sqrt(jnp.maximum(Msq - k_norms**2, 0.0))
    Q = jnp.concatenate([queries, ext_q, jnp.zeros_like(ext_q)], axis=-1)
    K = jnp.concatenate([keys, jnp.zeros_like(ext_k), ext_k], axis=-1)
    q_proj = jnp.transpose(Q @ alpha + beta, (2, 0, 1))
    k_proj = jnp.transpose(K @ alpha + beta, (2, 0, 1))
    return q_proj, k_proj


_NSPLIT = 2


def kernel(queries, keys, values, alpha, beta):
    bs, n, d = queries.shape
    h = N_HASHES
    q_proj, k_proj = _lsh_projections(queries, keys, alpha, beta)

    qq, kv = _prepack(queries.reshape(-1, d), keys.reshape(-1, d),
                      values.reshape(-1, d))

    gbs = bs // _NSPLIT
    outs = []
    for g in range(_NSPLIT):
        bsl = slice(g * gbs, (g + 1) * gbs)
        q_pos = jnp.argsort(q_proj[:, bsl], axis=-1, stable=False)
        k_pos = jnp.argsort(k_proj[:, bsl], axis=-1)

        offs = ((jnp.arange(gbs, dtype=jnp.int32) + g * gbs) * n)[None, :, None]
        q_flat = (q_pos + offs).reshape(-1)
        k_flat = (k_pos + offs).reshape(-1)

        sqq, skv = _sc_gather(qq, kv, q_flat, k_flat)

        bo_pad = _block_attention(sqq.reshape(-1, Q_ATTN, 2 * d),
                                  skv.reshape(-1, Q_ATTN, 2 * d))

        offs2 = (jnp.arange(h * gbs, dtype=jnp.int32) * n)[:, None]
        dst_rows = (q_pos.reshape(-1, n) + offs2).reshape(-1)
        o_pad = _sc_scatter(bo_pad.reshape(-1, 2 * d), dst_rows)

        outs.append(_combine(o_pad.reshape(h, gbs, n, 2 * d), gbs, n, d))

    return jnp.concatenate(outs, axis=0)

# --- scband reference (transcript-rebuilt; emitter-appended) ---
"""Pipeline reference for scband-smyrf-attention-15788299780115 (READ-ONLY COPY).

The authoritative reference and input builder live on the scoring server;
editing this copy changes nothing except your own understanding.
"""

import jax, jax.numpy as jnp
import numpy as np

N_HASHES = 4
Q_ATTN = 256
K_ATTN = 256
R = 1.0


def setup_inputs(seed: int = 0) -> dict:
    key = jax.random.key(seed)
    kq, kk, kv, ka, kb = jax.random.split(key, 5)
    queries = jax.random.normal(kq, (16, 4096, 64), dtype=jnp.float32)
    keys = jax.random.normal(kk, (16, 4096, 64), dtype=jnp.float32)
    values = jax.random.normal(kv, (16, 4096, 64), dtype=jnp.float32)
    # E2LSH random projection params (fixed buffers, dim+2 for XBOX+ extension)
    alpha = jax.random.normal(ka, (66, N_HASHES), dtype=jnp.float32)
    beta = jax.random.uniform(kb, (1, N_HASHES), minval=0.0, maxval=R, dtype=jnp.float32)
    return {"queries": queries, "keys": keys, "values": values, "alpha": alpha, "beta": beta}


def _lsh_clustering(queries, keys, alpha, beta):
    # XBOX+ asymmetric transform (no_grad in original)
    q = jax.lax.stop_gradient(queries)
    k = jax.lax.stop_gradient(keys)
    q_norms = jnp.linalg.norm(q, axis=-1, keepdims=True)
    k_norms = jnp.linalg.norm(k, axis=-1, keepdims=True)
    MQ = jnp.max(q_norms, axis=1, keepdims=True)
    MK = jnp.max(k_norms, axis=1, keepdims=True)
    Msq = MQ ** 2 + MK ** 2
    ext_q = jnp.sqrt(jnp.maximum(Msq - q_norms ** 2, 0.0))
    ext_k = jnp.sqrt(jnp.maximum(Msq - k_norms ** 2, 0.0))
    Q = jnp.concatenate([q, ext_q, jnp.zeros_like(ext_q)], axis=-1)
    K = jnp.concatenate([k, jnp.zeros_like(ext_k), ext_k], axis=-1)
    # E2LSH: project, shift, sort positions per hash round
    q_proj = jnp.transpose(Q @ alpha + beta, (2, 0, 1))  # (n_hashes, bs, N)
    k_proj = jnp.transpose(K @ alpha + beta, (2, 0, 1))
    return jnp.argsort(q_proj, axis=-1), jnp.argsort(k_proj, axis=-1)


def _smyrf_forward(queries, keys, values, alpha, beta, norm_factor=1.0):
    bs, q_seqlen, dim = queries.shape
    _, k_seqlen, _ = keys.shape
    v_dim = values.shape[-1]
    q_positions, k_positions = _lsh_clustering(queries, keys, alpha, beta)
    q_positions = q_positions.reshape(N_HASHES, bs, -1)
    k_positions = k_positions.reshape(N_HASHES, bs, -1)
    q_rev_positions = jnp.argsort(q_positions, axis=-1)
    q_offset = jnp.arange(bs)[:, None] * q_seqlen
    k_offset = jnp.arange(bs)[:, None] * k_seqlen
    q_flat = (q_positions + q_offset).reshape(-1)
    k_flat = (k_positions + k_offset).reshape(-1)
    s_queries = queries.reshape(-1, dim)[q_flat].reshape(-1, Q_ATTN, dim)
    s_keys = keys.reshape(-1, dim)[k_flat].reshape(-1, K_ATTN, dim)
    s_values = values.reshape(-1, v_dim)[k_flat].reshape(-1, K_ATTN, v_dim)
    inner = (s_queries @ jnp.swapaxes(s_keys, 2, 1)) / norm_factor
    dots_logsumexp = jax.scipy.special.logsumexp(inner, axis=-1, keepdims=True)
    dots = jnp.exp(inner - dots_logsumexp)
    bo = (dots @ s_values).reshape(N_HASHES, bs, q_seqlen, -1)
    q_offset2 = jnp.arange(bs * N_HASHES)[:, None] * q_seqlen
    q_rev_flat = (q_rev_positions.reshape(-1, q_seqlen) + q_offset2).reshape(-1)
    o = bo.reshape(-1, v_dim)[q_rev_flat].reshape(N_HASHES, bs, q_seqlen, -1)
    slogits = dots_logsumexp.reshape(N_HASHES, bs, -1)
    logits = jnp.take_along_axis(slogits, q_rev_positions, axis=2)
    probs = jnp.exp(logits - jax.scipy.special.logsumexp(logits, axis=0, keepdims=True))
    out = jnp.sum(o * probs[..., None], axis=0)
    return out


def reference(queries, keys, values, alpha, beta):
    return _smyrf_forward(queries, keys, values, alpha, beta)

if __name__ == "__main__":
    import jax
    _d = setup_inputs()
    print(jax.jit(kernel)(*tuple(_d.values())))

</pallas_src>

<mosaic_0001>
#map = affine_map<(d0, d1) -> (0, 0)>
#map1 = affine_map<(d0, d1) -> (0)>
module attributes {stable_mosaic.version = 14 : i64} {
  func.func @_sc_gather_body(%arg0: i32, %arg1: i32, %arg2: memref<65536x128xf32, #tpu.memory_space<hbm>>, %arg3: memref<65536x128xf32, #tpu.memory_space<hbm>>, %arg4: memref<131072xi32, #tpu.memory_space<hbm>>, %arg5: memref<131072xi32, #tpu.memory_space<hbm>>, %arg6: memref<131072x128xf32, #tpu.memory_space<hbm>>, %arg7: memref<131072x128xf32, #tpu.memory_space<hbm>>, %arg8: memref<4096xi32, #tpu.memory_space<vmem>>, %arg9: memref<4096xi32, #tpu.memory_space<vmem>>, %arg10: memref<128x128xf32, #tpu.memory_space<vmem>>, %arg11: memref<128x128xf32, #tpu.memory_space<vmem>>, %arg12: memref<128x128xf32, #tpu.memory_space<vmem>>, %arg13: memref<128x128xf32, #tpu.memory_space<vmem>>, %arg14: memref<!tpu.dma_semaphore, #tpu.memory_space<semaphore_mem>>, %arg15: memref<!tpu.dma_semaphore, #tpu.memory_space<semaphore_mem>>, %arg16: memref<!tpu.dma_semaphore, #tpu.memory_space<semaphore_mem>>, %arg17: memref<!tpu.dma_semaphore, #tpu.memory_space<semaphore_mem>>, %arg18: memref<!tpu.dma_semaphore, #tpu.memory_space<semaphore_mem>>) attributes {dimension_semantics = [#tpu.dimension_semantics<core_parallel>, #tpu.dimension_semantics<subcore_parallel>], iteration_bounds = array<i64: 2, 16>, scalar_prefetch = 0 : i64, scratch_operands = 11 : i64, tpu.core_type = #tpu.core_type<sc_vector_subcore>, window_params = [{transform_indices = #map}, {transform_indices = #map}, {transform_indices = #map1}, {transform_indices = #map1}, {transform_indices = #map}, {transform_indices = #map}]} {
    %mul3A = arith.constant 2 : i32
    %mul3A_0 = arith.muli %arg1, %mul3A : i32
    %add3A = arith.addi %mul3A_0, %arg0 : i32
    %mul3A_1 = arith.constant 4096 : i32
    %mul3A_2 = arith.muli %add3A, %mul3A_1 : i32
    %dma_start3A = tpu.memref_slice %arg4[%mul3A_2] : memref<131072xi32, #tpu.memory_space<hbm>> -> memref<4096xi32, #tpu.memory_space<hbm>>
    %dma_start3A_3 = tpu.memref_slice %arg4[%mul3A_2] : memref<131072xi32, #tpu.memory_space<hbm>> -> memref<4096xi32, #tpu.memory_space<hbm>>
    tpu.enqueue_dma source(%dma_start3A_3 : memref<4096xi32, #tpu.memory_space<hbm>>) target(%arg8 : memref<4096xi32, #tpu.memory_space<vmem>>) target_semaphore(%arg18 : memref<!tpu.dma_semaphore, #tpu.memory_space<semaphore_mem>>)
    %dma_start3A_4 = tpu.memref_slice %arg5[%mul3A_2] : memref<131072xi32, #tpu.memory_space<hbm>> -> memref<4096xi32, #tpu.memory_space<hbm>>
    %dma_start3A_5 = tpu.memref_slice %arg5[%mul3A_2] : memref<131072xi32, #tpu.memory_space<hbm>> -> memref<4096xi32, #tpu.memory_space<hbm>>
    tpu.enqueue_dma source(%dma_start3A_5 : memref<4096xi32, #tpu.memory_space<hbm>>) target(%arg9 : memref<4096xi32, #tpu.memory_space<vmem>>) target_semaphore(%arg18 : memref<!tpu.dma_semaphore, #tpu.memory_space<semaphore_mem>>)
    %dma_wait3A = tpu.memref_slice %arg5[%mul3A_2] : memref<131072xi32, #tpu.memory_space<hbm>> -> memref<4096xi32, #tpu.memory_space<hbm>>
    %dma_wait3A_6 = tpu.memref_slice %arg5[%mul3A_2] : memref<131072xi32, #tpu.memory_space<hbm>> -> memref<4096xi32, #tpu.memory_space<hbm>>
    tpu.wait_dma2 semaphore(%arg18 : memref<!tpu.dma_semaphore, #tpu.memory_space<semaphore_mem>>) src(%dma_wait3A_6 : memref<4096xi32, #tpu.memory_space<hbm>>) dst(%arg9 : memref<4096xi32, #tpu.memory_space<vmem>>)
    %dma_wait3A_7 = tpu.memref_slice %arg4[%mul3A_2] : memref<131072xi32, #tpu.memory_space<hbm>> -> memref<4096xi32, #tpu.memory_space<hbm>>
    %dma_wait3A_8 = tpu.memref_slice %arg4[%mul3A_2] : memref<131072xi32, #tpu.memory_space<hbm>> -> memref<4096xi32, #tpu.memory_space<hbm>>
    tpu.wait_dma2 semaphore(%arg18 : memref<!tpu.dma_semaphore, #tpu.memory_space<semaphore_mem>>) src(%dma_wait3A_8 : memref<4096xi32, #tpu.memory_space<hbm>>) dst(%arg8 : memref<4096xi32, #tpu.memory_space<vmem>>)
    %scan3A = arith.constant 0 : i32
    %scan3A_9 = arith.constant 0 : i32
    %scan3A_10 = arith.constant 16 : i32
    %scan3A_11 = arith.addi %scan3A_9, %scan3A_10 : i32
    %scan3A_12 = arith.constant 1 : i32
    %scan3A_13 = scf.for %scan3A_15 = %scan3A_9 to %scan3A_11 step %scan3A_12 iter_args(%scan3A_16 = %scan3A) -> (i32)  : i32 {
      %mul3A_17 = arith.constant 2 : i32
      %mul3A_18 = arith.muli %mul3A_17, %scan3A_15 : i32
      %mul3A_19 = arith.constant 128 : i32
      %mul3A_20 = arith.muli %mul3A_18, %mul3A_19 : i32
      %add3A_21 = arith.addi %mul3A_2, %mul3A_20 : i32
      %add3A_22 = arith.constant 128 : i32
      %add3A_23 = arith.addi %add3A_21, %add3A_22 : i32
      %mul3A_24 = arith.constant 2 : i32
      %mul3A_25 = arith.muli %mul3A_24, %scan3A_15 : i32
      %mul3A_26 = arith.constant 128 : i32
      %mul3A_27 = arith.muli %mul3A_25, %mul3A_26 : i32
      %add3A_28 = arith.constant 128 : i32
      %add3A_29 = arith.addi %mul3A_27, %add3A_28 : i32
      %dma_start3A_30 = tpu.memref_slice %arg8[%mul3A_27] : memref<4096xi32, #tpu.memory_space<vmem>> -> memref<128xi32, #tpu.memory_space<vmem>>
      %dma_start3A_31 = arith.constant 0 : i32
      %dma_start3A_32 = arith.constant 0 : i32
      %dma_start3A_33 = tpu.memref_slice %arg2[%dma_start3A_31, %dma_start3A_32] : memref<65536x128xf32, #tpu.memory_space<hbm>> -> memref<65536x128xf32, #tpu.memory_space<hbm>>
      tpu.enqueue_indirect_dma source(%dma_start3A_33 : memref<65536x128xf32, #tpu.memory_space<hbm>>) target(%arg10 : memref<128x128xf32, #tpu.memory_space<vmem>>) offsets(%dma_start3A_30 : memref<128xi32, #tpu.memory_space<vmem>>) semaphore(%arg14 : memref<!tpu.dma_semaphore, #tpu.memory_space<semaphore_mem>>)
      %dma_start3A_34 = tpu.memref_slice %arg9[%mul3A_27] : memref<4096xi32, #tpu.memory_space<vmem>> -> memref<128xi32, #tpu.memory_space<vmem>>
      %dma_start3A_35 = arith.constant 0 : i32
      %dma_start3A_36 = arith.constant 0 : i32
      %dma_start3A_37 = tpu.memref_slice %arg3[%dma_start3A_35, %dma_start3A_36] : memref<65536x128xf32, #tpu.memory_space<hbm>> -> memref<65536x128xf32, #tpu.memory_space<hbm>>
      tpu.enqueue_indirect_dma source(%dma_start3A_37 : memref<65536x128xf32, #tpu.memory_space<hbm>>) target(%arg11 : memref<128x128xf32, #tpu.memory_space<vmem>>) offsets(%dma_start3A_34 : memref<128xi32, #tpu.memory_space<vmem>>) semaphore(%arg15 : memref<!tpu.dma_semaphore, #tpu.memory_space<semaphore_mem>>)
      %dma_start3A_38 = tpu.memref_slice %arg8[%add3A_29] : memref<4096xi32, #tpu.memory_space<vmem>> -> memref<128xi32, #tpu.memory_space<vmem>>
      %dma_start3A_39 = arith.constant 0 : i32
      %dma_start3A_40 = arith.constant 0 : i32
      %dma_start3A_41 = tpu.memref_slice %arg2[%dma_start3A_39, %dma_start3A_40] : memref<65536x128xf32, #tpu.memory_space<hbm>> -> memref<65536x128xf32, #tpu.memory_space<hbm>>
      tpu.enqueue_indirect_dma source(%dma_start3A_41 : memref<65536x128xf32, #tpu.memory_space<hbm>>) target(%arg12 : memref<128x128xf32, #tpu.memory_space<vmem>>) offsets(%dma_start3A_38 : memref<128xi32, #tpu.memory_space<vmem>>) semaphore(%arg14 : memref<!tpu.dma_semaphore, #tpu.memory_space<semaphore_mem>>)
      %dma_start3A_42 = tpu.memref_slice %arg9[%add3A_29] : memref<4096xi32, #tpu.memory_space<vmem>> -> memref<128xi32, #tpu.memory_space<vmem>>
      %dma_start3A_43 = arith.constant 0 : i32
      %dma_start3A_44 = arith.constant 0 : i32
      %dma_start3A_45 = tpu.memref_slice %arg3[%dma_start3A_43, %dma_start3A_44] : memref<65536x128xf32, #tpu.memory_space<hbm>> -> memref<65536x128xf32, #tpu.memory_space<hbm>>
      tpu.enqueue_indirect_dma source(%dma_start3A_45 : memref<65536x128xf32, #tpu.memory_space<hbm>>) target(%arg13 : memref<128x128xf32, #tpu.memory_space<vmem>>) offsets(%dma_start3A_42 : memref<128xi32, #tpu.memory_space<vmem>>) semaphore(%arg15 : memref<!tpu.dma_semaphore, #tpu.memory_space<semaphore_mem>>)
      %dma_wait3A_46 = tpu.memref_slice %arg8[%mul3A_27] : memref<4096xi32, #tpu.memory_space<vmem>> -> memref<128xi32, #tpu.memory_space<vmem>>
      %dma_wait3A_47 = arith.constant 0 : i32
      %dma_wait3A_48 = arith.constant 0 : i32
      %dma_wait3A_49 = tpu.memref_slice %arg2[%dma_wait3A_47, %dma_wait3A_48] : memref<65536x128xf32, #tpu.memory_space<hbm>> -> memref<65536x128xf32, #tpu.memory_space<hbm>>
      tpu.wait_indirect_dma semaphore(%arg14 : memref<!tpu.dma_semaphore, #tpu.memory_space<semaphore_mem>>) src(%dma_wait3A_49 : memref<65536x128xf32, #tpu.memory_space<hbm>>) dst(%arg10 : memref<128x128xf32, #tpu.memory_space<vmem>>)
      %dma_start3A_50 = arith.constant 0 : i32
      %dma_start3A_51 = tpu.memref_slice %arg6[%add3A_21, %dma_start3A_50] : memref<131072x128xf32, #tpu.memory_space<hbm>> -> memref<128x128xf32, #tpu.memory_space<hbm>>
      %dma_start3A_52 = arith.constant 0 : i32
      %dma_start3A_53 = tpu.memref_slice %arg6[%add3A_21, %dma_start3A_52] : memref<131072x128xf32, #tpu.memory_space<hbm>> -> memref<128x128xf32, #tpu.memory_space<hbm>>
      tpu.enqueue_dma source(%arg10 : memref<128x128xf32, #tpu.memory_space<vmem>>) target(%dma_start3A_53 : memref<128x128xf32, #tpu.memory_space<hbm>>) target_semaphore(%arg16 : memref<!tpu.dma_semaphore, #tpu.memory_space<semaphore_mem>>)
      %dma_wait3A_54 = tpu.memref_slice %arg9[%mul3A_27] : memref<4096xi32, #tpu.memory_space<vmem>> -> memref<128xi32, #tpu.memory_space<vmem>>
      %dma_wait3A_55 = arith.constant 0 : i32
      %dma_wait3A_56 = arith.constant 0 : i32
      %dma_wait3A_57 = tpu.memref_slice %arg3[%dma_wait3A_55, %dma_wait3A_56] : memref<65536x128xf32, #tpu.memory_space<hbm>> -> memref<65536x128xf32, #tpu.memory_space<hbm>>
      tpu.wait_indirect_dma semaphore(%arg15 : memref<!tpu.dma_semaphore, #tpu.memory_space<semaphore_mem>>) src(%dma_wait3A_57 : memref<65536x128xf32, #tpu.memory_space<hbm>>) dst(%arg11 : memref<128x128xf32, #tpu.memory_space<vmem>>)
      %dma_start3A_58 = arith.constant 0 : i32
      %dma_start3A_59 = tpu.memref_slice %arg7[%add3A_21, %dma_start3A_58] : memref<131072x128xf32, #tpu.memory_space<hbm>> -> memref<128x128xf32, #tpu.memory_space<hbm>>
      %dma_start3A_60 = arith.constant 0 : i32
      %dma_start3A_61 = tpu.memref_slice %arg7[%add3A_21, %dma_start3A_60] : memref<131072x128xf32, #tpu.memory_space<hbm>> -> memref<128x128xf32, #tpu.memory_space<hbm>>
      tpu.enqueue_dma source(%arg11 : memref<128x128xf32, #tpu.memory_space<vmem>>) target(%dma_start3A_61 : memref<128x128xf32, #tpu.memory_space<hbm>>) target_semaphore(%arg17 : memref<!tpu.dma_semaphore, #tpu.memory_space<semaphore_mem>>)
      %dma_wait3A_62 = tpu.memref_slice %arg8[%add3A_29] : memref<4096xi32, #tpu.memory_space<vmem>> -> memref<128xi32, #tpu.memory_space<vmem>>
      %dma_wait3A_63 = arith.constant 0 : i32
      %dma_wait3A_64 = arith.constant 0 : i32
      %dma_wait3A_65 = tpu.memref_slice %arg2[%dma_wait3A_63, %dma_wait3A_64] : memref<65536x128xf32, #tpu.memory_space<hbm>> -> memref<65536x128xf32, #tpu.memory_space<hbm>>
      tpu.wait_indirect_dma semaphore(%arg14 : memref<!tpu.dma_semaphore, #tpu.memory_space<semaphore_mem>>) src(%dma_wait3A_65 : memref<65536x128xf32, #tpu.memory_space<hbm>>) dst(%arg12 : memref<128x128xf32, #tpu.memory_space<vmem>>)
      %dma_start3A_66 = arith.constant 0 : i32
      %dma_start3A_67 = tpu.memref_slice %arg6[%add3A_23, %dma_start3A_66] : memref<131072x128xf32, #tpu.memory_space<hbm>> -> memref<128x128xf32, #tpu.memory_space<hbm>>
      %dma_start3A_68 = arith.constant 0 : i32
      %dma_start3A_69 = tpu.memref_slice %arg6[%add3A_23, %dma_start3A_68] : memref<131072x128xf32, #tpu.memory_space<hbm>> -> memref<128x128xf32, #tpu.memory_space<hbm>>
      tpu.enqueue_dma source(%arg12 : memref<128x128xf32, #tpu.memory_space<vmem>>) target(%dma_start3A_69 : memref<128x128xf32, #tpu.memory_space<hbm>>) target_semaphore(%arg16 : memref<!tpu.dma_semaphore, #tpu.memory_space<semaphore_mem>>)
      %dma_wait3A_70 = tpu.memref_slice %arg9[%add3A_29] : memref<4096xi32, #tpu.memory_space<vmem>> -> memref<128xi32, #tpu.memory_space<vmem>>
      %dma_wait3A_71 = arith.constant 0 : i32
      %dma_wait3A_72 = arith.constant 0 : i32
      %dma_wait3A_73 = tpu.memref_slice %arg3[%dma_wait3A_71, %dma_wait3A_72] : memref<65536x128xf32, #tpu.memory_space<hbm>> -> memref<65536x128xf32, #tpu.memory_space<hbm>>
      tpu.wait_indirect_dma semaphore(%arg15 : memref<!tpu.dma_semaphore, #tpu.memory_space<semaphore_mem>>) src(%dma_wait3A_73 : memref<65536x128xf32, #tpu.memory_space<hbm>>) dst(%arg13 : memref<128x128xf32, #tpu.memory_space<vmem>>)
      %dma_start3A_74 = arith.constant 0 : i32
      %dma_start3A_75 = tpu.memref_slice %arg7[%add3A_23, %dma_start3A_74] : memref<131072x128xf32, #tpu.memory_space<hbm>> -> memref<128x128xf32, #tpu.memory_space<hbm>>
      %dma_start3A_76 = arith.constant 0 : i32
      %dma_start3A_77 = tpu.memref_slice %arg7[%add3A_23, %dma_start3A_76] : memref<131072x128xf32, #tpu.memory_space<hbm>> -> memref<128x128xf32, #tpu.memory_space<hbm>>
      tpu.enqueue_dma source(%arg13 : memref<128x128xf32, #tpu.memory_space<vmem>>) target(%dma_start3A_77 : memref<128x128xf32, #tpu.memory_space<hbm>>) target_semaphore(%arg17 : memref<!tpu.dma_semaphore, #tpu.memory_space<semaphore_mem>>)
      %dma_wait3A_78 = arith.constant 0 : i32
      %dma_wait3A_79 = tpu.memref_slice %arg6[%add3A_21, %dma_wait3A_78] : memref<131072x128xf32, #tpu.memory_space<hbm>> -> memref<128x128xf32, #tpu.memory_space<hbm>>
      %dma_wait3A_80 = arith.constant 0 : i32
      %dma_wait3A_81 = tpu.memref_slice %arg6[%add3A_21, %dma_wait3A_80] : memref<131072x128xf32, #tpu.memory_space<hbm>> -> memref<128x128xf32, #tpu.memory_space<hbm>>
      tpu.wait_dma2 semaphore(%arg16 : memref<!tpu.dma_semaphore, #tpu.memory_space<semaphore_mem>>) src(%arg10 : memref<128x128xf32, #tpu.memory_space<vmem>>) dst(%dma_wait3A_81 : memref<128x128xf32, #tpu.memory_space<hbm>>)
      %dma_wait3A_82 = arith.constant 0 : i32
      %dma_wait3A_83 = tpu.memref_slice %arg7[%add3A_21, %dma_wait3A_82] : memref<131072x128xf32, #tpu.memory_space<hbm>> -> memref<128x128xf32, #tpu.memory_space<hbm>>
      %dma_wait3A_84 = arith.constant 0 : i32
      %dma_wait3A_85 = tpu.memref_slice %arg7[%add3A_21, %dma_wait3A_84] : memref<131072x128xf32, #tpu.memory_space<hbm>> -> memref<128x128xf32, #tpu.memory_space<hbm>>
      tpu.wait_dma2 semaphore(%arg17 : memref<!tpu.dma_semaphore, #tpu.memory_space<semaphore_mem>>) src(%arg11 : memref<128x128xf32, #tpu.memory_space<vmem>>) dst(%dma_wait3A_85 : memref<128x128xf32, #tpu.memory_space<hbm>>)
      %dma_wait3A_86 = arith.constant 0 : i32
      %dma_wait3A_87 = tpu.memref_slice %arg6[%add3A_23, %dma_wait3A_86] : memref<131072x128xf32, #tpu.memory_space<hbm>> -> memref<128x128xf32, #tpu.memory_space<hbm>>
      %dma_wait3A_88 = arith.constant 0 : i32
      %dma_wait3A_89 = tpu.memref_slice %arg6[%add3A_23, %dma_wait3A_88] : memref<131072x128xf32, #tpu.memory_space<hbm>> -> memref<128x128xf32, #tpu.memory_space<hbm>>
      tpu.wait_dma2 semaphore(%arg16 : memref<!tpu.dma_semaphore, #tpu.memory_space<semaphore_mem>>) src(%arg12 : memref<128x128xf32, #tpu.memory_space<vmem>>) dst(%dma_wait3A_89 : memref<128x128xf32, #tpu.memory_space<hbm>>)
      %dma_wait3A_90 = arith.constant 0 : i32
      %dma_wait3A_91 = tpu.memref_slice %arg7[%add3A_23, %dma_wait3A_90] : memref<131072x128xf32, #tpu.memory_space<hbm>> -> memref<128x128xf32, #tpu.memory_space<hbm>>
      %dma_wait3A_92 = arith.constant 0 : i32
      %dma_wait3A_93 = tpu.memref_slice %arg7[%add3A_23, %dma_wait3A_92] : memref<131072x128xf32, #tpu.memory_space<hbm>> -> memref<128x128xf32, #tpu.memory_space<hbm>>
      tpu.wait_dma2 semaphore(%arg17 : memref<!tpu.dma_semaphore, #tpu.memory_space<semaphore_mem>>) src(%arg13 : memref<128x128xf32, #tpu.memory_space<vmem>>) dst(%dma_wait3A_93 : memref<128x128xf32, #tpu.memory_space<hbm>>)
      %scan3A_94 = arith.constant 0 : i32
      scf.yield %scan3A_94 : i32
    }
    %scan3A_14 = arith.constant 16 : i32
    return
  }
}

#map = affine_map<(d0, d1) -> (0, 0)>
module attributes {stable_mosaic.version = 14 : i64} {
  func.func @_sc_scatter_body(%arg0: i32, %arg1: i32, %arg2: memref<131072x128xf32, #tpu.memory_space<hbm>>, %arg3: memref<1024x128xi32, #tpu.memory_space<hbm>>, %arg4: memref<131072x128xf32, #tpu.memory_space<hbm>>, %arg5: memref<32x128xi32, #tpu.memory_space<vmem>>, %arg6: memref<256x128xf32, #tpu.memory_space<vmem>>, %arg7: memref<256x128xf32, #tpu.memory_space<vmem>>, %arg8: memref<!tpu.dma_semaphore, #tpu.memory_space<semaphore_mem>>, %arg9: memref<!tpu.dma_semaphore, #tpu.memory_space<semaphore_mem>>, %arg10: memref<!tpu.dma_semaphore, #tpu.memory_space<semaphore_mem>>) attributes {dimension_semantics = [#tpu.dimension_semantics<core_parallel>, #tpu.dimension_semantics<subcore_parallel>], iteration_bounds = array<i64: 2, 16>, scalar_prefetch = 0 : i64, scratch_operands = 6 : i64, tpu.core_type = #tpu.core_type<sc_vector_subcore>, window_params = [{transform_indices = #map}, {transform_indices = #map}, {transform_indices = #map}]} {
    %mul3A = arith.constant 2 : i32
    %mul3A_0 = arith.muli %arg1, %mul3A : i32
    %add3A = arith.addi %mul3A_0, %arg0 : i32
    %mul3A_1 = arith.constant 4096 : i32
    %mul3A_2 = arith.muli %add3A, %mul3A_1 : i32
    %jit3A = arith.constant 128 : i32
    %div3A = arith.divsi %mul3A_2, %jit3A : i32
    %sign3A = arith.constant 0 : i32
    %sign3A_3 = arith.cmpi sgt, %mul3A_2, %sign3A : i32
    %sign3A_4 = arith.extui %sign3A_3 : i1 to i32
    %sign3A_5 = arith.constant 0 : i32
    %sign3A_6 = arith.cmpi slt, %mul3A_2, %sign3A_5 : i32
    %sign3A_7 = arith.extui %sign3A_6 : i1 to i32
    %sign3A_8 = arith.subi %sign3A_4, %sign3A_7 : i32
    %sign3A_9 = arith.constant 0 : i32
    %sign3A_10 = arith.cmpi sgt, %jit3A, %sign3A_9 : i32
    %sign3A_11 = arith.extui %sign3A_10 : i1 to i32
    %sign3A_12 = arith.constant 0 : i32
    %sign3A_13 = arith.cmpi slt, %jit3A, %sign3A_12 : i32
    %sign3A_14 = arith.extui %sign3A_13 : i1 to i32
    %sign3A_15 = arith.subi %sign3A_11, %sign3A_14 : i32
    %ne3A = arith.cmpi ne, %sign3A_8, %sign3A_15 : i32
    %rem3A = arith.remsi %mul3A_2, %jit3A : i32
    %ne3A_16 = arith.constant 0 : i32
    %ne3A_17 = arith.cmpi ne, %rem3A, %ne3A_16 : i32
    %and3A = arith.andi %ne3A, %ne3A_17 : i1
    %sub3A = arith.constant 1 : i32
    %sub3A_18 = arith.subi %div3A, %sub3A : i32
    %select_n3A = arith.select %and3A, %sub3A_18, %div3A : i32
    %dma_start3A = arith.constant 0 : i32
    %dma_start3A_19 = tpu.memref_slice %arg3[%select_n3A, %dma_start3A] : memref<1024x128xi32, #tpu.memory_space<hbm>> -> memref<32x128xi32, #tpu.memory_space<hbm>>
    %dma_start3A_20 = arith.constant 0 : i32
    %dma_start3A_21 = tpu.memref_slice %arg3[%select_n3A, %dma_start3A_20] : memref<1024x128xi32, #tpu.memory_space<hbm>> -> memref<32x128xi32, #tpu.memory_space<hbm>>
    tpu.enqueue_dma source(%dma_start3A_21 : memref<32x128xi32, #tpu.memory_space<hbm>>) target(%arg5 : memref<32x128xi32, #tpu.memory_space<vmem>>) target_semaphore(%arg8 : memref<!tpu.dma_semaphore, #tpu.memory_space<semaphore_mem>>)
    %dma_wait3A = arith.constant 0 : i32
    %dma_wait3A_22 = tpu.memref_slice %arg3[%select_n3A, %dma_wait3A] : memref<1024x128xi32, #tpu.memory_space<hbm>> -> memref<32x128xi32, #tpu.memory_space<hbm>>
    %dma_wait3A_23 = arith.constant 0 : i32
    %dma_wait3A_24 = tpu.memref_slice %arg3[%select_n3A, %dma_wait3A_23] : memref<1024x128xi32, #tpu.memory_space<hbm>> -> memref<32x128xi32, #tpu.memory_space<hbm>>
    tpu.wait_dma2 semaphore(%arg8 : memref<!tpu.dma_semaphore, #tpu.memory_space<semaphore_mem>>) src(%dma_wait3A_24 : memref<32x128xi32, #tpu.memory_space<hbm>>) dst(%arg5 : memref<32x128xi32, #tpu.memory_space<vmem>>)
    %scan3A = arith.constant 0 : i32
    %scan3A_25 = arith.constant 0 : i32
    %scan3A_26 = arith.constant 8 : i32
    %scan3A_27 = arith.addi %scan3A_25, %scan3A_26 : i32
    %scan3A_28 = arith.constant 1 : i32
    %scan3A_29 = scf.for %scan3A_31 = %scan3A_25 to %scan3A_27 step %scan3A_28 iter_args(%scan3A_32 = %scan3A) -> (i32)  : i32 {
      %mul3A_33 = arith.constant 2 : i32
      %mul3A_34 = arith.muli %mul3A_33, %scan3A_31 : i32
      %mul3A_35 = arith.constant 256 : i32
      %mul3A_36 = arith.muli %mul3A_34, %mul3A_35 : i32
      %add3A_37 = arith.addi %mul3A_2, %mul3A_36 : i32
      %add3A_38 = arith.constant 256 : i32
      %add3A_39 = arith.addi %add3A_37, %add3A_38 : i32
      %dma_start3A_40 = arith.constant 0 : i32
      %dma_start3A_41 = tpu.memref_slice %arg2[%add3A_37, %dma_start3A_40] : memref<131072x128xf32, #tpu.memory_space<hbm>> -> memref<256x128xf32, #tpu.memory_space<hbm>>
      %dma_start3A_42 = arith.constant 0 : i32
      %dma_start3A_43 = tpu.memref_slice %arg2[%add3A_37, %dma_start3A_42] : memref<131072x128xf32, #tpu.memory_space<hbm>> -> memref<256x128xf32, #tpu.memory_space<hbm>>
      tpu.enqueue_dma source(%dma_start3A_43 : memref<256x128xf32, #tpu.memory_space<hbm>>) target(%arg6 : memref<256x128xf32, #tpu.memory_space<vmem>>) target_semaphore(%arg9 : memref<!tpu.dma_semaphore, #tpu.memory_space<semaphore_mem>>)
      %dma_start3A_44 = arith.constant 0 : i32
      %dma_start3A_45 = tpu.memref_slice %arg2[%add3A_39, %dma_start3A_44] : memref<131072x128xf32, #tpu.memory_space<hbm>> -> memref<256x128xf32, #tpu.memory_space<hbm>>
      %dma_start3A_46 = arith.constant 0 : i32
      %dma_start3A_47 = tpu.memref_slice %arg2[%add3A_39, %dma_start3A_46] : memref<131072x128xf32, #tpu.memory_space<hbm>> -> memref<256x128xf32, #tpu.memory_space<hbm>>
      tpu.enqueue_dma source(%dma_start3A_47 : memref<256x128xf32, #tpu.memory_space<hbm>>) target(%arg7 : memref<256x128xf32, #tpu.memory_space<vmem>>) target_semaphore(%arg9 : memref<!tpu.dma_semaphore, #tpu.memory_space<semaphore_mem>>)
      %dma_wait3A_48 = arith.constant 0 : i32
      %dma_wait3A_49 = tpu.memref_slice %arg2[%add3A_37, %dma_wait3A_48] : memref<131072x128xf32, #tpu.memory_space<hbm>> -> memref<256x128xf32, #tpu.memory_space<hbm>>
      %dma_wait3A_50 = arith.constant 0 : i32
      %dma_wait3A_51 = tpu.memref_slice %arg2[%add3A_37, %dma_wait3A_50] : memref<131072x128xf32, #tpu.memory_space<hbm>> -> memref<256x128xf32, #tpu.memory_space<hbm>>
      tpu.wait_dma2 semaphore(%arg9 : memref<!tpu.dma_semaphore, #tpu.memory_space<semaphore_mem>>) src(%dma_wait3A_51 : memref<256x128xf32, #tpu.memory_space<hbm>>) dst(%arg6 : memref<256x128xf32, #tpu.memory_space<vmem>>)
      %mul3A_52 = arith.constant 4 : i32
      %mul3A_53 = arith.muli %mul3A_52, %scan3A_31 : i32
      %add3A_54 = arith.constant 0 : i32
      %add3A_55 = arith.addi %mul3A_53, %add3A_54 : i32
      %dma_start3A_56 = arith.constant 0 : i32
      %dma_start3A_57 = arith.constant 0 : i32
      %dma_start3A_58 = tpu.memref_slice %arg6[%dma_start3A_56, %dma_start3A_57] : memref<256x128xf32, #tpu.memory_space<vmem>> -> memref<128x128xf32, #tpu.memory_space<vmem>>
      %dma_start3A_59 = arith.constant 0 : i32
      %dma_start3A_60 = tpu.memref_slice %arg5[%add3A_55, %dma_start3A_59] : memref<32x128xi32, #tpu.memory_space<vmem>> -> memref<1x128xi32, #tpu.memory_space<vmem>>
      %dma_start3A_61 = tpu.memref_squeeze %dma_start3A_60 : memref<1x128xi32, #tpu.memory_space<vmem>> -> memref<128xi32, #tpu.memory_space<vmem>>
      %dma_start3A_62 = arith.constant 0 : i32
      %dma_start3A_63 = arith.constant 0 : i32
      %dma_start3A_64 = tpu.memref_slice %arg4[%dma_start3A_62, %dma_start3A_63] : memref<131072x128xf32, #tpu.memory_space<hbm>> -> memref<131072x128xf32, #tpu.memory_space<hbm>>
      tpu.enqueue_indirect_dma source(%dma_start3A_58 : memref<128x128xf32, #tpu.memory_space<vmem>>) target(%dma_start3A_64 : memref<131072x128xf32, #tpu.memory_space<hbm>>) offsets(%dma_start3A_61 : memref<128xi32, #tpu.memory_space<vmem>>) semaphore(%arg10 : memref<!tpu.dma_semaphore, #tpu.memory_space<semaphore_mem>>)
      %mul3A_65 = arith.constant 4 : i32
      %mul3A_66 = arith.muli %mul3A_65, %scan3A_31 : i32
      %add3A_67 = arith.constant 1 : i32
      %add3A_68 = arith.addi %mul3A_66, %add3A_67 : i32
      %dma_start3A_69 = arith.constant 128 : i32
      %dma_start3A_70 = arith.constant 0 : i32
      %dma_start3A_71 = tpu.memref_slice %arg6[%dma_start3A_69, %dma_start3A_70] : memref<256x128xf32, #tpu.memory_space<vmem>> -> memref<128x128xf32, #tpu.memory_space<vmem>>
      %dma_start3A_72 = arith.constant 0 : i32
      %dma_start3A_73 = tpu.memref_slice %arg5[%add3A_68, %dma_start3A_72] : memref<32x128xi32, #tpu.memory_space<vmem>> -> memref<1x128xi32, #tpu.memory_space<vmem>>
      %dma_start3A_74 = tpu.memref_squeeze %dma_start3A_73 : memref<1x128xi32, #tpu.memory_space<vmem>> -> memref<128xi32, #tpu.memory_space<vmem>>
      %dma_start3A_75 = arith.constant 0 : i32
      %dma_start3A_76 = arith.constant 0 : i32
      %dma_start3A_77 = tpu.memref_slice %arg4[%dma_start3A_75, %dma_start3A_76] : memref<131072x128xf32, #tpu.memory_space<hbm>> -> memref<131072x128xf32, #tpu.memory_space<hbm>>
      tpu.enqueue_indirect_dma source(%dma_start3A_71 : memref<128x128xf32, #tpu.memory_space<vmem>>) target(%dma_start3A_77 : memref<131072x128xf32, #tpu.memory_space<hbm>>) offsets(%dma_start3A_74 : memref<128xi32, #tpu.memory_space<vmem>>) semaphore(%arg10 : memref<!tpu.dma_semaphore, #tpu.memory_space<semaphore_mem>>)
      %dma_wait3A_78 = arith.constant 0 : i32
      %dma_wait3A_79 = tpu.memref_slice %arg2[%add3A_39, %dma_wait3A_78] : memref<131072x128xf32, #tpu.memory_space<hbm>> -> memref<256x128xf32, #tpu.memory_space<hbm>>
      %dma_wait3A_80 = arith.constant 0 : i32
      %dma_wait3A_81 = tpu.memref_slice %arg2[%add3A_39, %dma_wait3A_80] : memref<131072x128xf32, #tpu.memory_space<hbm>> -> memref<256x128xf32, #tpu.memory_space<hbm>>
      tpu.wait_dma2 semaphore(%arg9 : memref<!tpu.dma_semaphore, #tpu.memory_space<semaphore_mem>>) src(%dma_wait3A_81 : memref<256x128xf32, #tpu.memory_space<hbm>>) dst(%arg7 : memref<256x128xf32, #tpu.memory_space<vmem>>)
      %mul3A_82 = arith.constant 4 : i32
      %mul3A_83 = arith.muli %mul3A_82, %scan3A_31 : i32
      %add3A_84 = arith.constant 2 : i32
      %add3A_85 = arith.addi %mul3A_83, %add3A_84 : i32
      %add3A_86 = arith.constant 0 : i32
      %add3A_87 = arith.addi %add3A_85, %add3A_86 : i32
      %dma_start3A_88 = arith.constant 0 : i32
      %dma_start3A_89 = arith.constant 0 : i32
      %dma_start3A_90 = tpu.memref_slice %arg7[%dma_start3A_88, %dma_start3A_89] : memref<256x128xf32, #tpu.memory_space<vmem>> -> memref<128x128xf32, #tpu.memory_space<vmem>>
      %dma_start3A_91 = arith.constant 0 : i32
      %dma_start3A_92 = tpu.memref_slice %arg5[%add3A_87, %dma_start3A_91] : memref<32x128xi32, #tpu.memory_space<vmem>> -> memref<1x128xi32, #tpu.memory_space<vmem>>
      %dma_start3A_93 = tpu.memref_squeeze %dma_start3A_92 : memref<1x128xi32, #tpu.memory_space<vmem>> -> memref<128xi32, #tpu.memory_space<vmem>>
      %dma_start3A_94 = arith.constant 0 : i32
      %dma_start3A_95 = arith.constant 0 : i32
      %dma_start3A_96 = tpu.memref_slice %arg4[%dma_start3A_94, %dma_start3A_95] : memref<131072x128xf32, #tpu.memory_space<hbm>> -> memref<131072x128xf32, #tpu.memory_space<hbm>>
      tpu.enqueue_indirect_dma source(%dma_start3A_90 : memref<128x128xf32, #tpu.memory_space<vmem>>) target(%dma_start3A_96 : memref<131072x128xf32, #tpu.memory_space<hbm>>) offsets(%dma_start3A_93 : memref<128xi32, #tpu.memory_space<vmem>>) semaphore(%arg10 : memref<!tpu.dma_semaphore, #tpu.memory_space<semaphore_mem>>)
      %mul3A_97 = arith.constant 4 : i32
      %mul3A_98 = arith.muli %mul3A_97, %scan3A_31 : i32
      %add3A_99 = arith.constant 2 : i32
      %add3A_100 = arith.addi %mul3A_98, %add3A_99 : i32
      %add3A_101 = arith.constant 1 : i32
      %add3A_102 = arith.addi %add3A_100, %add3A_101 : i32
      %dma_start3A_103 = arith.constant 128 : i32
      %dma_start3A_104 = arith.constant 0 : i32
      %dma_start3A_105 = tpu.memref_slice %arg7[%dma_start3A_103, %dma_start3A_104] : memref<256x128xf32, #tpu.memory_space<vmem>> -> memref<128x128xf32, #tpu.memory_space<vmem>>
      %dma_start3A_106 = arith.constant 0 : i32
      %dma_start3A_107 = tpu.memref_slice %arg5[%add3A_102, %dma_start3A_106] : memref<32x128xi32, #tpu.memory_space<vmem>> -> memref<1x128xi32, #tpu.memory_space<vmem>>
      %dma_start3A_108 = tpu.memref_squeeze %dma_start3A_107 : memref<1x128xi32, #tpu.memory_space<vmem>> -> memref<128xi32, #tpu.memory_space<vmem>>
      %dma_start3A_109 = arith.constant 0 : i32
      %dma_start3A_110 = arith.constant 0 : i32
      %dma_start3A_111 = tpu.memref_slice %arg4[%dma_start3A_109, %dma_start3A_110] : memref<131072x128xf32, #tpu.memory_space<hbm>> -> memref<131072x128xf32, #tpu.memory_space<hbm>>
      tpu.enqueue_indirect_dma source(%dma_start3A_105 : memref<128x128xf32, #tpu.memory_space<vmem>>) target(%dma_start3A_111 : memref<131072x128xf32, #tpu.memory_space<hbm>>) offsets(%dma_start3A_108 : memref<128xi32, #tpu.memory_space<vmem>>) semaphore(%arg10 : memref<!tpu.dma_semaphore, #tpu.memory_space<semaphore_mem>>)
      %dma_wait3A_112 = arith.constant 0 : i32
      %dma_wait3A_113 = arith.constant 0 : i32
      %dma_wait3A_114 = tpu.memref_slice %arg6[%dma_wait3A_112, %dma_wait3A_113] : memref<256x128xf32, #tpu.memory_space<vmem>> -> memref<128x128xf32, #tpu.memory_space<vmem>>
      %dma_wait3A_115 = arith.constant 0 : i32
      %dma_wait3A_116 = tpu.memref_slice %arg5[%add3A_55, %dma_wait3A_115] : memref<32x128xi32, #tpu.memory_space<vmem>> -> memref<1x128xi32, #tpu.memory_space<vmem>>
      %dma_wait3A_117 = tpu.memref_squeeze %dma_wait3A_116 : memref<1x128xi32, #tpu.memory_space<vmem>> -> memref<128xi32, #tpu.memory_space<vmem>>
      %dma_wait3A_118 = arith.constant 0 : i32
      %dma_wait3A_119 = arith.constant 0 : i32
      %dma_wait3A_120 = tpu.memref_slice %arg4[%dma_wait3A_118, %dma_wait3A_119] : memref<131072x128xf32, #tpu.memory_space<hbm>> -> memref<131072x128xf32, #tpu.memory_space<hbm>>
      tpu.wait_indirect_dma semaphore(%arg10 : memref<!tpu.dma_semaphore, #tpu.memory_space<semaphore_mem>>) src(%dma_wait3A_114 : memref<128x128xf32, #tpu.memory_space<vmem>>) dst(%dma_wait3A_120 : memref<131072x128xf32, #tpu.memory_space<hbm>>)
      %dma_wait3A_121 = arith.constant 128 : i32
      %dma_wait3A_122 = arith.constant 0 : i32
      %dma_wait3A_123 = tpu.memref_slice %arg6[%dma_wait3A_121, %dma_wait3A_122] : memref<256x128xf32, #tpu.memory_space<vmem>> -> memref<128x128xf32, #tpu.memory_space<vmem>>
      %dma_wait3A_124 = arith.constant 0 : i32
      %dma_wait3A_125 = tpu.memref_slice %arg5[%add3A_68, %dma_wait3A_124] : memref<32x128xi32, #tpu.memory_space<vmem>> -> memref<1x128xi32, #tpu.memory_space<vmem>>
      %dma_wait3A_126 = tpu.memref_squeeze %dma_wait3A_125 : memref<1x128xi32, #tpu.memory_space<vmem>> -> memref<128xi32, #tpu.memory_space<vmem>>
      %dma_wait3A_127 = arith.constant 0 : i32
      %dma_wait3A_128 = arith.constant 0 : i32
      %dma_wait3A_129 = tpu.memref_slice %arg4[%dma_wait3A_127, %dma_wait3A_128] : memref<131072x128xf32, #tpu.memory_space<hbm>> -> memref<131072x128xf32, #tpu.memory_space<hbm>>
      tpu.wait_indirect_dma semaphore(%arg10 : memref<!tpu.dma_semaphore, #tpu.memory_space<semaphore_mem>>) src(%dma_wait3A_123 : memref<128x128xf32, #tpu.memory_space<vmem>>) dst(%dma_wait3A_129 : memref<131072x128xf32, #tpu.memory_space<hbm>>)
      %dma_wait3A_130 = arith.constant 0 : i32
      %dma_wait3A_131 = arith.constant 0 : i32
      %dma_wait3A_132 = tpu.memref_slice %arg7[%dma_wait3A_130, %dma_wait3A_131] : memref<256x128xf32, #tpu.memory_space<vmem>> -> memref<128x128xf32, #tpu.memory_space<vmem>>
      %dma_wait3A_133 = arith.constant 0 : i32
      %dma_wait3A_134 = tpu.memref_slice %arg5[%add3A_87, %dma_wait3A_133] : memref<32x128xi32, #tpu.memory_space<vmem>> -> memref<1x128xi32, #tpu.memory_space<vmem>>
      %dma_wait3A_135 = tpu.memref_squeeze %dma_wait3A_134 : memref<1x128xi32, #tpu.memory_space<vmem>> -> memref<128xi32, #tpu.memory_space<vmem>>
      %dma_wait3A_136 = arith.constant 0 : i32
      %dma_wait3A_137 = arith.constant 0 : i32
      %dma_wait3A_138 = tpu.memref_slice %arg4[%dma_wait3A_136, %dma_wait3A_137] : memref<131072x128xf32, #tpu.memory_space<hbm>> -> memref<131072x128xf32, #tpu.memory_space<hbm>>
      tpu.wait_indirect_dma semaphore(%arg10 : memref<!tpu.dma_semaphore, #tpu.memory_space<semaphore_mem>>) src(%dma_wait3A_132 : memref<128x128xf32, #tpu.memory_space<vmem>>) dst(%dma_wait3A_138 : memref<131072x128xf32, #tpu.memory_space<hbm>>)
      %dma_wait3A_139 = arith.constant 128 : i32
      %dma_wait3A_140 = arith.constant 0 : i32
      %dma_wait3A_141 = tpu.memref_slice %arg7[%dma_wait3A_139, %dma_wait3A_140] : memref<256x128xf32, #tpu.memory_space<vmem>> -> memref<128x128xf32, #tpu.memory_space<vmem>>
      %dma_wait3A_142 = arith.constant 0 : i32
      %dma_wait3A_143 = tpu.memref_slice %arg5[%add3A_102, %dma_wait3A_142] : memref<32x128xi32, #tpu.memory_space<vmem>> -> memref<1x128xi32, #tpu.memory_space<vmem>>
      %dma_wait3A_144 = tpu.memref_squeeze %dma_wait3A_143 : memref<1x128xi32, #tpu.memory_space<vmem>> -> memref<128xi32, #tpu.memory_space<vmem>>
      %dma_wait3A_145 = arith.constant 0 : i32
      %dma_wait3A_146 = arith.constant 0 : i32
      %dma_wait3A_147 = tpu.memref_slice %arg4[%dma_wait3A_145, %dma_wait3A_146] : memref<131072x128xf32, #tpu.memory_space<hbm>> -> memref<131072x128xf32, #tpu.memory_space<hbm>>
      tpu.wait_indirect_dma semaphore(%arg10 : memref<!tpu.dma_semaphore, #tpu.memory_space<semaphore_mem>>) src(%dma_wait3A_141 : memref<128x128xf32, #tpu.memory_space<vmem>>) dst(%dma_wait3A_147 : memref<131072x128xf32, #tpu.memory_space<hbm>>)
      %scan3A_148 = arith.constant 0 : i32
      scf.yield %scan3A_148 : i32
    }
    %scan3A_30 = arith.constant 8 : i32
    return
  }
}

#map = affine_map<(d0, d1) -> (0, 0)>
#map1 = affine_map<(d0, d1) -> (0)>
module attributes {stable_mosaic.version = 14 : i64} {
  func.func @_sc_gather_body(%arg0: i32, %arg1: i32, %arg2: memref<65536x128xf32, #tpu.memory_space<hbm>>, %arg3: memref<65536x128xf32, #tpu.memory_space<hbm>>, %arg4: memref<131072xi32, #tpu.memory_space<hbm>>, %arg5: memref<131072xi32, #tpu.memory_space<hbm>>, %arg6: memref<131072x128xf32, #tpu.memory_space<hbm>>, %arg7: memref<131072x128xf32, #tpu.memory_space<hbm>>, %arg8: memref<4096xi32, #tpu.memory_space<vmem>>, %arg9: memref<4096xi32, #tpu.memory_space<vmem>>, %arg10: memref<128x128xf32, #tpu.memory_space<vmem>>, %arg11: memref<128x128xf32, #tpu.memory_space<vmem>>, %arg12: memref<128x128xf32, #tpu.memory_space<vmem>>, %arg13: memref<128x128xf32, #tpu.memory_space<vmem>>, %arg14: memref<!tpu.dma_semaphore, #tpu.memory_space<semaphore_mem>>, %arg15: memref<!tpu.dma_semaphore, #tpu.memory_space<semaphore_mem>>, %arg16: memref<!tpu.dma_semaphore, #tpu.memory_space<semaphore_mem>>, %arg17: memref<!tpu.dma_semaphore, #tpu.memory_space<semaphore_mem>>, %arg18: memref<!tpu.dma_semaphore, #tpu.memory_space<semaphore_mem>>) attributes {dimension_semantics = [#tpu.dimension_semantics<core_parallel>, #tpu.dimension_semantics<subcore_parallel>], iteration_bounds = array<i64: 2, 16>, scalar_prefetch = 0 : i64, scratch_operands = 11 : i64, tpu.core_type = #tpu.core_type<sc_vector_subcore>, window_params = [{transform_indices = #map}, {transform_indices = #map}, {transform_indices = #map1}, {transform_indices = #map1}, {transform_indices = #map}, {transform_indices = #map}]} {
    %mul3A = arith.constant 2 : i32
    %mul3A_0 = arith.muli %arg1, %mul3A : i32
    %add3A = arith.addi %mul3A_0, %arg0 : i32
    %mul3A_1 = arith.constant 4096 : i32
    %mul3A_2 = arith.muli %add3A, %mul3A_1 : i32
    %dma_start3A = tpu.memref_slice %arg4[%mul3A_2] : memref<131072xi32, #tpu.memory_space<hbm>> -> memref<4096xi32, #tpu.memory_space<hbm>>
    %dma_start3A_3 = tpu.memref_slice %arg4[%mul3A_2] : memref<131072xi32, #tpu.memory_space<hbm>> -> memref<4096xi32, #tpu.memory_space<hbm>>
    tpu.enqueue_dma source(%dma_start3A_3 : memref<4096xi32, #tpu.memory_space<hbm>>) target(%arg8 : memref<4096xi32, #tpu.memory_space<vmem>>) target_semaphore(%arg18 : memref<!tpu.dma_semaphore, #tpu.memory_space<semaphore_mem>>)
    %dma_start3A_4 = tpu.memref_slice %arg5[%mul3A_2] : memref<131072xi32, #tpu.memory_space<hbm>> -> memref<4096xi32, #tpu.memory_space<hbm>>
    %dma_start3A_5 = tpu.memref_slice %arg5[%mul3A_2] : memref<131072xi32, #tpu.memory_space<hbm>> -> memref<4096xi32, #tpu.memory_space<hbm>>
    tpu.enqueue_dma source(%dma_start3A_5 : memref<4096xi32, #tpu.memory_space<hbm>>) target(%arg9 : memref<4096xi32, #tpu.memory_space<vmem>>) target_semaphore(%arg18 : memref<!tpu.dma_semaphore, #tpu.memory_space<semaphore_mem>>)
    %dma_wait3A = tpu.memref_slice %arg5[%mul3A_2] : memref<131072xi32, #tpu.memory_space<hbm>> -> memref<4096xi32, #tpu.memory_space<hbm>>
    %dma_wait3A_6 = tpu.memref_slice %arg5[%mul3A_2] : memref<131072xi32, #tpu.memory_space<hbm>> -> memref<4096xi32, #tpu.memory_space<hbm>>
    tpu.wait_dma2 semaphore(%arg18 : memref<!tpu.dma_semaphore, #tpu.memory_space<semaphore_mem>>) src(%dma_wait3A_6 : memref<4096xi32, #tpu.memory_space<hbm>>) dst(%arg9 : memref<4096xi32, #tpu.memory_space<vmem>>)
    %dma_wait3A_7 = tpu.memref_slice %arg4[%mul3A_2] : memref<131072xi32, #tpu.memory_space<hbm>> -> memref<4096xi32, #tpu.memory_space<hbm>>
    %dma_wait3A_8 = tpu.memref_slice %arg4[%mul3A_2] : memref<131072xi32, #tpu.memory_space<hbm>> -> memref<4096xi32, #tpu.memory_space<hbm>>
    tpu.wait_dma2 semaphore(%arg18 : memref<!tpu.dma_semaphore, #tpu.memory_space<semaphore_mem>>) src(%dma_wait3A_8 : memref<4096xi32, #tpu.memory_space<hbm>>) dst(%arg8 : memref<4096xi32, #tpu.memory_space<vmem>>)
    %scan3A = arith.constant 0 : i32
    %scan3A_9 = arith.constant 0 : i32
    %scan3A_10 = arith.constant 16 : i32
    %scan3A_11 = arith.addi %scan3A_9, %scan3A_10 : i32
    %scan3A_12 = arith.constant 1 : i32
    %scan3A_13 = scf.for %scan3A_15 = %scan3A_9 to %scan3A_11 step %scan3A_12 iter_args(%scan3A_16 = %scan3A) -> (i32)  : i32 {
      %mul3A_17 = arith.constant 2 : i32
      %mul3A_18 = arith.muli %mul3A_17, %scan3A_15 : i32
      %mul3A_19 = arith.constant 128 : i32
      %mul3A_20 = arith.muli %mul3A_18, %mul3A_19 : i32
      %add3A_21 = arith.addi %mul3A_2, %mul3A_20 : i32
      %add3A_22 = arith.constant 128 : i32
      %add3A_23 = arith.addi %add3A_21, %add3A_22 : i32
      %mul3A_24 = arith.constant 2 : i32
      %mul3A_25 = arith.muli %mul3A_24, %scan3A_15 : i32
      %mul3A_26 = arith.constant 128 : i32
      %mul3A_27 = arith.muli %mul3A_25, %mul3A_26 : i32
      %add3A_28 = arith.constant 128 : i32
      %add3A_29 = arith.addi %mul3A_27, %add3A_28 : i32
      %dma_start3A_30 = tpu.memref_slice %arg8[%mul3A_27] : memref<4096xi32, #tpu.memory_space<vmem>> -> memref<128xi32, #tpu.memory_space<vmem>>
      %dma_start3A_31 = arith.constant 0 : i32
      %dma_start3A_32 = arith.constant 0 : i32
      %dma_start3A_33 = tpu.memref_slice %arg2[%dma_start3A_31, %dma_start3A_32] : memref<65536x128xf32, #tpu.memory_space<hbm>> -> memref<65536x128xf32, #tpu.memory_space<hbm>>
      tpu.enqueue_indirect_dma source(%dma_start3A_33 : memref<65536x128xf32, #tpu.memory_space<hbm>>) target(%arg10 : memref<128x128xf32, #tpu.memory_space<vmem>>) offsets(%dma_start3A_30 : memref<128xi32, #tpu.memory_space<vmem>>) semaphore(%arg14 : memref<!tpu.dma_semaphore, #tpu.memory_space<semaphore_mem>>)
      %dma_start3A_34 = tpu.memref_slice %arg9[%mul3A_27] : memref<4096xi32, #tpu.memory_space<vmem>> -> memref<128xi32, #tpu.memory_space<vmem>>
      %dma_start3A_35 = arith.constant 0 : i32
      %dma_start3A_36 = arith.constant 0 : i32
      %dma_start3A_37 = tpu.memref_slice %arg3[%dma_start3A_35, %dma_start3A_36] : memref<65536x128xf32, #tpu.memory_space<hbm>> -> memref<65536x128xf32, #tpu.memory_space<hbm>>
      tpu.enqueue_indirect_dma source(%dma_start3A_37 : memref<65536x128xf32, #tpu.memory_space<hbm>>) target(%arg11 : memref<128x128xf32, #tpu.memory_space<vmem>>) offsets(%dma_start3A_34 : memref<128xi32, #tpu.memory_space<vmem>>) semaphore(%arg15 : memref<!tpu.dma_semaphore, #tpu.memory_space<semaphore_mem>>)
      %dma_start3A_38 = tpu.memref_slice %arg8[%add3A_29] : memref<4096xi32, #tpu.memory_space<vmem>> -> memref<128xi32, #tpu.memory_space<vmem>>
      %dma_start3A_39 = arith.constant 0 : i32
      %dma_start3A_40 = arith.constant 0 : i32
      %dma_start3A_41 = tpu.memref_slice %arg2[%dma_start3A_39, %dma_start3A_40] : memref<65536x128xf32, #tpu.memory_space<hbm>> -> memref<65536x128xf32, #tpu.memory_space<hbm>>
      tpu.enqueue_indirect_dma source(%dma_start3A_41 : memref<65536x128xf32, #tpu.memory_space<hbm>>) target(%arg12 : memref<128x128xf32, #tpu.memory_space<vmem>>) offsets(%dma_start3A_38 : memref<128xi32, #tpu.memory_space<vmem>>) semaphore(%arg14 : memref<!tpu.dma_semaphore, #tpu.memory_space<semaphore_mem>>)
      %dma_start3A_42 = tpu.memref_slice %arg9[%add3A_29] : memref<4096xi32, #tpu.memory_space<vmem>> -> memref<128xi32, #tpu.memory_space<vmem>>
      %dma_start3A_43 = arith.constant 0 : i32
      %dma_start3A_44 = arith.constant 0 : i32
      %dma_start3A_45 = tpu.memref_slice %arg3[%dma_start3A_43, %dma_start3A_44] : memref<65536x128xf32, #tpu.memory_space<hbm>> -> memref<65536x128xf32, #tpu.memory_space<hbm>>
      tpu.enqueue_indirect_dma source(%dma_start3A_45 : memref<65536x128xf32, #tpu.memory_space<hbm>>) target(%arg13 : memref<128x128xf32, #tpu.memory_space<vmem>>) offsets(%dma_start3A_42 : memref<128xi32, #tpu.memory_space<vmem>>) semaphore(%arg15 : memref<!tpu.dma_semaphore, #tpu.memory_space<semaphore_mem>>)
      %dma_wait3A_46 = tpu.memref_slice %arg8[%mul3A_27] : memref<4096xi32, #tpu.memory_space<vmem>> -> memref<128xi32, #tpu.memory_space<vmem>>
      %dma_wait3A_47 = arith.constant 0 : i32
      %dma_wait3A_48 = arith.constant 0 : i32
      %dma_wait3A_49 = tpu.memref_slice %arg2[%dma_wait3A_47, %dma_wait3A_48] : memref<65536x128xf32, #tpu.memory_space<hbm>> -> memref<65536x128xf32, #tpu.memory_space<hbm>>
      tpu.wait_indirect_dma semaphore(%arg14 : memref<!tpu.dma_semaphore, #tpu.memory_space<semaphore_mem>>) src(%dma_wait3A_49 : memref<65536x128xf32, #tpu.memory_space<hbm>>) dst(%arg10 : memref<128x128xf32, #tpu.memory_space<vmem>>)
      %dma_start3A_50 = arith.constant 0 : i32
      %dma_start3A_51 = tpu.memref_slice %arg6[%add3A_21, %dma_start3A_50] : memref<131072x128xf32, #tpu.memory_space<hbm>> -> memref<128x128xf32, #tpu.memory_space<hbm>>
      %dma_start3A_52 = arith.constant 0 : i32
      %dma_start3A_53 = tpu.memref_slice %arg6[%add3A_21, %dma_start3A_52] : memref<131072x128xf32, #tpu.memory_space<hbm>> -> memref<128x128xf32, #tpu.memory_space<hbm>>
      tpu.enqueue_dma source(%arg10 : memref<128x128xf32, #tpu.memory_space<vmem>>) target(%dma_start3A_53 : memref<128x128xf32, #tpu.memory_space<hbm>>) target_semaphore(%arg16 : memref<!tpu.dma_semaphore, #tpu.memory_space<semaphore_mem>>)
      %dma_wait3A_54 = tpu.memref_slice %arg9[%mul3A_27] : memref<4096xi32, #tpu.memory_space<vmem>> -> memref<128xi32, #tpu.memory_space<vmem>>
      %dma_wait3A_55 = arith.constant 0 : i32
      %dma_wait3A_56 = arith.constant 0 : i32
      %dma_wait3A_57 = tpu.memref_slice %arg3[%dma_wait3A_55, %dma_wait3A_56] : memref<65536x128xf32, #tpu.memory_space<hbm>> -> memref<65536x128xf32, #tpu.memory_space<hbm>>
      tpu.wait_indirect_dma semaphore(%arg15 : memref<!tpu.dma_semaphore, #tpu.memory_space<semaphore_mem>>) src(%dma_wait3A_57 : memref<65536x128xf32, #tpu.memory_space<hbm>>) dst(%arg11 : memref<128x128xf32, #tpu.memory_space<vmem>>)
      %dma_start3A_58 = arith.constant 0 : i32
      %dma_start3A_59 = tpu.memref_slice %arg7[%add3A_21, %dma_start3A_58] : memref<131072x128xf32, #tpu.memory_space<hbm>> -> memref<128x128xf32, #tpu.memory_space<hbm>>
      %dma_start3A_60 = arith.constant 0 : i32
      %dma_start3A_61 = tpu.memref_slice %arg7[%add3A_21, %dma_start3A_60] : memref<131072x128xf32, #tpu.memory_space<hbm>> -> memref<128x128xf32, #tpu.memory_space<hbm>>
      tpu.enqueue_dma source(%arg11 : memref<128x128xf32, #tpu.memory_space<vmem>>) target(%dma_start3A_61 : memref<128x128xf32, #tpu.memory_space<hbm>>) target_semaphore(%arg17 : memref<!tpu.dma_semaphore, #tpu.memory_space<semaphore_mem>>)
      %dma_wait3A_62 = tpu.memref_slice %arg8[%add3A_29] : memref<4096xi32, #tpu.memory_space<vmem>> -> memref<128xi32, #tpu.memory_space<vmem>>
      %dma_wait3A_63 = arith.constant 0 : i32
      %dma_wait3A_64 = arith.constant 0 : i32
      %dma_wait3A_65 = tpu.memref_slice %arg2[%dma_wait3A_63, %dma_wait3A_64] : memref<65536x128xf32, #tpu.memory_space<hbm>> -> memref<65536x128xf32, #tpu.memory_space<hbm>>
      tpu.wait_indirect_dma semaphore(%arg14 : memref<!tpu.dma_semaphore, #tpu.memory_space<semaphore_mem>>) src(%dma_wait3A_65 : memref<65536x128xf32, #tpu.memory_space<hbm>>) dst(%arg12 : memref<128x128xf32, #tpu.memory_space<vmem>>)
      %dma_start3A_66 = arith.constant 0 : i32
      %dma_start3A_67 = tpu.memref_slice %arg6[%add3A_23, %dma_start3A_66] : memref<131072x128xf32, #tpu.memory_space<hbm>> -> memref<128x128xf32, #tpu.memory_space<hbm>>
      %dma_start3A_68 = arith.constant 0 : i32
      %dma_start3A_69 = tpu.memref_slice %arg6[%add3A_23, %dma_start3A_68] : memref<131072x128xf32, #tpu.memory_space<hbm>> -> memref<128x128xf32, #tpu.memory_space<hbm>>
      tpu.enqueue_dma source(%arg12 : memref<128x128xf32, #tpu.memory_space<vmem>>) target(%dma_start3A_69 : memref<128x128xf32, #tpu.memory_space<hbm>>) target_semaphore(%arg16 : memref<!tpu.dma_semaphore, #tpu.memory_space<semaphore_mem>>)
      %dma_wait3A_70 = tpu.memref_slice %arg9[%add3A_29] : memref<4096xi32, #tpu.memory_space<vmem>> -> memref<128xi32, #tpu.memory_space<vmem>>
      %dma_wait3A_71 = arith.constant 0 : i32
      %dma_wait3A_72 = arith.constant 0 : i32
      %dma_wait3A_73 = tpu.memref_slice %arg3[%dma_wait3A_71, %dma_wait3A_72] : memref<65536x128xf32, #tpu.memory_space<hbm>> -> memref<65536x128xf32, #tpu.memory_space<hbm>>
      tpu.wait_indirect_dma semaphore(%arg15 : memref<!tpu.dma_semaphore, #tpu.memory_space<semaphore_mem>>) src(%dma_wait3A_73 : memref<65536x128xf32, #tpu.memory_space<hbm>>) dst(%arg13 : memref<128x128xf32, #tpu.memory_space<vmem>>)
      %dma_start3A_74 = arith.constant 0 : i32
      %dma_start3A_75 = tpu.memref_slice %arg7[%add3A_23, %dma_start3A_74] : memref<131072x128xf32, #tpu.memory_space<hbm>> -> memref<128x128xf32, #tpu.memory_space<hbm>>
      %dma_start3A_76 = arith.constant 0 : i32
      %dma_start3A_77 = tpu.memref_slice %arg7[%add3A_23, %dma_start3A_76] : memref<131072x128xf32, #tpu.memory_space<hbm>> -> memref<128x128xf32, #tpu.memory_space<hbm>>
      tpu.enqueue_dma source(%arg13 : memref<128x128xf32, #tpu.memory_space<vmem>>) target(%dma_start3A_77 : memref<128x128xf32, #tpu.memory_space<hbm>>) target_semaphore(%arg17 : memref<!tpu.dma_semaphore, #tpu.memory_space<semaphore_mem>>)
      %dma_wait3A_78 = arith.constant 0 : i32
      %dma_wait3A_79 = tpu.memref_slice %arg6[%add3A_21, %dma_wait3A_78] : memref<131072x128xf32, #tpu.memory_space<hbm>> -> memref<128x128xf32, #tpu.memory_space<hbm>>
      %dma_wait3A_80 = arith.constant 0 : i32
      %dma_wait3A_81 = tpu.memref_slice %arg6[%add3A_21, %dma_wait3A_80] : memref<131072x128xf32, #tpu.memory_space<hbm>> -> memref<128x128xf32, #tpu.memory_space<hbm>>
      tpu.wait_dma2 semaphore(%arg16 : memref<!tpu.dma_semaphore, #tpu.memory_space<semaphore_mem>>) src(%arg10 : memref<128x128xf32, #tpu.memory_space<vmem>>) dst(%dma_wait3A_81 : memref<128x128xf32, #tpu.memory_space<hbm>>)
      %dma_wait3A_82 = arith.constant 0 : i32
      %dma_wait3A_83 = tpu.memref_slice %arg7[%add3A_21, %dma_wait3A_82] : memref<131072x128xf32, #tpu.memory_space<hbm>> -> memref<128x128xf32, #tpu.memory_space<hbm>>
      %dma_wait3A_84 = arith.constant 0 : i32
      %dma_wait3A_85 = tpu.memref_slice %arg7[%add3A_21, %dma_wait3A_84] : memref<131072x128xf32, #tpu.memory_space<hbm>> -> memref<128x128xf32, #tpu.memory_space<hbm>>
      tpu.wait_dma2 semaphore(%arg17 : memref<!tpu.dma_semaphore, #tpu.memory_space<semaphore_mem>>) src(%arg11 : memref<128x128xf32, #tpu.memory_space<vmem>>) dst(%dma_wait3A_85 : memref<128x128xf32, #tpu.memory_space<hbm>>)
      %dma_wait3A_86 = arith.constant 0 : i32
      %dma_wait3A_87 = tpu.memref_slice %arg6[%add3A_23, %dma_wait3A_86] : memref<131072x128xf32, #tpu.memory_space<hbm>> -> memref<128x128xf32, #tpu.memory_space<hbm>>
      %dma_wait3A_88 = arith.constant 0 : i32
      %dma_wait3A_89 = tpu.memref_slice %arg6[%add3A_23, %dma_wait3A_88] : memref<131072x128xf32, #tpu.memory_space<hbm>> -> memref<128x128xf32, #tpu.memory_space<hbm>>
      tpu.wait_dma2 semaphore(%arg16 : memref<!tpu.dma_semaphore, #tpu.memory_space<semaphore_mem>>) src(%arg12 : memref<128x128xf32, #tpu.memory_space<vmem>>) dst(%dma_wait3A_89 : memref<128x128xf32, #tpu.memory_space<hbm>>)
      %dma_wait3A_90 = arith.constant 0 : i32
      %dma_wait3A_91 = tpu.memref_slice %arg7[%add3A_23, %dma_wait3A_90] : memref<131072x128xf32, #tpu.memory_space<hbm>> -> memref<128x128xf32, #tpu.memory_space<hbm>>
      %dma_wait3A_92 = arith.constant 0 : i32
      %dma_wait3A_93 = tpu.memref_slice %arg7[%add3A_23, %dma_wait3A_92] : memref<131072x128xf32, #tpu.memory_space<hbm>> -> memref<128x128xf32, #tpu.memory_space<hbm>>
      tpu.wait_dma2 semaphore(%arg17 : memref<!tpu.dma_semaphore, #tpu.memory_space<semaphore_mem>>) src(%arg13 : memref<128x128xf32, #tpu.memory_space<vmem>>) dst(%dma_wait3A_93 : memref<128x128xf32, #tpu.memory_space<hbm>>)
      %scan3A_94 = arith.constant 0 : i32
      scf.yield %scan3A_94 : i32
    }
    %scan3A_14 = arith.constant 16 : i32
    return
  }
}

#map = affine_map<(d0, d1) -> (0, 0)>
module attributes {stable_mosaic.version = 14 : i64} {
  func.func @_sc_scatter_body(%arg0: i32, %arg1: i32, %arg2: memref<131072x128xf32, #tpu.memory_space<hbm>>, %arg3: memref<1024x128xi32, #tpu.memory_space<hbm>>, %arg4: memref<131072x128xf32, #tpu.memory_space<hbm>>, %arg5: memref<32x128xi32, #tpu.memory_space<vmem>>, %arg6: memref<256x128xf32, #tpu.memory_space<vmem>>, %arg7: memref<256x128xf32, #tpu.memory_space<vmem>>, %arg8: memref<!tpu.dma_semaphore, #tpu.memory_space<semaphore_mem>>, %arg9: memref<!tpu.dma_semaphore, #tpu.memory_space<semaphore_mem>>, %arg10: memref<!tpu.dma_semaphore, #tpu.memory_space<semaphore_mem>>) attributes {dimension_semantics = [#tpu.dimension_semantics<core_parallel>, #tpu.dimension_semantics<subcore_parallel>], iteration_bounds = array<i64: 2, 16>, scalar_prefetch = 0 : i64, scratch_operands = 6 : i64, tpu.core_type = #tpu.core_type<sc_vector_subcore>, window_params = [{transform_indices = #map}, {transform_indices = #map}, {transform_indices = #map}]} {
    %mul3A = arith.constant 2 : i32
    %mul3A_0 = arith.muli %arg1, %mul3A : i32
    %add3A = arith.addi %mul3A_0, %arg0 : i32
    %mul3A_1 = arith.constant 4096 : i32
    %mul3A_2 = arith.muli %add3A, %mul3A_1 : i32
    %jit3A = arith.constant 128 : i32
    %div3A = arith.divsi %mul3A_2, %jit3A : i32
    %sign3A = arith.constant 0 : i32
    %sign3A_3 = arith.cmpi sgt, %mul3A_2, %sign3A : i32
    %sign3A_4 = arith.extui %sign3A_3 : i1 to i32
    %sign3A_5 = arith.constant 0 : i32
    %sign3A_6 = arith.cmpi slt, %mul3A_2, %sign3A_5 : i32
    %sign3A_7 = arith.extui %sign3A_6 : i1 to i32
    %sign3A_8 = arith.subi %sign3A_4, %sign3A_7 : i32
    %sign3A_9 = arith.constant 0 : i32
    %sign3A_10 = arith.cmpi sgt, %jit3A, %sign3A_9 : i32
    %sign3A_11 = arith.extui %sign3A_10 : i1 to i32
    %sign3A_12 = arith.constant 0 : i32
    %sign3A_13 = arith.cmpi slt, %jit3A, %sign3A_12 : i32
    %sign3A_14 = arith.extui %sign3A_13 : i1 to i32
    %sign3A_15 = arith.subi %sign3A_11, %sign3A_14 : i32
    %ne3A = arith.cmpi ne, %sign3A_8, %sign3A_15 : i32
    %rem3A = arith.remsi %mul3A_2, %jit3A : i32
    %ne3A_16 = arith.constant 0 : i32
    %ne3A_17 = arith.cmpi ne, %rem3A, %ne3A_16 : i32
    %and3A = arith.andi %ne3A, %ne3A_17 : i1
    %sub3A = arith.constant 1 : i32
    %sub3A_18 = arith.subi %div3A, %sub3A : i32
    %select_n3A = arith.select %and3A, %sub3A_18, %div3A : i32
    %dma_start3A = arith.constant 0 : i32
    %dma_start3A_19 = tpu.memref_slice %arg3[%select_n3A, %dma_start3A] : memref<1024x128xi32, #tpu.memory_space<hbm>> -> memref<32x128xi32, #tpu.memory_space<hbm>>
    %dma_start3A_20 = arith.constant 0 : i32
    %dma_start3A_21 = tpu.memref_slice %arg3[%select_n3A, %dma_start3A_20] : memref<1024x128xi32, #tpu.memory_space<hbm>> -> memref<32x128xi32, #tpu.memory_space<hbm>>
    tpu.enqueue_dma source(%dma_start3A_21 : memref<32x128xi32, #tpu.memory_space<hbm>>) target(%arg5 : memref<32x128xi32, #tpu.memory_space<vmem>>) target_semaphore(%arg8 : memref<!tpu.dma_semaphore, #tpu.memory_space<semaphore_mem>>)
    %dma_wait3A = arith.constant 0 : i32
    %dma_wait3A_22 = tpu.memref_slice %arg3[%select_n3A, %dma_wait3A] : memref<1024x128xi32, #tpu.memory_space<hbm>> -> memref<32x128xi32, #tpu.memory_space<hbm>>
    %dma_wait3A_23 = arith.constant 0 : i32
    %dma_wait3A_24 = tpu.memref_slice %arg3[%select_n3A, %dma_wait3A_23] : memref<1024x128xi32, #tpu.memory_space<hbm>> -> memref<32x128xi32, #tpu.memory_space<hbm>>
    tpu.wait_dma2 semaphore(%arg8 : memref<!tpu.dma_semaphore, #tpu.memory_space<semaphore_mem>>) src(%dma_wait3A_24 : memref<32x128xi32, #tpu.memory_space<hbm>>) dst(%arg5 : memref<32x128xi32, #tpu.memory_space<vmem>>)
    %scan3A = arith.constant 0 : i32
    %scan3A_25 = arith.constant 0 : i32
    %scan3A_26 = arith.constant 8 : i32
    %scan3A_27 = arith.addi %scan3A_25, %scan3A_26 : i32
    %scan3A_28 = arith.constant 1 : i32
    %scan3A_29 = scf.for %scan3A_31 = %scan3A_25 to %scan3A_27 step %scan3A_28 iter_args(%scan3A_32 = %scan3A) -> (i32)  : i32 {
      %mul3A_33 = arith.constant 2 : i32
      %mul3A_34 = arith.muli %mul3A_33, %scan3A_31 : i32
      %mul3A_35 = arith.constant 256 : i32
      %mul3A_36 = arith.muli %mul3A_34, %mul3A_35 : i32
      %add3A_37 = arith.addi %mul3A_2, %mul3A_36 : i32
      %add3A_38 = arith.constant 256 : i32
      %add3A_39 = arith.addi %add3A_37, %add3A_38 : i32
      %dma_start3A_40 = arith.constant 0 : i32
      %dma_start3A_41 = tpu.memref_slice %arg2[%add3A_37, %dma_start3A_40] : memref<131072x128xf32, #tpu.memory_space<hbm>> -> memref<256x128xf32, #tpu.memory_space<hbm>>
      %dma_start3A_42 = arith.constant 0 : i32
      %dma_start3A_43 = tpu.memref_slice %arg2[%add3A_37, %dma_start3A_42] : memref<131072x128xf32, #tpu.memory_space<hbm>> -> memref<256x128xf32, #tpu.memory_space<hbm>>
      tpu.enqueue_dma source(%dma_start3A_43 : memref<256x128xf32, #tpu.memory_space<hbm>>) target(%arg6 : memref<256x128xf32, #tpu.memory_space<vmem>>) target_semaphore(%arg9 : memref<!tpu.dma_semaphore, #tpu.memory_space<semaphore_mem>>)
      %dma_start3A_44 = arith.constant 0 : i32
      %dma_start3A_45 = tpu.memref_slice %arg2[%add3A_39, %dma_start3A_44] : memref<131072x128xf32, #tpu.memory_space<hbm>> -> memref<256x128xf32, #tpu.memory_space<hbm>>
      %dma_start3A_46 = arith.constant 0 : i32
      %dma_start3A_47 = tpu.memref_slice %arg2[%add3A_39, %dma_start3A_46] : memref<131072x128xf32, #tpu.memory_space<hbm>> -> memref<256x128xf32, #tpu.memory_space<hbm>>
      tpu.enqueue_dma source(%dma_start3A_47 : memref<256x128xf32, #tpu.memory_space<hbm>>) target(%arg7 : memref<256x128xf32, #tpu.memory_space<vmem>>) target_semaphore(%arg9 : memref<!tpu.dma_semaphore, #tpu.memory_space<semaphore_mem>>)
      %dma_wait3A_48 = arith.constant 0 : i32
      %dma_wait3A_49 = tpu.memref_slice %arg2[%add3A_37, %dma_wait3A_48] : memref<131072x128xf32, #tpu.memory_space<hbm>> -> memref<256x128xf32, #tpu.memory_space<hbm>>
      %dma_wait3A_50 = arith.constant 0 : i32
      %dma_wait3A_51 = tpu.memref_slice %arg2[%add3A_37, %dma_wait3A_50] : memref<131072x128xf32, #tpu.memory_space<hbm>> -> memref<256x128xf32, #tpu.memory_space<hbm>>
      tpu.wait_dma2 semaphore(%arg9 : memref<!tpu.dma_semaphore, #tpu.memory_space<semaphore_mem>>) src(%dma_wait3A_51 : memref<256x128xf32, #tpu.memory_space<hbm>>) dst(%arg6 : memref<256x128xf32, #tpu.memory_space<vmem>>)
      %mul3A_52 = arith.constant 4 : i32
      %mul3A_53 = arith.muli %mul3A_52, %scan3A_31 : i32
      %add3A_54 = arith.constant 0 : i32
      %add3A_55 = arith.addi %mul3A_53, %add3A_54 : i32
      %dma_start3A_56 = arith.constant 0 : i32
      %dma_start3A_57 = arith.constant 0 : i32
      %dma_start3A_58 = tpu.memref_slice %arg6[%dma_start3A_56, %dma_start3A_57] : memref<256x128xf32, #tpu.memory_space<vmem>> -> memref<128x128xf32, #tpu.memory_space<vmem>>
      %dma_start3A_59 = arith.constant 0 : i32
      %dma_start3A_60 = tpu.memref_slice %arg5[%add3A_55, %dma_start3A_59] : memref<32x128xi32, #tpu.memory_space<vmem>> -> memref<1x128xi32, #tpu.memory_space<vmem>>
      %dma_start3A_61 = tpu.memref_squeeze %dma_start3A_60 : memref<1x128xi32, #tpu.memory_space<vmem>> -> memref<128xi32, #tpu.memory_space<vmem>>
      %dma_start3A_62 = arith.constant 0 : i32
      %dma_start3A_63 = arith.constant 0 : i32
      %dma_start3A_64 = tpu.memref_slice %arg4[%dma_start3A_62, %dma_start3A_63] : memref<131072x128xf32, #tpu.memory_space<hbm>> -> memref<131072x128xf32, #tpu.memory_space<hbm>>
      tpu.enqueue_indirect_dma source(%dma_start3A_58 : memref<128x128xf32, #tpu.memory_space<vmem>>) target(%dma_start3A_64 : memref<131072x128xf32, #tpu.memory_space<hbm>>) offsets(%dma_start3A_61 : memref<128xi32, #tpu.memory_space<vmem>>) semaphore(%arg10 : memref<!tpu.dma_semaphore, #tpu.memory_space<semaphore_mem>>)
      %mul3A_65 = arith.constant 4 : i32
      %mul3A_66 = arith.muli %mul3A_65, %scan3A_31 : i32
      %add3A_67 = arith.constant 1 : i32
      %add3A_68 = arith.addi %mul3A_66, %add3A_67 : i32
      %dma_start3A_69 = arith.constant 128 : i32
      %dma_start3A_70 = arith.constant 0 : i32
      %dma_start3A_71 = tpu.memref_slice %arg6[%dma_start3A_69, %dma_start3A_70] : memref<256x128xf32, #tpu.memory_space<vmem>> -> memref<128x128xf32, #tpu.memory_space<vmem>>
      %dma_start3A_72 = arith.constant 0 : i32
      %dma_start3A_73 = tpu.memref_slice %arg5[%add3A_68, %dma_start3A_72] : memref<32x128xi32, #tpu.memory_space<vmem>> -> memref<1x128xi32, #tpu.memory_space<vmem>>
      %dma_start3A_74 = tpu.memref_squeeze %dma_start3A_73 : memref<1x128xi32, #tpu.memory_space<vmem>> -> memref<128xi32, #tpu.memory_space<vmem>>
      %dma_start3A_75 = arith.constant 0 : i32
      %dma_start3A_76 = arith.constant 0 : i32
      %dma_start3A_77 = tpu.memref_slice %arg4[%dma_start3A_75, %dma_start3A_76] : memref<131072x128xf32, #tpu.memory_space<hbm>> -> memref<131072x128xf32, #tpu.memory_space<hbm>>
      tpu.enqueue_indirect_dma source(%dma_start3A_71 : memref<128x128xf32, #tpu.memory_space<vmem>>) target(%dma_start3A_77 : memref<131072x128xf32, #tpu.memory_space<hbm>>) offsets(%dma_start3A_74 : memref<128xi32, #tpu.memory_space<vmem>>) semaphore(%arg10 : memref<!tpu.dma_semaphore, #tpu.memory_space<semaphore_mem>>)
      %dma_wait3A_78 = arith.constant 0 : i32
      %dma_wait3A_79 = tpu.memref_slice %arg2[%add3A_39, %dma_wait3A_78] : memref<131072x128xf32, #tpu.memory_space<hbm>> -> memref<256x128xf32, #tpu.memory_space<hbm>>
      %dma_wait3A_80 = arith.constant 0 : i32
      %dma_wait3A_81 = tpu.memref_slice %arg2[%add3A_39, %dma_wait3A_80] : memref<131072x128xf32, #tpu.memory_space<hbm>> -> memref<256x128xf32, #tpu.memory_space<hbm>>
      tpu.wait_dma2 semaphore(%arg9 : memref<!tpu.dma_semaphore, #tpu.memory_space<semaphore_mem>>) src(%dma_wait3A_81 : memref<256x128xf32, #tpu.memory_space<hbm>>) dst(%arg7 : memref<256x128xf32, #tpu.memory_space<vmem>>)
      %mul3A_82 = arith.constant 4 : i32
      %mul3A_83 = arith.muli %mul3A_82, %scan3A_31 : i32
      %add3A_84 = arith.constant 2 : i32
      %add3A_85 = arith.addi %mul3A_83, %add3A_84 : i32
      %add3A_86 = arith.constant 0 : i32
      %add3A_87 = arith.addi %add3A_85, %add3A_86 : i32
      %dma_start3A_88 = arith.constant 0 : i32
      %dma_start3A_89 = arith.constant 0 : i32
      %dma_start3A_90 = tpu.memref_slice %arg7[%dma_start3A_88, %dma_start3A_89] : memref<256x128xf32, #tpu.memory_space<vmem>> -> memref<128x128xf32, #tpu.memory_space<vmem>>
      %dma_start3A_91 = arith.constant 0 : i32
      %dma_start3A_92 = tpu.memref_slice %arg5[%add3A_87, %dma_start3A_91] : memref<32x128xi32, #tpu.memory_space<vmem>> -> memref<1x128xi32, #tpu.memory_space<vmem>>
      %dma_start3A_93 = tpu.memref_squeeze %dma_start3A_92 : memref<1x128xi32, #tpu.memory_space<vmem>> -> memref<128xi32, #tpu.memory_space<vmem>>
      %dma_start3A_94 = arith.constant 0 : i32
      %dma_start3A_95 = arith.constant 0 : i32
      %dma_start3A_96 = tpu.memref_slice %arg4[%dma_start3A_94, %dma_start3A_95] : memref<131072x128xf32, #tpu.memory_space<hbm>> -> memref<131072x128xf32, #tpu.memory_space<hbm>>
      tpu.enqueue_indirect_dma source(%dma_start3A_90 : memref<128x128xf32, #tpu.memory_space<vmem>>) target(%dma_start3A_96 : memref<131072x128xf32, #tpu.memory_space<hbm>>) offsets(%dma_start3A_93 : memref<128xi32, #tpu.memory_space<vmem>>) semaphore(%arg10 : memref<!tpu.dma_semaphore, #tpu.memory_space<semaphore_mem>>)
      %mul3A_97 = arith.constant 4 : i32
      %mul3A_98 = arith.muli %mul3A_97, %scan3A_31 : i32
      %add3A_99 = arith.constant 2 : i32
      %add3A_100 = arith.addi %mul3A_98, %add3A_99 : i32
      %add3A_101 = arith.constant 1 : i32
      %add3A_102 = arith.addi %add3A_100, %add3A_101 : i32
      %dma_start3A_103 = arith.constant 128 : i32
      %dma_start3A_104 = arith.constant 0 : i32
      %dma_start3A_105 = tpu.memref_slice %arg7[%dma_start3A_103, %dma_start3A_104] : memref<256x128xf32, #tpu.memory_space<vmem>> -> memref<128x128xf32, #tpu.memory_space<vmem>>
      %dma_start3A_106 = arith.constant 0 : i32
      %dma_start3A_107 = tpu.memref_slice %arg5[%add3A_102, %dma_start3A_106] : memref<32x128xi32, #tpu.memory_space<vmem>> -> memref<1x128xi32, #tpu.memory_space<vmem>>
      %dma_start3A_108 = tpu.memref_squeeze %dma_start3A_107 : memref<1x128xi32, #tpu.memory_space<vmem>> -> memref<128xi32, #tpu.memory_space<vmem>>
      %dma_start3A_109 = arith.constant 0 : i32
      %dma_start3A_110 = arith.constant 0 : i32
      %dma_start3A_111 = tpu.memref_slice %arg4[%dma_start3A_109, %dma_start3A_110] : memref<131072x128xf32, #tpu.memory_space<hbm>> -> memref<131072x128xf32, #tpu.memory_space<hbm>>
      tpu.enqueue_indirect_dma source(%dma_start3A_105 : memref<128x128xf32, #tpu.memory_space<vmem>>) target(%dma_start3A_111 : memref<131072x128xf32, #tpu.memory_space<hbm>>) offsets(%dma_start3A_108 : memref<128xi32, #tpu.memory_space<vmem>>) semaphore(%arg10 : memref<!tpu.dma_semaphore, #tpu.memory_space<semaphore_mem>>)
      %dma_wait3A_112 = arith.constant 0 : i32
      %dma_wait3A_113 = arith.constant 0 : i32
      %dma_wait3A_114 = tpu.memref_slice %arg6[%dma_wait3A_112, %dma_wait3A_113] : memref<256x128xf32, #tpu.memory_space<vmem>> -> memref<128x128xf32, #tpu.memory_space<vmem>>
      %dma_wait3A_115 = arith.constant 0 : i32
      %dma_wait3A_116 = tpu.memref_slice %arg5[%add3A_55, %dma_wait3A_115] : memref<32x128xi32, #tpu.memory_space<vmem>> -> memref<1x128xi32, #tpu.memory_space<vmem>>
      %dma_wait3A_117 = tpu.memref_squeeze %dma_wait3A_116 : memref<1x128xi32, #tpu.memory_space<vmem>> -> memref<128xi32, #tpu.memory_space<vmem>>
      %dma_wait3A_118 = arith.constant 0 : i32
      %dma_wait3A_119 = arith.constant 0 : i32
      %dma_wait3A_120 = tpu.memref_slice %arg4[%dma_wait3A_118, %dma_wait3A_119] : memref<131072x128xf32, #tpu.memory_space<hbm>> -> memref<131072x128xf32, #tpu.memory_space<hbm>>
      tpu.wait_indirect_dma semaphore(%arg10 : memref<!tpu.dma_semaphore, #tpu.memory_space<semaphore_mem>>) src(%dma_wait3A_114 : memref<128x128xf32, #tpu.memory_space<vmem>>) dst(%dma_wait3A_120 : memref<131072x128xf32, #tpu.memory_space<hbm>>)
      %dma_wait3A_121 = arith.constant 128 : i32
      %dma_wait3A_122 = arith.constant 0 : i32
      %dma_wait3A_123 = tpu.memref_slice %arg6[%dma_wait3A_121, %dma_wait3A_122] : memref<256x128xf32, #tpu.memory_space<vmem>> -> memref<128x128xf32, #tpu.memory_space<vmem>>
      %dma_wait3A_124 = arith.constant 0 : i32
      %dma_wait3A_125 = tpu.memref_slice %arg5[%add3A_68, %dma_wait3A_124] : memref<32x128xi32, #tpu.memory_space<vmem>> -> memref<1x128xi32, #tpu.memory_space<vmem>>
      %dma_wait3A_126 = tpu.memref_squeeze %dma_wait3A_125 : memref<1x128xi32, #tpu.memory_space<vmem>> -> memref<128xi32, #tpu.memory_space<vmem>>
      %dma_wait3A_127 = arith.constant 0 : i32
      %dma_wait3A_128 = arith.constant 0 : i32
      %dma_wait3A_129 = tpu.memref_slice %arg4[%dma_wait3A_127, %dma_wait3A_128] : memref<131072x128xf32, #tpu.memory_space<hbm>> -> memref<131072x128xf32, #tpu.memory_space<hbm>>
      tpu.wait_indirect_dma semaphore(%arg10 : memref<!tpu.dma_semaphore, #tpu.memory_space<semaphore_mem>>) src(%dma_wait3A_123 : memref<128x128xf32, #tpu.memory_space<vmem>>) dst(%dma_wait3A_129 : memref<131072x128xf32, #tpu.memory_space<hbm>>)
      %dma_wait3A_130 = arith.constant 0 : i32
      %dma_wait3A_131 = arith.constant 0 : i32
      %dma_wait3A_132 = tpu.memref_slice %arg7[%dma_wait3A_130, %dma_wait3A_131] : memref<256x128xf32, #tpu.memory_space<vmem>> -> memref<128x128xf32, #tpu.memory_space<vmem>>
      %dma_wait3A_133 = arith.constant 0 : i32
      %dma_wait3A_134 = tpu.memref_slice %arg5[%add3A_87, %dma_wait3A_133] : memref<32x128xi32, #tpu.memory_space<vmem>> -> memref<1x128xi32, #tpu.memory_space<vmem>>
      %dma_wait3A_135 = tpu.memref_squeeze %dma_wait3A_134 : memref<1x128xi32, #tpu.memory_space<vmem>> -> memref<128xi32, #tpu.memory_space<vmem>>
      %dma_wait3A_136 = arith.constant 0 : i32
      %dma_wait3A_137 = arith.constant 0 : i32
      %dma_wait3A_138 = tpu.memref_slice %arg4[%dma_wait3A_136, %dma_wait3A_137] : memref<131072x128xf32, #tpu.memory_space<hbm>> -> memref<131072x128xf32, #tpu.memory_space<hbm>>
      tpu.wait_indirect_dma semaphore(%arg10 : memref<!tpu.dma_semaphore, #tpu.memory_space<semaphore_mem>>) src(%dma_wait3A_132 : memref<128x128xf32, #tpu.memory_space<vmem>>) dst(%dma_wait3A_138 : memref<131072x128xf32, #tpu.memory_space<hbm>>)
      %dma_wait3A_139 = arith.constant 128 : i32
      %dma_wait3A_140 = arith.constant 0 : i32
      %dma_wait3A_141 = tpu.memref_slice %arg7[%dma_wait3A_139, %dma_wait3A_140] : memref<256x128xf32, #tpu.memory_space<vmem>> -> memref<128x128xf32, #tpu.memory_space<vmem>>
      %dma_wait3A_142 = arith.constant 0 : i32
      %dma_wait3A_143 = tpu.memref_slice %arg5[%add3A_102, %dma_wait3A_142] : memref<32x128xi32, #tpu.memory_space<vmem>> -> memref<1x128xi32, #tpu.memory_space<vmem>>
      %dma_wait3A_144 = tpu.memref_squeeze %dma_wait3A_143 : memref<1x128xi32, #tpu.memory_space<vmem>> -> memref<128xi32, #tpu.memory_space<vmem>>
      %dma_wait3A_145 = arith.constant 0 : i32
      %dma_wait3A_146 = arith.constant 0 : i32
      %dma_wait3A_147 = tpu.memref_slice %arg4[%dma_wait3A_145, %dma_wait3A_146] : memref<131072x128xf32, #tpu.memory_space<hbm>> -> memref<131072x128xf32, #tpu.memory_space<hbm>>
      tpu.wait_indirect_dma semaphore(%arg10 : memref<!tpu.dma_semaphore, #tpu.memory_space<semaphore_mem>>) src(%dma_wait3A_141 : memref<128x128xf32, #tpu.memory_space<vmem>>) dst(%dma_wait3A_147 : memref<131072x128xf32, #tpu.memory_space<hbm>>)
      %scan3A_148 = arith.constant 0 : i32
      scf.yield %scan3A_148 : i32
    }
    %scan3A_30 = arith.constant 8 : i32
    return
  }
}

module attributes {stable_mosaic.version = 14 : i64} {
  func.func @_prepack_kernel(%arg0: i32, %arg1: memref<4096x64xf32, #tpu.memory_space<vmem>>, %arg2: memref<4096x64xf32, #tpu.memory_space<vmem>>, %arg3: memref<4096x64xf32, #tpu.memory_space<vmem>>, %arg4: memref<4096x128xf32, #tpu.memory_space<vmem>>, %arg5: memref<4096x128xf32, #tpu.memory_space<vmem>>) attributes {dimension_semantics = [#tpu.dimension_semantics<arbitrary>], iteration_bounds = array<i64: 16>, scalar_prefetch = 0 : i64, scratch_operands = 0 : i64, tpu.core_type = #tpu.core_type<tc>, window_params = [{transform_indices = @transform_0, window_bounds = array<i64: 4096, 64>}, {transform_indices = @transform_1, window_bounds = array<i64: 4096, 64>}, {transform_indices = @transform_2, window_bounds = array<i64: 4096, 64>}, {transform_indices = @transform_3, window_bounds = array<i64: 4096, 128>}, {transform_indices = @transform_4, window_bounds = array<i64: 4096, 128>}]} {
    %get3A = arith.constant 0 : index
    %get3A_0 = arith.constant 0 : index
    %get3A_1 = vector.load %arg1[%get3A, %get3A_0] : memref<4096x64xf32, #tpu.memory_space<vmem>>, vector<4096x64xf32>
    %concatenate3A = tpu.concatenate %get3A_1, %get3A_1 in 1 : vector<4096x64xf32>, vector<4096x64xf32> -> vector<4096x128xf32>
    %swap3A = arith.constant 0 : index
    %swap3A_2 = arith.constant 0 : index
    %swap3A_3 = vector.load %arg4[%swap3A, %swap3A_2] : memref<4096x128xf32, #tpu.memory_space<vmem>>, vector<4096x128xf32>
    tpu.vector_store %arg4[%swap3A, %swap3A_2], %concatenate3A {strides = array<i32>} : memref<4096x128xf32, #tpu.memory_space<vmem>>, vector<4096x128xf32>,
    %get3A_4 = arith.constant 0 : index
    %get3A_5 = arith.constant 0 : index
    %get3A_6 = vector.load %arg2[%get3A_4, %get3A_5] : memref<4096x64xf32, #tpu.memory_space<vmem>>, vector<4096x64xf32>
    %get3A_7 = arith.constant 0 : index
    %get3A_8 = arith.constant 0 : index
    %get3A_9 = vector.load %arg3[%get3A_7, %get3A_8] : memref<4096x64xf32, #tpu.memory_space<vmem>>, vector<4096x64xf32>
    %concatenate3A_10 = tpu.concatenate %get3A_6, %get3A_9 in 1 : vector<4096x64xf32>, vector<4096x64xf32> -> vector<4096x128xf32>
    %swap3A_11 = arith.constant 0 : index
    %swap3A_12 = arith.constant 0 : index
    %swap3A_13 = vector.load %arg5[%swap3A_11, %swap3A_12] : memref<4096x128xf32, #tpu.memory_space<vmem>>, vector<4096x128xf32>
    tpu.vector_store %arg5[%swap3A_11, %swap3A_12], %concatenate3A_10 {strides = array<i32>} : memref<4096x128xf32, #tpu.memory_space<vmem>>, vector<4096x128xf32>,
    return
  }
  func.func @transform_0(%arg0: i32) -> (i32, i32) {
    %c0_i32 = arith.constant 0 : i32
    %c0_i32_0 = arith.constant 0 : i32
    return %arg0, %c0_i32 : i32, i32
  }
  func.func @transform_1(%arg0: i32) -> (i32, i32) {
    %c0_i32 = arith.constant 0 : i32
    %c0_i32_0 = arith.constant 0 : i32
    return %arg0, %c0_i32 : i32, i32
  }
  func.func @transform_2(%arg0: i32) -> (i32, i32) {
    %c0_i32 = arith.constant 0 : i32
    %c0_i32_0 = arith.constant 0 : i32
    return %arg0, %c0_i32 : i32, i32
  }
  func.func @transform_3(%arg0: i32) -> (i32, i32) {
    %c0_i32 = arith.constant 0 : i32
    %c0_i32_0 = arith.constant 0 : i32
    return %arg0, %c0_i32 : i32, i32
  }
  func.func @transform_4(%arg0: i32) -> (i32, i32) {
    %c0_i32 = arith.constant 0 : i32
    %c0_i32_0 = arith.constant 0 : i32
    return %arg0, %c0_i32 : i32, i32
  }
}

module attributes {stable_mosaic.version = 14 : i64} {
  func.func @_attn_block_kernel(%arg0: i32, %arg1: memref<32x256x128xf32, #tpu.memory_space<vmem>>, %arg2: memref<32x256x128xf32, #tpu.memory_space<vmem>>, %arg3: memref<32x256x128xf32, #tpu.memory_space<vmem>>) attributes {dimension_semantics = [#tpu.dimension_semantics<arbitrary>], iteration_bounds = array<i64: 16>, scalar_prefetch = 0 : i64, scratch_operands = 0 : i64, tpu.core_type = #tpu.core_type<tc>, window_params = [{transform_indices = @transform_0, window_bounds = array<i64: 32, 256, 128>}, {transform_indices = @transform_1, window_bounds = array<i64: 32, 256, 128>}, {transform_indices = @transform_2, window_bounds = array<i64: 32, 256, 128>}]} {
    %get3A = arith.constant 0 : index
    %get3A_0 = arith.constant 0 : index
    %get3A_1 = arith.constant 0 : index
    %get3A_2 = vector.load %arg1[%get3A, %get3A_0, %get3A_1] : memref<32x256x128xf32, #tpu.memory_space<vmem>>, vector<1x256x64xf32>
    %get3A_3 = vector.shape_cast %get3A_2 : vector<1x256x64xf32> to vector<256x64xf32>
    %get3A_4 = arith.constant 0 : index
    %get3A_5 = arith.constant 0 : index
    %get3A_6 = arith.constant 0 : index
    %get3A_7 = vector.load %arg2[%get3A_4, %get3A_5, %get3A_6] : memref<32x256x128xf32, #tpu.memory_space<vmem>>, vector<1x256x64xf32>
    %get3A_8 = vector.shape_cast %get3A_7 : vector<1x256x64xf32> to vector<256x64xf32>
    %get3A_9 = arith.constant 0 : index
    %get3A_10 = arith.constant 0 : index
    %get3A_11 = arith.constant 64 : index
    %get3A_12 = vector.load %arg2[%get3A_9, %get3A_10, %get3A_11] : memref<32x256x128xf32, #tpu.memory_space<vmem>>, vector<1x256x64xf32>
    %get3A_13 = vector.shape_cast %get3A_12 : vector<1x256x64xf32> to vector<256x64xf32>
    %dot_general3A = arith.constant dense<0.000000e+00> : vector<256x256xf32>
    %dot_general3A_14 = tpu.matmul %get3A_3, %get3A_8, %dot_general3A {dimension_numbers = #tpu.dot_dimension_numbers<[1], [1], [0], [0], [0, 0, 1, 0], [], []>, transpose_lhs_hint = false} : vector<256x64xf32>, vector<256x64xf32>, vector<256x256xf32> -> vector<256x256xf32>
    %reduce_max3A = arith.constant dense<0xFF800000> : vector<256xf32>
    %reduce_max3A_15 = vector.multi_reduction <maximumf>, %dot_general3A_14, %reduce_max3A [1] : vector<256x256xf32> to vector<256xf32>
    %broadcast_in_dim3A = vector.shape_cast %reduce_max3A_15 : vector<256xf32> to vector<256x1xf32>
    %sub3A = vector.broadcast %broadcast_in_dim3A : vector<256x1xf32> to vector<256x256xf32>
    %sub3A_16 = arith.subf %dot_general3A_14, %sub3A : vector<256x256xf32>
    %exp3A = math.exp %sub3A_16 : vector<256x256xf32>
    %reduce_sum3A = arith.constant dense<0.000000e+00> : vector<256xf32>
    %reduce_sum3A_17 = vector.multi_reduction <add>, %exp3A, %reduce_sum3A [1] : vector<256x256xf32> to vector<256xf32>
    %broadcast_in_dim3A_18 = vector.shape_cast %reduce_sum3A_17 : vector<256xf32> to vector<256x1xf32>
    %convert_element_type3A = arith.truncf %exp3A : vector<256x256xf32> to vector<256x256xbf16>
    %convert_element_type3A_19 = arith.truncf %get3A_13 : vector<256x64xf32> to vector<256x64xbf16>
    %dot_general3A_20 = arith.constant dense<0.000000e+00> : vector<256x64xf32>
    %dot_general3A_21 = tpu.matmul %convert_element_type3A, %convert_element_type3A_19, %dot_general3A_20 {dimension_numbers = #tpu.dot_dimension_numbers<[1], [0], [0], [1], [0, 0, 1, 1], [], []>, transpose_lhs_hint = false} : vector<256x256xbf16>, vector<256x64xbf16>, vector<256x64xf32> -> vector<256x64xf32>
    %log3A = math.log %broadcast_in_dim3A_18 : vector<256x1xf32>
    %add3A = arith.addf %broadcast_in_dim3A, %log3A : vector<256x1xf32>
    %div3A = vector.broadcast %broadcast_in_dim3A_18 : vector<256x1xf32> to vector<256x64xf32>
    %div3A_22 = arith.divf %dot_general3A_21, %div3A : vector<256x64xf32>
    %broadcast_in_dim3A_23 = vector.shape_cast %add3A : vector<256x1xf32> to vector<256x1xf32>
    %broadcast_in_dim3A_24 = vector.broadcast %broadcast_in_dim3A_23 : vector<256x1xf32> to vector<256x64xf32>
    %concatenate3A = tpu.concatenate %div3A_22, %broadcast_in_dim3A_24 in 1 : vector<256x64xf32>, vector<256x64xf32> -> vector<256x128xf32>
    %swap3A = arith.constant 0 : index
    %swap3A_25 = arith.constant 0 : index
    %swap3A_26 = arith.constant 0 : index
    %swap3A_27 = vector.load %arg3[%swap3A, %swap3A_25, %swap3A_26] : memref<32x256x128xf32, #tpu.memory_space<vmem>>, vector<1x256x128xf32>
    %swap3A_28 = vector.shape_cast %swap3A_27 : vector<1x256x128xf32> to vector<256x128xf32>
    %swap3A_29 = vector.shape_cast %concatenate3A : vector<256x128xf32> to vector<1x256x128xf32>
    tpu.vector_store %arg3[%swap3A, %swap3A_25, %swap3A_26], %swap3A_29 {strides = array<i32>} : memref<32x256x128xf32, #tpu.memory_space<vmem>>, vector<1x256x128xf32>,
    %get3A_30 = arith.constant 1 : index
    %get3A_31 = arith.constant 0 : index
    %get3A_32 = arith.constant 0 : index
    %get3A_33 = vector.load %arg1[%get3A_30, %get3A_31, %get3A_32] : memref<32x256x128xf32, #tpu.memory_space<vmem>>, vector<1x256x64xf32>
    %get3A_34 = vector.shape_cast %get3A_33 : vector<1x256x64xf32> to vector<256x64xf32>
    %get3A_35 = arith.constant 1 : index
    %get3A_36 = arith.constant 0 : index
    %get3A_37 = arith.constant 0 : index
    %get3A_38 = vector.load %arg2[%get3A_35, %get3A_36, %get3A_37] : memref<32x256x128xf32, #tpu.memory_space<vmem>>, vector<1x256x64xf32>
    %get3A_39 = vector.shape_cast %get3A_38 : vector<1x256x64xf32> to vector<256x64xf32>
    %get3A_40 = arith.constant 1 : index
    %get3A_41 = arith.constant 0 : index
    %get3A_42 = arith.constant 64 : index
    %get3A_43 = vector.load %arg2[%get3A_40, %get3A_41, %get3A_42] : memref<32x256x128xf32, #tpu.memory_space<vmem>>, vector<1x256x64xf32>
    %get3A_44 = vector.shape_cast %get3A_43 : vector<1x256x64xf32> to vector<256x64xf32>
    %dot_general3A_45 = arith.constant dense<0.000000e+00> : vector<256x256xf32>
    %dot_general3A_46 = tpu.matmul %get3A_34, %get3A_39, %dot_general3A_45 {dimension_numbers = #tpu.dot_dimension_numbers<[1], [1], [0], [0], [0, 0, 1, 0], [], []>, transpose_lhs_hint = false} : vector<256x64xf32>, vector<256x64xf32>, vector<256x256xf32> -> vector<256x256xf32>
    %reduce_max3A_47 = arith.constant dense<0xFF800000> : vector<256xf32>
    %reduce_max3A_48 = vector.multi_reduction <maximumf>, %dot_general3A_46, %reduce_max3A_47 [1] : vector<256x256xf32> to vector<256xf32>
    %broadcast_in_dim3A_49 = vector.shape_cast %reduce_max3A_48 : vector<256xf32> to vector<256x1xf32>
    %sub3A_50 = vector.broadcast %broadcast_in_dim3A_49 : vector<256x1xf32> to vector<256x256xf32>
    %sub3A_51 = arith.subf %dot_general3A_46, %sub3A_50 : vector<256x256xf32>
    %exp3A_52 = math.exp %sub3A_51 : vector<256x256xf32>
    %reduce_sum3A_53 = arith.constant dense<0.000000e+00> : vector<256xf32>
    %reduce_sum3A_54 = vector.multi_reduction <add>, %exp3A_52, %reduce_sum3A_53 [1] : vector<256x256xf32> to vector<256xf32>
    %broadcast_in_dim3A_55 = vector.shape_cast %reduce_sum3A_54 : vector<256xf32> to vector<256x1xf32>
    %convert_element_type3A_56 = arith.truncf %exp3A_52 : vector<256x256xf32> to vector<256x256xbf16>
    %convert_element_type3A_57 = arith.truncf %get3A_44 : vector<256x64xf32> to vector<256x64xbf16>
    %dot_general3A_58 = arith.constant dense<0.000000e+00> : vector<256x64xf32>
    %dot_general3A_59 = tpu.matmul %convert_element_type3A_56, %convert_element_type3A_57, %dot_general3A_58 {dimension_numbers = #tpu.dot_dimension_numbers<[1], [0], [0], [1], [0, 0, 1, 1], [], []>, transpose_lhs_hint = false} : vector<256x256xbf16>, vector<256x64xbf16>, vector<256x64xf32> -> vector<256x64xf32>
    %log3A_60 = math.log %broadcast_in_dim3A_55 : vector<256x1xf32>
    %add3A_61 = arith.addf %broadcast_in_dim3A_49, %log3A_60 : vector<256x1xf32>
    %div3A_62 = vector.broadcast %broadcast_in_dim3A_55 : vector<256x1xf32> to vector<256x64xf32>
    %div3A_63 = arith.divf %dot_general3A_59, %div3A_62 : vector<256x64xf32>
    %broadcast_in_dim3A_64 = vector.shape_cast %add3A_61 : vector<256x1xf32> to vector<256x1xf32>
    %broadcast_in_dim3A_65 = vector.broadcast %broadcast_in_dim3A_64 : vector<256x1xf32> to vector<256x64xf32>
    %concatenate3A_66 = tpu.concatenate %div3A_63, %broadcast_in_dim3A_65 in 1 : vector<256x64xf32>, vector<256x64xf32> -> vector<256x128xf32>
    %swap3A_67 = arith.constant 1 : index
    %swap3A_68 = arith.constant 0 : index
    %swap3A_69 = arith.constant 0 : index
    %swap3A_70 = vector.load %arg3[%swap3A_67, %swap3A_68, %swap3A_69] : memref<32x256x128xf32, #tpu.memory_space<vmem>>, vector<1x256x128xf32>
    %swap3A_71 = vector.shape_cast %swap3A_70 : vector<1x256x128xf32> to vector<256x128xf32>
    %swap3A_72 = vector.shape_cast %concatenate3A_66 : vector<256x128xf32> to vector<1x256x128xf32>
    tpu.vector_store %arg3[%swap3A_67, %swap3A_68, %swap3A_69], %swap3A_72 {strides = array<i32>} : memref<32x256x128xf32, #tpu.memory_space<vmem>>, vector<1x256x128xf32>,
    %get3A_73 = arith.constant 2 : index
    %get3A_74 = arith.constant 0 : index
    %get3A_75 = arith.constant 0 : index
    %get3A_76 = vector.load %arg1[%get3A_73, %get3A_74, %get3A_75] : memref<32x256x128xf32, #tpu.memory_space<vmem>>, vector<1x256x64xf32>
    %get3A_77 = vector.shape_cast %get3A_76 : vector<1x256x64xf32> to vector<256x64xf32>
    %get3A_78 = arith.constant 2 : index
    %get3A_79 = arith.constant 0 : index
    %get3A_80 = arith.constant 0 : index
    %get3A_81 = vector.load %arg2[%get3A_78, %get3A_79, %get3A_80] : memref<32x256x128xf32, #tpu.memory_space<vmem>>, vector<1x256x64xf32>
    %get3A_82 = vector.shape_cast %get3A_81 : vector<1x256x64xf32> to vector<256x64xf32>
    %get3A_83 = arith.constant 2 : index
    %get3A_84 = arith.constant 0 : index
    %get3A_85 = arith.constant 64 : index
    %get3A_86 = vector.load %arg2[%get3A_83, %get3A_84, %get3A_85] : memref<32x256x128xf32, #tpu.memory_space<vmem>>, vector<1x256x64xf32>
    %get3A_87 = vector.shape_cast %get3A_86 : vector<1x256x64xf32> to vector<256x64xf32>
    %dot_general3A_88 = arith.constant dense<0.000000e+00> : vector<256x256xf32>
    %dot_general3A_89 = tpu.matmul %get3A_77, %get3A_82, %dot_general3A_88 {dimension_numbers = #tpu.dot_dimension_numbers<[1], [1], [0], [0], [0, 0, 1, 0], [], []>, transpose_lhs_hint = false} : vector<256x64xf32>, vector<256x64xf32>, vector<256x256xf32> -> vector<256x256xf32>
    %reduce_max3A_90 = arith.constant dense<0xFF800000> : vector<256xf32>
    %reduce_max3A_91 = vector.multi_reduction <maximumf>, %dot_general3A_89, %reduce_max3A_90 [1] : vector<256x256xf32> to vector<256xf32>
    %broadcast_in_dim3A_92 = vector.shape_cast %reduce_max3A_91 : vector<256xf32> to vector<256x1xf32>
    %sub3A_93 = vector.broadcast %broadcast_in_dim3A_92 : vector<256x1xf32> to vector<256x256xf32>
    %sub3A_94 = arith.subf %dot_general3A_89, %sub3A_93 : vector<256x256xf32>
    %exp3A_95 = math.exp %sub3A_94 : vector<256x256xf32>
    %reduce_sum3A_96 = arith.constant dense<0.000000e+00> : vector<256xf32>
    %reduce_sum3A_97 = vector.multi_reduction <add>, %exp3A_95, %reduce_sum3A_96 [1] : vector<256x256xf32> to vector<256xf32>
    %broadcast_in_dim3A_98 = vector.shape_cast %reduce_sum3A_97 : vector<256xf32> to vector<256x1xf32>
    %convert_element_type3A_99 = arith.truncf %exp3A_95 : vector<256x256xf32> to vector<256x256xbf16>
    %convert_element_type3A_100 = arith.truncf %get3A_87 : vector<256x64xf32> to vector<256x64xbf16>
    %dot_general3A_101 = arith.constant dense<0.000000e+00> : vector<256x64xf32>
    %dot_general3A_102 = tpu.matmul %convert_element_type3A_99, %convert_element_type3A_100, %dot_general3A_101 {dimension_numbers = #tpu.dot_dimension_numbers<[1], [0], [0], [1], [0, 0, 1, 1], [], []>, transpose_lhs_hint = false} : vector<256x256xbf16>, vector<256x64xbf16>, vector<256x64xf32> -> vector<256x64xf32>
    %log3A_103 = math.log %broadcast_in_dim3A_98 : vector<256x1xf32>
    %add3A_104 = arith.addf %broadcast_in_dim3A_92, %log3A_103 : vector<256x1xf32>
    %div3A_105 = vector.broadcast %broadcast_in_dim3A_98 : vector<256x1xf32> to vector<256x64xf32>
    %div3A_106 = arith.divf %dot_general3A_102, %div3A_105 : vector<256x64xf32>
    %broadcast_in_dim3A_107 = vector.shape_cast %add3A_104 : vector<256x1xf32> to vector<256x1xf32>
    %broadcast_in_dim3A_108 = vector.broadcast %broadcast_in_dim3A_107 : vector<256x1xf32> to vector<256x64xf32>
    %concatenate3A_109 = tpu.concatenate %div3A_106, %broadcast_in_dim3A_108 in 1 : vector<256x64xf32>, vector<256x64xf32> -> vector<256x128xf32>
    %swap3A_110 = arith.constant 2 : index
    %swap3A_111 = arith.constant 0 : index
    %swap3A_112 = arith.constant 0 : index
    %swap3A_113 = vector.load %arg3[%swap3A_110, %swap3A_111, %swap3A_112] : memref<32x256x128xf32, #tpu.memory_space<vmem>>, vector<1x256x128xf32>
    %swap3A_114 = vector.shape_cast %swap3A_113 : vector<1x256x128xf32> to vector<256x128xf32>
    %swap3A_115 = vector.shape_cast %concatenate3A_109 : vector<256x128xf32> to vector<1x256x128xf32>
    tpu.vector_store %arg3[%swap3A_110, %swap3A_111, %swap3A_112], %swap3A_115 {strides = array<i32>} : memref<32x256x128xf32, #tpu.memory_space<vmem>>, vector<1x256x128xf32>,
    %get3A_116 = arith.constant 3 : index
    %get3A_117 = arith.constant 0 : index
    %get3A_118 = arith.constant 0 : index
    %get3A_119 = vector.load %arg1[%get3A_116, %get3A_117, %get3A_118] : memref<32x256x128xf32, #tpu.memory_space<vmem>>, vector<1x256x64xf32>
    %get3A_120 = vector.shape_cast %get3A_119 : vector<1x256x64xf32> to vector<256x64xf32>
    %get3A_121 = arith.constant 3 : index
    %get3A_122 = arith.constant 0 : index
    %get3A_123 = arith.constant 0 : index
    %get3A_124 = vector.load %arg2[%get3A_121, %get3A_122, %get3A_123] : memref<32x256x128xf32, #tpu.memory_space<vmem>>, vector<1x256x64xf32>
    %get3A_125 = vector.shape_cast %get3A_124 : vector<1x256x64xf32> to vector<256x64xf32>
    %get3A_126 = arith.constant 3 : index
    %get3A_127 = arith.constant 0 : index
    %get3A_128 = arith.constant 64 : index
    %get3A_129 = vector.load %arg2[%get3A_126, %get3A_127, %get3A_128] : memref<32x256x128xf32, #tpu.memory_space<vmem>>, vector<1x256x64xf32>
    %get3A_130 = vector.shape_cast %get3A_129 : vector<1x256x64xf32> to vector<256x64xf32>
    %dot_general3A_131 = arith.constant dense<0.000000e+00> : vector<256x256xf32>
    %dot_general3A_132 = tpu.matmul %get3A_120, %get3A_125, %dot_general3A_131 {dimension_numbers = #tpu.dot_dimension_numbers<[1], [1], [0], [0], [0, 0, 1, 0], [], []>, transpose_lhs_hint = false} : vector<256x64xf32>, vector<256x64xf32>, vector<256x256xf32> -> vector<256x256xf32>
    %reduce_max3A_133 = arith.constant dense<0xFF800000> : vector<256xf32>
    %reduce_max3A_134 = vector.multi_reduction <maximumf>, %dot_general3A_132, %reduce_max3A_133 [1] : vector<256x256xf32> to vector<256xf32>
    %broadcast_in_dim3A_135 = vector.shape_cast %reduce_max3A_134 : vector<256xf32> to vector<256x1xf32>
    %sub3A_136 = vector.broadcast %broadcast_in_dim3A_135 : vector<256x1xf32> to vector<256x256xf32>
    %sub3A_137 = arith.subf %dot_general3A_132, %sub3A_136 : vector<256x256xf32>
    %exp3A_138 = math.exp %sub3A_137 : vector<256x256xf32>
    %reduce_sum3A_139 = arith.constant dense<0.000000e+00> : vector<256xf32>
    %reduce_sum3A_140 = vector.multi_reduction <add>, %exp3A_138, %reduce_sum3A_139 [1] : vector<256x256xf32> to vector<256xf32>
    %broadcast_in_dim3A_141 = vector.shape_cast %reduce_sum3A_140 : vector<256xf32> to vector<256x1xf32>
    %convert_element_type3A_142 = arith.truncf %exp3A_138 : vector<256x256xf32> to vector<256x256xbf16>
    %convert_element_type3A_143 = arith.truncf %get3A_130 : vector<256x64xf32> to vector<256x64xbf16>
    %dot_general3A_144 = arith.constant dense<0.000000e+00> : vector<256x64xf32>
    %dot_general3A_145 = tpu.matmul %convert_element_type3A_142, %convert_element_type3A_143, %dot_general3A_144 {dimension_numbers = #tpu.dot_dimension_numbers<[1], [0], [0], [1], [0, 0, 1, 1], [], []>, transpose_lhs_hint = false} : vector<256x256xbf16>, vector<256x64xbf16>, vector<256x64xf32> -> vector<256x64xf32>
    %log3A_146 = math.log %broadcast_in_dim3A_141 : vector<256x1xf32>
    %add3A_147 = arith.addf %broadcast_in_dim3A_135, %log3A_146 : vector<256x1xf32>
    %div3A_148 = vector.broadcast %broadcast_in_dim3A_141 : vector<256x1xf32> to vector<256x64xf32>
    %div3A_149 = arith.divf %dot_general3A_145, %div3A_148 : vector<256x64xf32>
    %broadcast_in_dim3A_150 = vector.shape_cast %add3A_147 : vector<256x1xf32> to vector<256x1xf32>
    %broadcast_in_dim3A_151 = vector.broadcast %broadcast_in_dim3A_150 : vector<256x1xf32> to vector<256x64xf32>
    %concatenate3A_152 = tpu.concatenate %div3A_149, %broadcast_in_dim3A_151 in 1 : vector<256x64xf32>, vector<256x64xf32> -> vector<256x128xf32>
    %swap3A_153 = arith.constant 3 : index
    %swap3A_154 = arith.constant 0 : index
    %swap3A_155 = arith.constant 0 : index
    %swap3A_156 = vector.load %arg3[%swap3A_153, %swap3A_154, %swap3A_155] : memref<32x256x128xf32, #tpu.memory_space<vmem>>, vector<1x256x128xf32>
    %swap3A_157 = vector.shape_cast %swap3A_156 : vector<1x256x128xf32> to vector<256x128xf32>
    %swap3A_158 = vector.shape_cast %concatenate3A_152 : vector<256x128xf32> to vector<1x256x128xf32>
    tpu.vector_store %arg3[%swap3A_153, %swap3A_154, %swap3A_155], %swap3A_158 {strides = array<i32>} : memref<32x256x128xf32, #tpu.memory_space<vmem>>, vector<1x256x128xf32>,
    %get3A_159 = arith.constant 4 : index
    %get3A_160 = arith.constant 0 : index
    %get3A_161 = arith.constant 0 : index
    %get3A_162 = vector.load %arg1[%get3A_159, %get3A_160, %get3A_161] : memref<32x256x128xf32, #tpu.memory_space<vmem>>, vector<1x256x64xf32>
    %get3A_163 = vector.shape_cast %get3A_162 : vector<1x256x64xf32> to vector<256x64xf32>
    %get3A_164 = arith.constant 4 : index
    %get3A_165 = arith.constant 0 : index
    %get3A_166 = arith.constant 0 : index
    %get3A_167 = vector.load %arg2[%get3A_164, %get3A_165, %get3A_166] : memref<32x256x128xf32, #tpu.memory_space<vmem>>, vector<1x256x64xf32>
    %get3A_168 = vector.shape_cast %get3A_167 : vector<1x256x64xf32> to vector<256x64xf32>
    %get3A_169 = arith.constant 4 : index
    %get3A_170 = arith.constant 0 : index
    %get3A_171 = arith.constant 64 : index
    %get3A_172 = vector.load %arg2[%get3A_169, %get3A_170, %get3A_171] : memref<32x256x128xf32, #tpu.memory_space<vmem>>, vector<1x256x64xf32>
    %get3A_173 = vector.shape_cast %get3A_172 : vector<1x256x64xf32> to vector<256x64xf32>
    %dot_general3A_174 = arith.constant dense<0.000000e+00> : vector<256x256xf32>
    %dot_general3A_175 = tpu.matmul %get3A_163, %get3A_168, %dot_general3A_174 {dimension_numbers = #tpu.dot_dimension_numbers<[1], [1], [0], [0], [0, 0, 1, 0], [], []>, transpose_lhs_hint = false} : vector<256x64xf32>, vector<256x64xf32>, vector<256x256xf32> -> vector<256x256xf32>
    %reduce_max3A_176 = arith.constant dense<0xFF800000> : vector<256xf32>
    %reduce_max3A_177 = vector.multi_reduction <maximumf>, %dot_general3A_175, %reduce_max3A_176 [1] : vector<256x256xf32> to vector<256xf32>
    %broadcast_in_dim3A_178 = vector.shape_cast %reduce_max3A_177 : vector<256xf32> to vector<256x1xf32>
    %sub3A_179 = vector.broadcast %broadcast_in_dim3A_178 : vector<256x1xf32> to vector<256x256xf32>
    %sub3A_180 = arith.subf %dot_general3A_175, %sub3A_179 : vector<256x256xf32>
    %exp3A_181 = math.exp %sub3A_180 : vector<256x256xf32>
    %reduce_sum3A_182 = arith.constant dense<0.000000e+00> : vector<256xf32>
    %reduce_sum3A_183 = vector.multi_reduction <add>, %exp3A_181, %reduce_sum3A_182 [1] : vector<256x256xf32> to vector<256xf32>
    %broadcast_in_dim3A_184 = vector.shape_cast %reduce_sum3A_183 : vector<256xf32> to vector<256x1xf32>
    %convert_element_type3A_185 = arith.truncf %exp3A_181 : vector<256x256xf32> to vector<256x256xbf16>
    %convert_element_type3A_186 = arith.truncf %get3A_173 : vector<256x64xf32> to vector<256x64xbf16>
    %dot_general3A_187 = arith.constant dense<0.000000e+00> : vector<256x64xf32>
    %dot_general3A_188 = tpu.matmul %convert_element_type3A_185, %convert_element_type3A_186, %dot_general3A_187 {dimension_numbers = #tpu.dot_dimension_numbers<[1], [0], [0], [1], [0, 0, 1, 1], [], []>, transpose_lhs_hint = false} : vector<256x256xbf16>, vector<256x64xbf16>, vector<256x64xf32> -> vector<256x64xf32>
    %log3A_189 = math.log %broadcast_in_dim3A_184 : vector<256x1xf32>
    %add3A_190 = arith.addf %broadcast_in_dim3A_178, %log3A_189 : vector<256x1xf32>
    %div3A_191 = vector.broadcast %broadcast_in_dim3A_184 : vector<256x1xf32> to vector<256x64xf32>
    %div3A_192 = arith.divf %dot_general3A_188, %div3A_191 : vector<256x64xf32>
    %broadcast_in_dim3A_193 = vector.shape_cast %add3A_190 : vector<256x1xf32> to vector<256x1xf32>
    %broadcast_in_dim3A_194 = vector.broadcast %broadcast_in_dim3A_193 : vector<256x1xf32> to vector<256x64xf32>
    %concatenate3A_195 = tpu.concatenate %div3A_192, %broadcast_in_dim3A_194 in 1 : vector<256x64xf32>, vector<256x64xf32> -> vector<256x128xf32>
    %swap3A_196 = arith.constant 4 : index
    %swap3A_197 = arith.constant 0 : index
    %swap3A_198 = arith.constant 0 : index
    %swap3A_199 = vector.load %arg3[%swap3A_196, %swap3A_197, %swap3A_198] : memref<32x256x128xf32, #tpu.memory_space<vmem>>, vector<1x256x128xf32>
    %swap3A_200 = vector.shape_cast %swap3A_199 : vector<1x256x128xf32> to vector<256x128xf32>
    %swap3A_201 = vector.shape_cast %concatenate3A_195 : vector<256x128xf32> to vector<1x256x128xf32>
    tpu.vector_store %arg3[%swap3A_196, %swap3A_197, %swap3A_198], %swap3A_201 {strides = array<i32>} : memref<32x256x128xf32, #tpu.memory_space<vmem>>, vector<1x256x128xf32>,
    %get3A_202 = arith.constant 5 : index
    %get3A_203 = arith.constant 0 : index
    %get3A_204 = arith.constant 0 : index
    %get3A_205 = vector.load %arg1[%get3A_202, %get3A_203, %get3A_204] : memref<32x256x128xf32, #tpu.memory_space<vmem>>, vector<1x256x64xf32>
    %get3A_206 = vector.shape_cast %get3A_205 : vector<1x256x64xf32> to vector<256x64xf32>
    %get3A_207 = arith.constant 5 : index
    %get3A_208 = arith.constant 0 : index
    %get3A_209 = arith.constant 0 : index
    %get3A_210 = vector.load %arg2[%get3A_207, %get3A_208, %get3A_209] : memref<32x256x128xf32, #tpu.memory_space<vmem>>, vector<1x256x64xf32>
    %get3A_211 = vector.shape_cast %get3A_210 : vector<1x256x64xf32> to vector<256x64xf32>
    %get3A_212 = arith.constant 5 : index
    %get3A_213 = arith.constant 0 : index
    %get3A_214 = arith.constant 64 : index
    %get3A_215 = vector.load %arg2[%get3A_212, %get3A_213, %get3A_214] : memref<32x256x128xf32, #tpu.memory_space<vmem>>, vector<1x256x64xf32>
    %get3A_216 = vector.shape_cast %get3A_215 : vector<1x256x64xf32> to vector<256x64xf32>
    %dot_general3A_217 = arith.constant dense<0.000000e+00> : vector<256x256xf32>
    %dot_general3A_218 = tpu.matmul %get3A_206, %get3A_211, %dot_general3A_217 {dimension_numbers = #tpu.dot_dimension_numbers<[1], [1], [0], [0], [0, 0, 1, 0], [], []>, transpose_lhs_hint = false} : vector<256x64xf32>, vector<256x64xf32>, vector<256x256xf32> -> vector<256x256xf32>
    %reduce_max3A_219 = arith.constant dense<0xFF800000> : vector<256xf32>
    %reduce_max3A_220 = vector.multi_reduction <maximumf>, %dot_general3A_218, %reduce_max3A_219 [1] : vector<256x256xf32> to vector<256xf32>
    %broadcast_in_dim3A_221 = vector.shape_cast %reduce_max3A_220 : vector<256xf32> to vector<256x1xf32>
    %sub3A_222 = vector.broadcast %broadcast_in_dim3A_221 : vector<256x1xf32> to vector<256x256xf32>
    %sub3A_223 = arith.subf %dot_general3A_218, %sub3A_222 : vector<256x256xf32>
    %exp3A_224 = math.exp %sub3A_223 : vector<256x256xf32>
    %reduce_sum3A_225 = arith.constant dense<0.000000e+00> : vector<256xf32>
    %reduce_sum3A_226 = vector.multi_reduction <add>, %exp3A_224, %reduce_sum3A_225 [1] : vector<256x256xf32> to vector<256xf32>
    %broadcast_in_dim3A_227 = vector.shape_cast %reduce_sum3A_226 : vector<256xf32> to vector<256x1xf32>
    %convert_element_type3A_228 = arith.truncf %exp3A_224 : vector<256x256xf32> to vector<256x256xbf16>
    %convert_element_type3A_229 = arith.truncf %get3A_216 : vector<256x64xf32> to vector<256x64xbf16>
    %dot_general3A_230 = arith.constant dense<0.000000e+00> : vector<256x64xf32>
    %dot_general3A_231 = tpu.matmul %convert_element_type3A_228, %convert_element_type3A_229, %dot_general3A_230 {dimension_numbers = #tpu.dot_dimension_numbers<[1], [0], [0], [1], [0, 0, 1, 1], [], []>, transpose_lhs_hint = false} : vector<256x256xbf16>, vector<256x64xbf16>, vector<256x64xf32> -> vector<256x64xf32>
    %log3A_232 = math.log %broadcast_in_dim3A_227 : vector<256x1xf32>
    %add3A_233 = arith.addf %broadcast_in_dim3A_221, %log3A_232 : vector<256x1xf32>
    %div3A_234 = vector.broadcast %broadcast_in_dim3A_227 : vector<256x1xf32> to vector<256x64xf32>
    %div3A_235 = arith.divf %dot_general3A_231, %div3A_234 : vector<256x64xf32>
    %broadcast_in_dim3A_236 = vector.shape_cast %add3A_233 : vector<256x1xf32> to vector<256x1xf32>
    %broadcast_in_dim3A_237 = vector.broadcast %broadcast_in_dim3A_236 : vector<256x1xf32> to vector<256x64xf32>
    %concatenate3A_238 = tpu.concatenate %div3A_235, %broadcast_in_dim3A_237 in 1 : vector<256x64xf32>, vector<256x64xf32> -> vector<256x128xf32>
    %swap3A_239 = arith.constant 5 : index
    %swap3A_240 = arith.constant 0 : index
    %swap3A_241 = arith.constant 0 : index
    %swap3A_242 = vector.load %arg3[%swap3A_239, %swap3A_240, %swap3A_241] : memref<32x256x128xf32, #tpu.memory_space<vmem>>, vector<1x256x128xf32>
    %swap3A_243 = vector.shape_cast %swap3A_242 : vector<1x256x128xf32> to vector<256x128xf32>
    %swap3A_244 = vector.shape_cast %concatenate3A_238 : vector<256x128xf32> to vector<1x256x128xf32>
    tpu.vector_store %arg3[%swap3A_239, %swap3A_240, %swap3A_241], %swap3A_244 {strides = array<i32>} : memref<32x256x128xf32, #tpu.memory_space<vmem>>, vector<1x256x128xf32>,
    %get3A_245 = arith.constant 6 : index
    %get3A_246 = arith.constant 0 : index
    %get3A_247 = arith.constant 0 : index
    %get3A_248 = vector.load %arg1[%get3A_245, %get3A_246, %get3A_247] : memref<32x256x128xf32, #tpu.memory_space<vmem>>, vector<1x256x64xf32>
    %get3A_249 = vector.shape_cast %get3A_248 : vector<1x256x64xf32> to vector<256x64xf32>
    %get3A_250 = arith.constant 6 : index
    %get3A_251 = arith.constant 0 : index
    %get3A_252 = arith.constant 0 : index
    %get3A_253 = vector.load %arg2[%get3A_250, %get3A_251, %get3A_252] : memref<32x256x128xf32, #tpu.memory_space<vmem>>, vector<1x256x64xf32>
    %get3A_254 = vector.shape_cast %get3A_253 : vector<1x256x64xf32> to vector<256x64xf32>
    %get3A_255 = arith.constant 6 : index
    %get3A_256 = arith.constant 0 : index
    %get3A_257 = arith.constant 64 : index
    %get3A_258 = vector.load %arg2[%get3A_255, %get3A_256, %get3A_257] : memref<32x256x128xf32, #tpu.memory_space<vmem>>, vector<1x256x64xf32>
    %get3A_259 = vector.shape_cast %get3A_258 : vector<1x256x64xf32> to vector<256x64xf32>
    %dot_general3A_260 = arith.constant dense<0.000000e+00> : vector<256x256xf32>
    %dot_general3A_261 = tpu.matmul %get3A_249, %get3A_254, %dot_general3A_260 {dimension_numbers = #tpu.dot_dimension_numbers<[1], [1], [0], [0], [0, 0, 1, 0], [], []>, transpose_lhs_hint = false} : vector<256x64xf32>, vector<256x64xf32>, vector<256x256xf32> -> vector<256x256xf32>
    %reduce_max3A_262 = arith.constant dense<0xFF800000> : vector<256xf32>
    %reduce_max3A_263 = vector.multi_reduction <maximumf>, %dot_general3A_261, %reduce_max3A_262 [1] : vector<256x256xf32> to vector<256xf32>
    %broadcast_in_dim3A_264 = vector.shape_cast %reduce_max3A_263 : vector<256xf32> to vector<256x1xf32>
    %sub3A_265 = vector.broadcast %broadcast_in_dim3A_264 : vector<256x1xf32> to vector<256x256xf32>
    %sub3A_266 = arith.subf %dot_general3A_261, %sub3A_265 : vector<256x256xf32>
    %exp3A_267 = math.exp %sub3A_266 : vector<256x256xf32>
    %reduce_sum3A_268 = arith.constant dense<0.000000e+00> : vector<256xf32>
    %reduce_sum3A_269 = vector.multi_reduction <add>, %exp3A_267, %reduce_sum3A_268 [1] : vector<256x256xf32> to vector<256xf32>
    %broadcast_in_dim3A_270 = vector.shape_cast %reduce_sum3A_269 : vector<256xf32> to vector<256x1xf32>
    %convert_element_type3A_271 = arith.truncf %exp3A_267 : vector<256x256xf32> to vector<256x256xbf16>
    %convert_element_type3A_272 = arith.truncf %get3A_259 : vector<256x64xf32> to vector<256x64xbf16>
    %dot_general3A_273 = arith.constant dense<0.000000e+00> : vector<256x64xf32>
    %dot_general3A_274 = tpu.matmul %convert_element_type3A_271, %convert_element_type3A_272, %dot_general3A_273 {dimension_numbers = #tpu.dot_dimension_numbers<[1], [0], [0], [1], [0, 0, 1, 1], [], []>, transpose_lhs_hint = false} : vector<256x256xbf16>, vector<256x64xbf16>, vector<256x64xf32> -> vector<256x64xf32>
    %log3A_275 = math.log %broadcast_in_dim3A_270 : vector<256x1xf32>
    %add3A_276 = arith.addf %broadcast_in_dim3A_264, %log3A_275 : vector<256x1xf32>
    %div3A_277 = vector.broadcast %broadcast_in_dim3A_270 : vector<256x1xf32> to vector<256x64xf32>
    %div3A_278 = arith.divf %dot_general3A_274, %div3A_277 : vector<256x64xf32>
    %broadcast_in_dim3A_279 = vector.shape_cast %add3A_276 : vector<256x1xf32> to vector<256x1xf32>
    %broadcast_in_dim3A_280 = vector.broadcast %broadcast_in_dim3A_279 : vector<256x1xf32> to vector<256x64xf32>
    %concatenate3A_281 = tpu.concatenate %div3A_278, %broadcast_in_dim3A_280 in 1 : vector<256x64xf32>, vector<256x64xf32> -> vector<256x128xf32>
    %swap3A_282 = arith.constant 6 : index
    %swap3A_283 = arith.constant 0 : index
    %swap3A_284 = arith.constant 0 : index
    %swap3A_285 = vector.load %arg3[%swap3A_282, %swap3A_283, %swap3A_284] : memref<32x256x128xf32, #tpu.memory_space<vmem>>, vector<1x256x128xf32>
    %swap3A_286 = vector.shape_cast %swap3A_285 : vector<1x256x128xf32> to vector<256x128xf32>
    %swap3A_287 = vector.shape_cast %concatenate3A_281 : vector<256x128xf32> to vector<1x256x128xf32>
    tpu.vector_store %arg3[%swap3A_282, %swap3A_283, %swap3A_284], %swap3A_287 {strides = array<i32>} : memref<32x256x128xf32, #tpu.memory_space<vmem>>, vector<1x256x128xf32>,
    %get3A_288 = arith.constant 7 : index
    %get3A_289 = arith.constant 0 : index
    %get3A_290 = arith.constant 0 : index
    %get3A_291 = vector.load %arg1[%get3A_288, %get3A_289, %get3A_290] : memref<32x256x128xf32, #tpu.memory_space<vmem>>, vector<1x256x64xf32>
    %get3A_292 = vector.shape_cast %get3A_291 : vector<1x256x64xf32> to vector<256x64xf32>
    %get3A_293 = arith.constant 7 : index
    %get3A_294 = arith.constant 0 : index
    %get3A_295 = arith.constant 0 : index
    %get3A_296 = vector.load %arg2[%get3A_293, %get3A_294, %get3A_295] : memref<32x256x128xf32, #tpu.memory_space<vmem>>, vector<1x256x64xf32>
    %get3A_297 = vector.shape_cast %get3A_296 : vector<1x256x64xf32> to vector<256x64xf32>
    %get3A_298 = arith.constant 7 : index
    %get3A_299 = arith.constant 0 : index
    %get3A_300 = arith.constant 64 : index
    %get3A_301 = vector.load %arg2[%get3A_298, %get3A_299, %get3A_300] : memref<32x256x128xf32, #tpu.memory_space<vmem>>, vector<1x256x64xf32>
    %get3A_302 = vector.shape_cast %get3A_301 : vector<1x256x64xf32> to vector<256x64xf32>
    %dot_general3A_303 = arith.constant dense<0.000000e+00> : vector<256x256xf32>
    %dot_general3A_304 = tpu.matmul %get3A_292, %get3A_297, %dot_general3A_303 {dimension_numbers = #tpu.dot_dimension_numbers<[1], [1], [0], [0], [0, 0, 1, 0], [], []>, transpose_lhs_hint = false} : vector<256x64xf32>, vector<256x64xf32>, vector<256x256xf32> -> vector<256x256xf32>
    %reduce_max3A_305 = arith.constant dense<0xFF800000> : vector<256xf32>
    %reduce_max3A_306 = vector.multi_reduction <maximumf>, %dot_general3A_304, %reduce_max3A_305 [1] : vector<256x256xf32> to vector<256xf32>
    %broadcast_in_dim3A_307 = vector.shape_cast %reduce_max3A_306 : vector<256xf32> to vector<256x1xf32>
    %sub3A_308 = vector.broadcast %broadcast_in_dim3A_307 : vector<256x1xf32> to vector<256x256xf32>
    %sub3A_309 = arith.subf %dot_general3A_304, %sub3A_308 : vector<256x256xf32>
    %exp3A_310 = math.exp %sub3A_309 : vector<256x256xf32>
    %reduce_sum3A_311 = arith.constant dense<0.000000e+00> : vector<256xf32>
    %reduce_sum3A_312 = vector.multi_reduction <add>, %exp3A_310, %reduce_sum3A_311 [1] : vector<256x256xf32> to vector<256xf32>
    %broadcast_in_dim3A_313 = vector.shape_cast %reduce_sum3A_312 : vector<256xf32> to vector<256x1xf32>
    %convert_element_type3A_314 = arith.truncf %exp3A_310 : vector<256x256xf32> to vector<256x256xbf16>
    %convert_element_type3A_315 = arith.truncf %get3A_302 : vector<256x64xf32> to vector<256x64xbf16>
    %dot_general3A_316 = arith.constant dense<0.000000e+00> : vector<256x64xf32>
    %dot_general3A_317 = tpu.matmul %convert_element_type3A_314, %convert_element_type3A_315, %dot_general3A_316 {dimension_numbers = #tpu.dot_dimension_numbers<[1], [0], [0], [1], [0, 0, 1, 1], [], []>, transpose_lhs_hint = false} : vector<256x256xbf16>, vector<256x64xbf16>, vector<256x64xf32> -> vector<256x64xf32>
    %log3A_318 = math.log %broadcast_in_dim3A_313 : vector<256x1xf32>
    %add3A_319 = arith.addf %broadcast_in_dim3A_307, %log3A_318 : vector<256x1xf32>
    %div3A_320 = vector.broadcast %broadcast_in_dim3A_313 : vector<256x1xf32> to vector<256x64xf32>
    %div3A_321 = arith.divf %dot_general3A_317, %div3A_320 : vector<256x64xf32>
    %broadcast_in_dim3A_322 = vector.shape_cast %add3A_319 : vector<256x1xf32> to vector<256x1xf32>
    %broadcast_in_dim3A_323 = vector.broadcast %broadcast_in_dim3A_322 : vector<256x1xf32> to vector<256x64xf32>
    %concatenate3A_324 = tpu.concatenate %div3A_321, %broadcast_in_dim3A_323 in 1 : vector<256x64xf32>, vector<256x64xf32> -> vector<256x128xf32>
    %swap3A_325 = arith.constant 7 : index
    %swap3A_326 = arith.constant 0 : index
    %swap3A_327 = arith.constant 0 : index
    %swap3A_328 = vector.load %arg3[%swap3A_325, %swap3A_326, %swap3A_327] : memref<32x256x128xf32, #tpu.memory_space<vmem>>, vector<1x256x128xf32>
    %swap3A_329 = vector.shape_cast %swap3A_328 : vector<1x256x128xf32> to vector<256x128xf32>
    %swap3A_330 = vector.shape_cast %concatenate3A_324 : vector<256x128xf32> to vector<1x256x128xf32>
    tpu.vector_store %arg3[%swap3A_325, %swap3A_326, %swap3A_327], %swap3A_330 {strides = array<i32>} : memref<32x256x128xf32, #tpu.memory_space<vmem>>, vector<1x256x128xf32>,
    %get3A_331 = arith.constant 8 : index
    %get3A_332 = arith.constant 0 : index
    %get3A_333 = arith.constant 0 : index
    %get3A_334 = vector.load %arg1[%get3A_331, %get3A_332, %get3A_333] : memref<32x256x128xf32, #tpu.memory_space<vmem>>, vector<1x256x64xf32>
    %get3A_335 = vector.shape_cast %get3A_334 : vector<1x256x64xf32> to vector<256x64xf32>
    %get3A_336 = arith.constant 8 : index
    %get3A_337 = arith.constant 0 : index
    %get3A_338 = arith.constant 0 : index
    %get3A_339 = vector.load %arg2[%get3A_336, %get3A_337, %get3A_338] : memref<32x256x128xf32, #tpu.memory_space<vmem>>, vector<1x256x64xf32>
    %get3A_340 = vector.shape_cast %get3A_339 : vector<1x256x64xf32> to vector<256x64xf32>
    %get3A_341 = arith.constant 8 : index
    %get3A_342 = arith.constant 0 : index
    %get3A_343 = arith.constant 64 : index
    %get3A_344 = vector.load %arg2[%get3A_341, %get3A_342, %get3A_343] : memref<32x256x128xf32, #tpu.memory_space<vmem>>, vector<1x256x64xf32>
    %get3A_345 = vector.shape_cast %get3A_344 : vector<1x256x64xf32> to vector<256x64xf32>
    %dot_general3A_346 = arith.constant dense<0.000000e+00> : vector<256x256xf32>
    %dot_general3A_347 = tpu.matmul %get3A_335, %get3A_340, %dot_general3A_346 {dimension_numbers = #tpu.dot_dimension_numbers<[1], [1], [0], [0], [0, 0, 1, 0], [], []>, transpose_lhs_hint = false} : vector<256x64xf32>, vector<256x64xf32>, vector<256x256xf32> -> vector<256x256xf32>
    %reduce_max3A_348 = arith.constant dense<0xFF800000> : vector<256xf32>
    %reduce_max3A_349 = vector.multi_reduction <maximumf>, %dot_general3A_347, %reduce_max3A_348 [1] : vector<256x256xf32> to vector<256xf32>
    %broadcast_in_dim3A_350 = vector.shape_cast %reduce_max3A_349 : vector<256xf32> to vector<256x1xf32>
    %sub3A_351 = vector.broadcast %broadcast_in_dim3A_350 : vector<256x1xf32> to vector<256x256xf32>
    %sub3A_352 = arith.subf %dot_general3A_347, %sub3A_351 : vector<256x256xf32>
    %exp3A_353 = math.exp %sub3A_352 : vector<256x256xf32>
    %reduce_sum3A_354 = arith.constant dense<0.000000e+00> : vector<256xf32>
    %reduce_sum3A_355 = vector.multi_reduction <add>, %exp3A_353, %reduce_sum3A_354 [1] : vector<256x256xf32> to vector<256xf32>
    %broadcast_in_dim3A_356 = vector.shape_cast %reduce_sum3A_355 : vector<256xf32> to vector<256x1xf32>
    %convert_element_type3A_357 = arith.truncf %exp3A_353 : vector<256x256xf32> to vector<256x256xbf16>
    %convert_element_type3A_358 = arith.truncf %get3A_345 : vector<256x64xf32> to vector<256x64xbf16>
    %dot_general3A_359 = arith.constant dense<0.000000e+00> : vector<256x64xf32>
    %dot_general3A_360 = tpu.matmul %convert_element_type3A_357, %convert_element_type3A_358, %dot_general3A_359 {dimension_numbers = #tpu.dot_dimension_numbers<[1], [0], [0], [1], [0, 0, 1, 1], [], []>, transpose_lhs_hint = false} : vector<256x256xbf16>, vector<256x64xbf16>, vector<256x64xf32> -> vector<256x64xf32>
    %log3A_361 = math.log %broadcast_in_dim3A_356 : vector<256x1xf32>
    %add3A_362 = arith.addf %broadcast_in_dim3A_350, %log3A_361 : vector<256x1xf32>
    %div3A_363 = vector.broadcast %broadcast_in_dim3A_356 : vector<256x1xf32> to vector<256x64xf32>
    %div3A_364 = arith.divf %dot_general3A_360, %div3A_363 : vector<256x64xf32>
    %broadcast_in_dim3A_365 = vector.shape_cast %add3A_362 : vector<256x1xf32> to vector<256x1xf32>
    %broadcast_in_dim3A_366 = vector.broadcast %broadcast_in_dim3A_365 : vector<256x1xf32> to vector<256x64xf32>
    %concatenate3A_367 = tpu.concatenate %div3A_364, %broadcast_in_dim3A_366 in 1 : vector<256x64xf32>, vector<256x64xf32> -> vector<256x128xf32>
    %swap3A_368 = arith.constant 8 : index
    %swap3A_369 = arith.constant 0 : index
    %swap3A_370 = arith.constant 0 : index
    %swap3A_371 = vector.load %arg3[%swap3A_368, %swap3A_369, %swap3A_370] : memref<32x256x128xf32, #tpu.memory_space<vmem>>, vector<1x256x128xf32>
    %swap3A_372 = vector.shape_cast %swap3A_371 : vector<1x256x128xf32> to vector<256x128xf32>
    %swap3A_373 = vector.shape_cast %concatenate3A_367 : vector<256x128xf32> to vector<1x256x128xf32>
    tpu.vector_store %arg3[%swap3A_368, %swap3A_369, %swap3A_370], %swap3A_373 {strides = array<i32>} : memref<32x256x128xf32, #tpu.memory_space<vmem>>, vector<1x256x128xf32>,
    %get3A_374 = arith.constant 9 : index
    %get3A_375 = arith.constant 0 : index
    %get3A_376 = arith.constant 0 : index
    %get3A_377 = vector.load %arg1[%get3A_374, %get3A_375, %get3A_376] : memref<32x256x128xf32, #tpu.memory_space<vmem>>, vector<1x256x64xf32>
    %get3A_378 = vector.shape_cast %get3A_377 : vector<1x256x64xf32> to vector<256x64xf32>
    %get3A_379 = arith.constant 9 : index
    %get3A_380 = arith.constant 0 : index
    %get3A_381 = arith.constant 0 : index
    %get3A_382 = vector.load %arg2[%get3A_379, %get3A_380, %get3A_381] : memref<32x256x128xf32, #tpu.memory_space<vmem>>, vector<1x256x64xf32>
    %get3A_383 = vector.shape_cast %get3A_382 : vector<1x256x64xf32> to vector<256x64xf32>
    %get3A_384 = arith.constant 9 : index
    %get3A_385 = arith.constant 0 : index
    %get3A_386 = arith.constant 64 : index
    %get3A_387 = vector.load %arg2[%get3A_384, %get3A_385, %get3A_386] : memref<32x256x128xf32, #tpu.memory_space<vmem>>, vector<1x256x64xf32>
    %get3A_388 = vector.shape_cast %get3A_387 : vector<1x256x64xf32> to vector<256x64xf32>
    %dot_general3A_389 = arith.constant dense<0.000000e+00> : vector<256x256xf32>
    %dot_general3A_390 = tpu.matmul %get3A_378, %get3A_383, %dot_general3A_389 {dimension_numbers = #tpu.dot_dimension_numbers<[1], [1], [0], [0], [0, 0, 1, 0], [], []>, transpose_lhs_hint = false} : vector<256x64xf32>, vector<256x64xf32>, vector<256x256xf32> -> vector<256x256xf32>
    %reduce_max3A_391 = arith.constant dense<0xFF800000> : vector<256xf32>
    %reduce_max3A_392 = vector.multi_reduction <maximumf>, %dot_general3A_390, %reduce_max3A_391 [1] : vector<256x256xf32> to vector<256xf32>
    %broadcast_in_dim3A_393 = vector.shape_cast %reduce_max3A_392 : vector<256xf32> to vector<256x1xf32>
    %sub3A_394 = vector.broadcast %broadcast_in_dim3A_393 : vector<256x1xf32> to vector<256x256xf32>
    %sub3A_395 = arith.subf %dot_general3A_390, %sub3A_394 : vector<256x256xf32>
    %exp3A_396 = math.exp %sub3A_395 : vector<256x256xf32>
    %reduce_sum3A_397 = arith.constant dense<0.000000e+00> : vector<256xf32>
    %reduce_sum3A_398 = vector.multi_reduction <add>, %exp3A_396, %reduce_sum3A_397 [1] : vector<256x256xf32> to vector<256xf32>
    %broadcast_in_dim3A_399 = vector.shape_cast %reduce_sum3A_398 : vector<256xf32> to vector<256x1xf32>
    %convert_element_type3A_400 = arith.truncf %exp3A_396 : vector<256x256xf32> to vector<256x256xbf16>
    %convert_element_type3A_401 = arith.truncf %get3A_388 : vector<256x64xf32> to vector<256x64xbf16>
    %dot_general3A_402 = arith.constant dense<0.000000e+00> : vector<256x64xf32>
    %dot_general3A_403 = tpu.matmul %convert_element_type3A_400, %convert_element_type3A_401, %dot_general3A_402 {dimension_numbers = #tpu.dot_dimension_numbers<[1], [0], [0], [1], [0, 0, 1, 1], [], []>, transpose_lhs_hint = false} : vector<256x256xbf16>, vector<256x64xbf16>, vector<256x64xf32> -> vector<256x64xf32>
    %log3A_404 = math.log %broadcast_in_dim3A_399 : vector<256x1xf32>
    %add3A_405 = arith.addf %broadcast_in_dim3A_393, %log3A_404 : vector<256x1xf32>
    %div3A_406 = vector.broadcast %broadcast_in_dim3A_399 : vector<256x1xf32> to vector<256x64xf32>
    %div3A_407 = arith.divf %dot_general3A_403, %div3A_406 : vector<256x64xf32>
    %broadcast_in_dim3A_408 = vector.shape_cast %add3A_405 : vector<256x1xf32> to vector<256x1xf32>
    %broadcast_in_dim3A_409 = vector.broadcast %broadcast_in_dim3A_408 : vector<256x1xf32> to vector<256x64xf32>
    %concatenate3A_410 = tpu.concatenate %div3A_407, %broadcast_in_dim3A_409 in 1 : vector<256x64xf32>, vector<256x64xf32> -> vector<256x128xf32>
    %swap3A_411 = arith.constant 9 : index
    %swap3A_412 = arith.constant 0 : index
    %swap3A_413 = arith.constant 0 : index
    %swap3A_414 = vector.load %arg3[%swap3A_411, %swap3A_412, %swap3A_413] : memref<32x256x128xf32, #tpu.memory_space<vmem>>, vector<1x256x128xf32>
    %swap3A_415 = vector.shape_cast %swap3A_414 : vector<1x256x128xf32> to vector<256x128xf32>
    %swap3A_416 = vector.shape_cast %concatenate3A_410 : vector<256x128xf32> to vector<1x256x128xf32>
    tpu.vector_store %arg3[%swap3A_411, %swap3A_412, %swap3A_413], %swap3A_416 {strides = array<i32>} : memref<32x256x128xf32, #tpu.memory_space<vmem>>, vector<1x256x128xf32>,
    %get3A_417 = arith.constant 10 : index
    %get3A_418 = arith.constant 0 : index
    %get3A_419 = arith.constant 0 : index
    %get3A_420 = vector.load %arg1[%get3A_417, %get3A_418, %get3A_419] : memref<32x256x128xf32, #tpu.memory_space<vmem>>, vector<1x256x64xf32>
    %get3A_421 = vector.shape_cast %get3A_420 : vector<1x256x64xf32> to vector<256x64xf32>
    %get3A_422 = arith.constant 10 : index
    %get3A_423 = arith.constant 0 : index
    %get3A_424 = arith.constant 0 : index
    %get3A_425 = vector.load %arg2[%get3A_422, %get3A_423, %get3A_424] : memref<32x256x128xf32, #tpu.memory_space<vmem>>, vector<1x256x64xf32>
    %get3A_426 = vector.shape_cast %get3A_425 : vector<1x256x64xf32> to vector<256x64xf32>
    %get3A_427 = arith.constant 10 : index
    %get3A_428 = arith.constant 0 : index
    %get3A_429 = arith.constant 64 : index
    %get3A_430 = vector.load %arg2[%get3A_427, %get3A_428, %get3A_429] : memref<32x256x128xf32, #tpu.memory_space<vmem>>, vector<1x256x64xf32>
    %get3A_431 = vector.shape_cast %get3A_430 : vector<1x256x64xf32> to vector<256x64xf32>
    %dot_general3A_432 = arith.constant dense<0.000000e+00> : vector<256x256xf32>
    %dot_general3A_433 = tpu.matmul %get3A_421, %get3A_426, %dot_general3A_432 {dimension_numbers = #tpu.dot_dimension_numbers<[1], [1], [0], [0], [0, 0, 1, 0], [], []>, transpose_lhs_hint = false} : vector<256x64xf32>, vector<256x64xf32>, vector<256x256xf32> -> vector<256x256xf32>
    %reduce_max3A_434 = arith.constant dense<0xFF800000> : vector<256xf32>
    %reduce_max3A_435 = vector.multi_reduction <maximumf>, %dot_general3A_433, %reduce_max3A_434 [1] : vector<256x256xf32> to vector<256xf32>
    %broadcast_in_dim3A_436 = vector.shape_cast %reduce_max3A_435 : vector<256xf32> to vector<256x1xf32>
    %sub3A_437 = vector.broadcast %broadcast_in_dim3A_436 : vector<256x1xf32> to vector<256x256xf32>
    %sub3A_438 = arith.subf %dot_general3A_433, %sub3A_437 : vector<256x256xf32>
    %exp3A_439 = math.exp %sub3A_438 : vector<256x256xf32>
    %reduce_sum3A_440 = arith.constant dense<0.000000e+00> : vector<256xf32>
    %reduce_sum3A_441 = vector.multi_reduction <add>, %exp3A_439, %reduce_sum3A_440 [1] : vector<256x256xf32> to vector<256xf32>
    %broadcast_in_dim3A_442 = vector.shape_cast %reduce_sum3A_441 : vector<256xf32> to vector<256x1xf32>
    %convert_element_type3A_443 = arith.truncf %exp3A_439 : vector<256x256xf32> to vector<256x256xbf16>
    %convert_element_type3A_444 = arith.truncf %get3A_431 : vector<256x64xf32> to vector<256x64xbf16>
    %dot_general3A_445 = arith.constant dense<0.000000e+00> : vector<256x64xf32>
    %dot_general3A_446 = tpu.matmul %convert_element_type3A_443, %convert_element_type3A_444, %dot_general3A_445 {dimension_numbers = #tpu.dot_dimension_numbers<[1], [0], [0], [1], [0, 0, 1, 1], [], []>, transpose_lhs_hint = false} : vector<256x256xbf16>, vector<256x64xbf16>, vector<256x64xf32> -> vector<256x64xf32>
    %log3A_447 = math.log %broadcast_in_dim3A_442 : vector<256x1xf32>
    %add3A_448 = arith.addf %broadcast_in_dim3A_436, %log3A_447 : vector<256x1xf32>
    %div3A_449 = vector.broadcast %broadcast_in_dim3A_442 : vector<256x1xf32> to vector<256x64xf32>
    %div3A_450 = arith.divf %dot_general3A_446, %div3A_449 : vector<256x64xf32>
    %broadcast_in_dim3A_451 = vector.shape_cast %add3A_448 : vector<256x1xf32> to vector<256x1xf32>
    %broadcast_in_dim3A_452 = vector.broadcast %broadcast_in_dim3A_451 : vector<256x1xf32> to vector<256x64xf32>
    %concatenate3A_453 = tpu.concatenate %div3A_450, %broadcast_in_dim3A_452 in 1 : vector<256x64xf32>, vector<256x64xf32> -> vector<256x128xf32>
    %swap3A_454 = arith.constant 10 : index
    %swap3A_455 = arith.constant 0 : index
    %swap3A_456 = arith.constant 0 : index
    %swap3A_457 = vector.load %arg3[%swap3A_454, %swap3A_455, %swap3A_456] : memref<32x256x128xf32, #tpu.memory_space<vmem>>, vector<1x256x128xf32>
    %swap3A_458 = vector.shape_cast %swap3A_457 : vector<1x256x128xf32> to vector<256x128xf32>
    %swap3A_459 = vector.shape_cast %concatenate3A_453 : vector<256x128xf32> to vector<1x256x128xf32>
    tpu.vector_store %arg3[%swap3A_454, %swap3A_455, %swap3A_456], %swap3A_459 {strides = array<i32>} : memref<32x256x128xf32, #tpu.memory_space<vmem>>, vector<1x256x128xf32>,
    %get3A_460 = arith.constant 11 : index
    %get3A_461 = arith.constant 0 : index
    %get3A_462 = arith.constant 0 : index
    %get3A_463 = vector.load %arg1[%get3A_460, %get3A_461, %get3A_462] : memref<32x256x128xf32, #tpu.memory_space<vmem>>, vector<1x256x64xf32>
    %get3A_464 = vector.shape_cast %get3A_463 : vector<1x256x64xf32> to vector<256x64xf32>
    %get3A_465 = arith.constant 11 : index
    %get3A_466 = arith.constant 0 : index
    %get3A_467 = arith.constant 0 : index
    %get3A_468 = vector.load %arg2[%get3A_465, %get3A_466, %get3A_467] : memref<32x256x128xf32, #tpu.memory_space<vmem>>, vector<1x256x64xf32>
    %get3A_469 = vector.shape_cast %get3A_468 : vector<1x256x64xf32> to vector<256x64xf32>
    %get3A_470 = arith.constant 11 : index
    %get3A_471 = arith.constant 0 : index
    %get3A_472 = arith.constant 64 : index
    %get3A_473 = vector.load %arg2[%get3A_470, %get3A_471, %get3A_472] : memref<32x256x128xf32, #tpu.memory_space<vmem>>, vector<1x256x64xf32>
    %get3A_474 = vector.shape_cast %get3A_473 : vector<1x256x64xf32> to vector<256x64xf32>
    %dot_general3A_475 = arith.constant dense<0.000000e+00> : vector<256x256xf32>
    %dot_general3A_476 = tpu.matmul %get3A_464, %get3A_469, %dot_general3A_475 {dimension_numbers = #tpu.dot_dimension_numbers<[1], [1], [0], [0], [0, 0, 1, 0], [], []>, transpose_lhs_hint = false} : vector<256x64xf32>, vector<256x64xf32>, vector<256x256xf32> -> vector<256x256xf32>
    %reduce_max3A_477 = arith.constant dense<0xFF800000> : vector<256xf32>
    %reduce_max3A_478 = vector.multi_reduction <maximumf>, %dot_general3A_476, %reduce_max3A_477 [1] : vector<256x256xf32> to vector<256xf32>
    %broadcast_in_dim3A_479 = vector.shape_cast %reduce_max3A_478 : vector<256xf32> to vector<256x1xf32>
    %sub3A_480 = vector.broadcast %broadcast_in_dim3A_479 : vector<256x1xf32> to vector<256x256xf32>
    %sub3A_481 = arith.subf %dot_general3A_476, %sub3A_480 : vector<256x256xf32>
    %exp3A_482 = math.exp %sub3A_481 : vector<256x256xf32>
    %reduce_sum3A_483 = arith.constant dense<0.000000e+00> : vector<256xf32>
    %reduce_sum3A_484 = vector.multi_reduction <add>, %exp3A_482, %reduce_sum3A_483 [1] : vector<256x256xf32> to vector<256xf32>
    %broadcast_in_dim3A_485 = vector.shape_cast %reduce_sum3A_484 : vector<256xf32> to vector<256x1xf32>
    %convert_element_type3A_486 = arith.truncf %exp3A_482 : vector<256x256xf32> to vector<256x256xbf16>
    %convert_element_type3A_487 = arith.truncf %get3A_474 : vector<256x64xf32> to vector<256x64xbf16>
    %dot_general3A_488 = arith.constant dense<0.000000e+00> : vector<256x64xf32>
    %dot_general3A_489 = tpu.matmul %convert_element_type3A_486, %convert_element_type3A_487, %dot_general3A_488 {dimension_numbers = #tpu.dot_dimension_numbers<[1], [0], [0], [1], [0, 0, 1, 1], [], []>, transpose_lhs_hint = false} : vector<256x256xbf16>, vector<256x64xbf16>, vector<256x64xf32> -> vector<256x64xf32>
    %log3A_490 = math.log %broadcast_in_dim3A_485 : vector<256x1xf32>
    %add3A_491 = arith.addf %broadcast_in_dim3A_479, %log3A_490 : vector<256x1xf32>
    %div3A_492 = vector.broadcast %broadcast_in_dim3A_485 : vector<256x1xf32> to vector<256x64xf32>
    %div3A_493 = arith.divf %dot_general3A_489, %div3A_492 : vector<256x64xf32>
    %broadcast_in_dim3A_494 = vector.shape_cast %add3A_491 : vector<256x1xf32> to vector<256x1xf32>
    %broadcast_in_dim3A_495 = vector.broadcast %broadcast_in_dim3A_494 : vector<256x1xf32> to vector<256x64xf32>
    %concatenate3A_496 = tpu.concatenate %div3A_493, %broadcast_in_dim3A_495 in 1 : vector<256x64xf32>, vector<256x64xf32> -> vector<256x128xf32>
    %swap3A_497 = arith.constant 11 : index
    %swap3A_498 = arith.constant 0 : index
    %swap3A_499 = arith.constant 0 : index
    %swap3A_500 = vector.load %arg3[%swap3A_497, %swap3A_498, %swap3A_499] : memref<32x256x128xf32, #tpu.memory_space<vmem>>, vector<1x256x128xf32>
    %swap3A_501 = vector.shape_cast %swap3A_500 : vector<1x256x128xf32> to vector<256x128xf32>
    %swap3A_502 = vector.shape_cast %concatenate3A_496 : vector<256x128xf32> to vector<1x256x128xf32>
    tpu.vector_store %arg3[%swap3A_497, %swap3A_498, %swap3A_499], %swap3A_502 {strides = array<i32>} : memref<32x256x128xf32, #tpu.memory_space<vmem>>, vector<1x256x128xf32>,
    %get3A_503 = arith.constant 12 : index
    %get3A_504 = arith.constant 0 : index
    %get3A_505 = arith.constant 0 : index
    %get3A_506 = vector.load %arg1[%get3A_503, %get3A_504, %get3A_505] : memref<32x256x128xf32, #tpu.memory_space<vmem>>, vector<1x256x64xf32>
    %get3A_507 = vector.shape_cast %get3A_506 : vector<1x256x64xf32> to vector<256x64xf32>
    %get3A_508 = arith.constant 12 : index
    %get3A_509 = arith.constant 0 : index
    %get3A_510 = arith.constant 0 : index
    %get3A_511 = vector.load %arg2[%get3A_508, %get3A_509, %get3A_510] : memref<32x256x128xf32, #tpu.memory_space<vmem>>, vector<1x256x64xf32>
    %get3A_512 = vector.shape_cast %get3A_511 : vector<1x256x64xf32> to vector<256x64xf32>
    %get3A_513 = arith.constant 12 : index
    %get3A_514 = arith.constant 0 : index
    %get3A_515 = arith.constant 64 : index
    %get3A_516 = vector.load %arg2[%get3A_513, %get3A_514, %get3A_515] : memref<32x256x128xf32, #tpu.memory_space<vmem>>, vector<1x256x64xf32>
    %get3A_517 = vector.shape_cast %get3A_516 : vector<1x256x64xf32> to vector<256x64xf32>
    %dot_general3A_518 = arith.constant dense<0.000000e+00> : vector<256x256xf32>
    %dot_general3A_519 = tpu.matmul %get3A_507, %get3A_512, %dot_general3A_518 {dimension_numbers = #tpu.dot_dimension_numbers<[1], [1], [0], [0], [0, 0, 1, 0], [], []>, transpose_lhs_hint = false} : vector<256x64xf32>, vector<256x64xf32>, vector<256x256xf32> -> vector<256x256xf32>
    %reduce_max3A_520 = arith.constant dense<0xFF800000> : vector<256xf32>
    %reduce_max3A_521 = vector.multi_reduction <maximumf>, %dot_general3A_519, %reduce_max3A_520 [1] : vector<256x256xf32> to vector<256xf32>
    %broadcast_in_dim3A_522 = vector.shape_cast %reduce_max3A_521 : vector<256xf32> to vector<256x1xf32>
    %sub3A_523 = vector.broadcast %broadcast_in_dim3A_522 : vector<256x1xf32> to vector<256x256xf32>
    %sub3A_524 = arith.subf %dot_general3A_519, %sub3A_523 : vector<256x256xf32>
    %exp3A_525 = math.exp %sub3A_524 : vector<256x256xf32>
    %reduce_sum3A_526 = arith.constant dense<0.000000e+00> : vector<256xf32>
    %reduce_sum3A_527 = vector.multi_reduction <add>, %exp3A_525, %reduce_sum3A_526 [1] : vector<256x256xf32> to vector<256xf32>
    %broadcast_in_dim3A_528 = vector.shape_cast %reduce_sum3A_527 : vector<256xf32> to vector<256x1xf32>
    %convert_element_type3A_529 = arith.truncf %exp3A_525 : vector<256x256xf32> to vector<256x256xbf16>
    %convert_element_type3A_530 = arith.truncf %get3A_517 : vector<256x64xf32> to vector<256x64xbf16>
    %dot_general3A_531 = arith.constant dense<0.000000e+00> : vector<256x64xf32>
    %dot_general3A_532 = tpu.matmul %convert_element_type3A_529, %convert_element_type3A_530, %dot_general3A_531 {dimension_numbers = #tpu.dot_dimension_numbers<[1], [0], [0], [1], [0, 0, 1, 1], [], []>, transpose_lhs_hint = false} : vector<256x256xbf16>, vector<256x64xbf16>, vector<256x64xf32> -> vector<256x64xf32>
    %log3A_533 = math.log %broadcast_in_dim3A_528 : vector<256x1xf32>
    %add3A_534 = arith.addf %broadcast_in_dim3A_522, %log3A_533 : vector<256x1xf32>
    %div3A_535 = vector.broadcast %broadcast_in_dim3A_528 : vector<256x1xf32> to vector<256x64xf32>
    %div3A_536 = arith.divf %dot_general3A_532, %div3A_535 : vector<256x64xf32>
    %broadcast_in_dim3A_537 = vector.shape_cast %add3A_534 : vector<256x1xf32> to vector<256x1xf32>
    %broadcast_in_dim3A_538 = vector.broadcast %broadcast_in_dim3A_537 : vector<256x1xf32> to vector<256x64xf32>
    %concatenate3A_539 = tpu.concatenate %div3A_536, %broadcast_in_dim3A_538 in 1 : vector<256x64xf32>, vector<256x64xf32> -> vector<256x128xf32>
    %swap3A_540 = arith.constant 12 : index
    %swap3A_541 = arith.constant 0 : index
    %swap3A_542 = arith.constant 0 : index
    %swap3A_543 = vector.load %arg3[%swap3A_540, %swap3A_541, %swap3A_542] : memref<32x256x128xf32, #tpu.memory_space<vmem>>, vector<1x256x128xf32>
    %swap3A_544 = vector.shape_cast %swap3A_543 : vector<1x256x128xf32> to vector<256x128xf32>
    %swap3A_545 = vector.shape_cast %concatenate3A_539 : vector<256x128xf32> to vector<1x256x128xf32>
    tpu.vector_store %arg3[%swap3A_540, %swap3A_541, %swap3A_542], %swap3A_545 {strides = array<i32>} : memref<32x256x128xf32, #tpu.memory_space<vmem>>, vector<1x256x128xf32>,
    %get3A_546 = arith.constant 13 : index
    %get3A_547 = arith.constant 0 : index
    %get3A_548 = arith.constant 0 : index
    %get3A_549 = vector.load %arg1[%get3A_546, %get3A_547, %get3A_548] : memref<32x256x128xf32, #tpu.memory_space<vmem>>, vector<1x256x64xf32>
    %get3A_550 = vector.shape_cast %get3A_549 : vector<1x256x64xf32> to vector<256x64xf32>
    %get3A_551 = arith.constant 13 : index
    %get3A_552 = arith.constant 0 : index
    %get3A_553 = arith.constant 0 : index
    %get3A_554 = vector.load %arg2[%get3A_551, %get3A_552, %get3A_553] : memref<32x256x128xf32, #tpu.memory_space<vmem>>, vector<1x256x64xf32>
    %get3A_555 = vector.shape_cast %get3A_554 : vector<1x256x64xf32> to vector<256x64xf32>
    %get3A_556 = arith.constant 13 : index
    %get3A_557 = arith.constant 0 : index
    %get3A_558 = arith.constant 64 : index
    %get3A_559 = vector.load %arg2[%get3A_556, %get3A_557, %get3A_558] : memref<32x256x128xf32, #tpu.memory_space<vmem>>, vector<1x256x64xf32>
    %get3A_560 = vector.shape_cast %get3A_559 : vector<1x256x64xf32> to vector<256x64xf32>
    %dot_general3A_561 = arith.constant dense<0.000000e+00> : vector<256x256xf32>
    %dot_general3A_562 = tpu.matmul %get3A_550, %get3A_555, %dot_general3A_561 {dimension_numbers = #tpu.dot_dimension_numbers<[1], [1], [0], [0], [0, 0, 1, 0], [], []>, transpose_lhs_hint = false} : vector<256x64xf32>, vector<256x64xf32>, vector<256x256xf32> -> vector<256x256xf32>
    %reduce_max3A_563 = arith.constant dense<0xFF800000> : vector<256xf32>
    %reduce_max3A_564 = vector.multi_reduction <maximumf>, %dot_general3A_562, %reduce_max3A_563 [1] : vector<256x256xf32> to vector<256xf32>
    %broadcast_in_dim3A_565 = vector.shape_cast %reduce_max3A_564 : vector<256xf32> to vector<256x1xf32>
    %sub3A_566 = vector.broadcast %broadcast_in_dim3A_565 : vector<256x1xf32> to vector<256x256xf32>
    %sub3A_567 = arith.subf %dot_general3A_562, %sub3A_566 : vector<256x256xf32>
    %exp3A_568 = math.exp %sub3A_567 : vector<256x256xf32>
    %reduce_sum3A_569 = arith.constant dense<0.000000e+00> : vector<256xf32>
    %reduce_sum3A_570 = vector.multi_reduction <add>, %exp3A_568, %reduce_sum3A_569 [1] : vector<256x256xf32> to vector<256xf32>
    %broadcast_in_dim3A_571 = vector.shape_cast %reduce_sum3A_570 : vector<256xf32> to vector<256x1xf32>
    %convert_element_type3A_572 = arith.truncf %exp3A_568 : vector<256x256xf32> to vector<256x256xbf16>
    %convert_element_type3A_573 = arith.truncf %get3A_560 : vector<256x64xf32> to vector<256x64xbf16>
    %dot_general3A_574 = arith.constant dense<0.000000e+00> : vector<256x64xf32>
    %dot_general3A_575 = tpu.matmul %convert_element_type3A_572, %convert_element_type3A_573, %dot_general3A_574 {dimension_numbers = #tpu.dot_dimension_numbers<[1], [0], [0], [1], [0, 0, 1, 1], [], []>, transpose_lhs_hint = false} : vector<256x256xbf16>, vector<256x64xbf16>, vector<256x64xf32> -> vector<256x64xf32>
    %log3A_576 = math.log %broadcast_in_dim3A_571 : vector<256x1xf32>
    %add3A_577 = arith.addf %broadcast_in_dim3A_565, %log3A_576 : vector<256x1xf32>
    %div3A_578 = vector.broadcast %broadcast_in_dim3A_571 : vector<256x1xf32> to vector<256x64xf32>
    %div3A_579 = arith.divf %dot_general3A_575, %div3A_578 : vector<256x64xf32>
    %broadcast_in_dim3A_580 = vector.shape_cast %add3A_577 : vector<256x1xf32> to vector<256x1xf32>
    %broadcast_in_dim3A_581 = vector.broadcast %broadcast_in_dim3A_580 : vector<256x1xf32> to vector<256x64xf32>
    %concatenate3A_582 = tpu.concatenate %div3A_579, %broadcast_in_dim3A_581 in 1 : vector<256x64xf32>, vector<256x64xf32> -> vector<256x128xf32>
    %swap3A_583 = arith.constant 13 : index
    %swap3A_584 = arith.constant 0 : index
    %swap3A_585 = arith.constant 0 : index
    %swap3A_586 = vector.load %arg3[%swap3A_583, %swap3A_584, %swap3A_585] : memref<32x256x128xf32, #tpu.memory_space<vmem>>, vector<1x256x128xf32>
    %swap3A_587 = vector.shape_cast %swap3A_586 : vector<1x256x128xf32> to vector<256x128xf32>
    %swap3A_588 = vector.shape_cast %concatenate3A_582 : vector<256x128xf32> to vector<1x256x128xf32>
    tpu.vector_store %arg3[%swap3A_583, %swap3A_584, %swap3A_585], %swap3A_588 {strides = array<i32>} : memref<32x256x128xf32, #tpu.memory_space<vmem>>, vector<1x256x128xf32>,
    %get3A_589 = arith.constant 14 : index
    %get3A_590 = arith.constant 0 : index
    %get3A_591 = arith.constant 0 : index
    %get3A_592 = vector.load %arg1[%get3A_589, %get3A_590, %get3A_591] : memref<32x256x128xf32, #tpu.memory_space<vmem>>, vector<1x256x64xf32>
    %get3A_593 = vector.shape_cast %get3A_592 : vector<1x256x64xf32> to vector<256x64xf32>
    %get3A_594 = arith.constant 14 : index
    %get3A_595 = arith.constant 0 : index
    %get3A_596 = arith.constant 0 : index
    %get3A_597 = vector.load %arg2[%get3A_594, %get3A_595, %get3A_596] : memref<32x256x128xf32, #tpu.memory_space<vmem>>, vector<1x256x64xf32>
    %get3A_598 = vector.shape_cast %get3A_597 : vector<1x256x64xf32> to vector<256x64xf32>
    %get3A_599 = arith.constant 14 : index
    %get3A_600 = arith.constant 0 : index
    %get3A_601 = arith.constant 64 : index
    %get3A_602 = vector.load %arg2[%get3A_599, %get3A_600, %get3A_601] : memref<32x256x128xf32, #tpu.memory_space<vmem>>, vector<1x256x64xf32>
    %get3A_603 = vector.shape_cast %get3A_602 : vector<1x256x64xf32> to vector<256x64xf32>
    %dot_general3A_604 = arith.constant dense<0.000000e+00> : vector<256x256xf32>
    %dot_general3A_605 = tpu.matmul %get3A_593, %get3A_598, %dot_general3A_604 {dimension_numbers = #tpu.dot_dimension_numbers<[1], [1], [0], [0], [0, 0, 1, 0], [], []>, transpose_lhs_hint = false} : vector<256x64xf32>, vector<256x64xf32>, vector<256x256xf32> -> vector<256x256xf32>
    %reduce_max3A_606 = arith.constant dense<0xFF800000> : vector<256xf32>
    %reduce_max3A_607 = vector.multi_reduction <maximumf>, %dot_general3A_605, %reduce_max3A_606 [1] : vector<256x256xf32> to vector<256xf32>
    %broadcast_in_dim3A_608 = vector.shape_cast %reduce_max3A_607 : vector<256xf32> to vector<256x1xf32>
    %sub3A_609 = vector.broadcast %broadcast_in_dim3A_608 : vector<256x1xf32> to vector<256x256xf32>
    %sub3A_610 = arith.subf %dot_general3A_605, %sub3A_609 : vector<256x256xf32>
    %exp3A_611 = math.exp %sub3A_610 : vector<256x256xf32>
    %reduce_sum3A_612 = arith.constant dense<0.000000e+00> : vector<256xf32>
    %reduce_sum3A_613 = vector.multi_reduction <add>, %exp3A_611, %reduce_sum3A_612 [1] : vector<256x256xf32> to vector<256xf32>
    %broadcast_in_dim3A_614 = vector.shape_cast %reduce_sum3A_613 : vector<256xf32> to vector<256x1xf32>
    %convert_element_type3A_615 = arith.truncf %exp3A_611 : vector<256x256xf32> to vector<256x256xbf16>
    %convert_element_type3A_616 = arith.truncf %get3A_603 : vector<256x64xf32> to vector<256x64xbf16>
    %dot_general3A_617 = arith.constant dense<0.000000e+00> : vector<256x64xf32>
    %dot_general3A_618 = tpu.matmul %convert_element_type3A_615, %convert_element_type3A_616, %dot_general3A_617 {dimension_numbers = #tpu.dot_dimension_numbers<[1], [0], [0], [1], [0, 0, 1, 1], [], []>, transpose_lhs_hint = false} : vector<256x256xbf16>, vector<256x64xbf16>, vector<256x64xf32> -> vector<256x64xf32>
    %log3A_619 = math.log %broadcast_in_dim3A_614 : vector<256x1xf32>
    %add3A_620 = arith.addf %broadcast_in_dim3A_608, %log3A_619 : vector<256x1xf32>
    %div3A_621 = vector.broadcast %broadcast_in_dim3A_614 : vector<256x1xf32> to vector<256x64xf32>
    %div3A_622 = arith.divf %dot_general3A_618, %div3A_621 : vector<256x64xf32>
    %broadcast_in_dim3A_623 = vector.shape_cast %add3A_620 : vector<256x1xf32> to vector<256x1xf32>
    %broadcast_in_dim3A_624 = vector.broadcast %broadcast_in_dim3A_623 : vector<256x1xf32> to vector<256x64xf32>
    %concatenate3A_625 = tpu.concatenate %div3A_622, %broadcast_in_dim3A_624 in 1 : vector<256x64xf32>, vector<256x64xf32> -> vector<256x128xf32>
    %swap3A_626 = arith.constant 14 : index
    %swap3A_627 = arith.constant 0 : index
    %swap3A_628 = arith.constant 0 : index
    %swap3A_629 = vector.load %arg3[%swap3A_626, %swap3A_627, %swap3A_628] : memref<32x256x128xf32, #tpu.memory_space<vmem>>, vector<1x256x128xf32>
    %swap3A_630 = vector.shape_cast %swap3A_629 : vector<1x256x128xf32> to vector<256x128xf32>
    %swap3A_631 = vector.shape_cast %concatenate3A_625 : vector<256x128xf32> to vector<1x256x128xf32>
    tpu.vector_store %arg3[%swap3A_626, %swap3A_627, %swap3A_628], %swap3A_631 {strides = array<i32>} : memref<32x256x128xf32, #tpu.memory_space<vmem>>, vector<1x256x128xf32>,
    %get3A_632 = arith.constant 15 : index
    %get3A_633 = arith.constant 0 : index
    %get3A_634 = arith.constant 0 : index
    %get3A_635 = vector.load %arg1[%get3A_632, %get3A_633, %get3A_634] : memref<32x256x128xf32, #tpu.memory_space<vmem>>, vector<1x256x64xf32>
    %get3A_636 = vector.shape_cast %get3A_635 : vector<1x256x64xf32> to vector<256x64xf32>
    %get3A_637 = arith.constant 15 : index
    %get3A_638 = arith.constant 0 : index
    %get3A_639 = arith.constant 0 : index
    %get3A_640 = vector.load %arg2[%get3A_637, %get3A_638, %get3A_639] : memref<32x256x128xf32, #tpu.memory_space<vmem>>, vector<1x256x64xf32>
    %get3A_641 = vector.shape_cast %get3A_640 : vector<1x256x64xf32> to vector<256x64xf32>
    %get3A_642 = arith.constant 15 : index
    %get3A_643 = arith.constant 0 : index
    %get3A_644 = arith.constant 64 : index
    %get3A_645 = vector.load %arg2[%get3A_642, %get3A_643, %get3A_644] : memref<32x256x128xf32, #tpu.memory_space<vmem>>, vector<1x256x64xf32>
    %get3A_646 = vector.shape_cast %get3A_645 : vector<1x256x64xf32> to vector<256x64xf32>
    %dot_general3A_647 = arith.constant dense<0.000000e+00> : vector<256x256xf32>
    %dot_general3A_648 = tpu.matmul %get3A_636, %get3A_641, %dot_general3A_647 {dimension_numbers = #tpu.dot_dimension_numbers<[1], [1], [0], [0], [0, 0, 1, 0], [], []>, transpose_lhs_hint = false} : vector<256x64xf32>, vector<256x64xf32>, vector<256x256xf32> -> vector<256x256xf32>
    %reduce_max3A_649 = arith.constant dense<0xFF800000> : vector<256xf32>
    %reduce_max3A_650 = vector.multi_reduction <maximumf>, %dot_general3A_648, %reduce_max3A_649 [1] : vector<256x256xf32> to vector<256xf32>
    %broadcast_in_dim3A_651 = vector.shape_cast %reduce_max3A_650 : vector<256xf32> to vector<256x1xf32>
    %sub3A_652 = vector.broadcast %broadcast_in_dim3A_651 : vector<256x1xf32> to vector<256x256xf32>
    %sub3A_653 = arith.subf %dot_general3A_648, %sub3A_652 : vector<256x256xf32>
    %exp3A_654 = math.exp %sub3A_653 : vector<256x256xf32>
    %reduce_sum3A_655 = arith.constant dense<0.000000e+00> : vector<256xf32>
    %reduce_sum3A_656 = vector.multi_reduction <add>, %exp3A_654, %reduce_sum3A_655 [1] : vector<256x256xf32> to vector<256xf32>
    %broadcast_in_dim3A_657 = vector.shape_cast %reduce_sum3A_656 : vector<256xf32> to vector<256x1xf32>
    %convert_element_type3A_658 = arith.truncf %exp3A_654 : vector<256x256xf32> to vector<256x256xbf16>
    %convert_element_type3A_659 = arith.truncf %get3A_646 : vector<256x64xf32> to vector<256x64xbf16>
    %dot_general3A_660 = arith.constant dense<0.000000e+00> : vector<256x64xf32>
    %dot_general3A_661 = tpu.matmul %convert_element_type3A_658, %convert_element_type3A_659, %dot_general3A_660 {dimension_numbers = #tpu.dot_dimension_numbers<[1], [0], [0], [1], [0, 0, 1, 1], [], []>, transpose_lhs_hint = false} : vector<256x256xbf16>, vector<256x64xbf16>, vector<256x64xf32> -> vector<256x64xf32>
    %log3A_662 = math.log %broadcast_in_dim3A_657 : vector<256x1xf32>
    %add3A_663 = arith.addf %broadcast_in_dim3A_651, %log3A_662 : vector<256x1xf32>
    %div3A_664 = vector.broadcast %broadcast_in_dim3A_657 : vector<256x1xf32> to vector<256x64xf32>
    %div3A_665 = arith.divf %dot_general3A_661, %div3A_664 : vector<256x64xf32>
    %broadcast_in_dim3A_666 = vector.shape_cast %add3A_663 : vector<256x1xf32> to vector<256x1xf32>
    %broadcast_in_dim3A_667 = vector.broadcast %broadcast_in_dim3A_666 : vector<256x1xf32> to vector<256x64xf32>
    %concatenate3A_668 = tpu.concatenate %div3A_665, %broadcast_in_dim3A_667 in 1 : vector<256x64xf32>, vector<256x64xf32> -> vector<256x128xf32>
    %swap3A_669 = arith.constant 15 : index
    %swap3A_670 = arith.constant 0 : index
    %swap3A_671 = arith.constant 0 : index
    %swap3A_672 = vector.load %arg3[%swap3A_669, %swap3A_670, %swap3A_671] : memref<32x256x128xf32, #tpu.memory_space<vmem>>, vector<1x256x128xf32>
    %swap3A_673 = vector.shape_cast %swap3A_672 : vector<1x256x128xf32> to vector<256x128xf32>
    %swap3A_674 = vector.shape_cast %concatenate3A_668 : vector<256x128xf32> to vector<1x256x128xf32>
    tpu.vector_store %arg3[%swap3A_669, %swap3A_670, %swap3A_671], %swap3A_674 {strides = array<i32>} : memref<32x256x128xf32, #tpu.memory_space<vmem>>, vector<1x256x128xf32>,
    %get3A_675 = arith.constant 16 : index
    %get3A_676 = arith.constant 0 : index
    %get3A_677 = arith.constant 0 : index
    %get3A_678 = vector.load %arg1[%get3A_675, %get3A_676, %get3A_677] : memref<32x256x128xf32, #tpu.memory_space<vmem>>, vector<1x256x64xf32>
    %get3A_679 = vector.shape_cast %get3A_678 : vector<1x256x64xf32> to vector<256x64xf32>
    %get3A_680 = arith.constant 16 : index
    %get3A_681 = arith.constant 0 : index
    %get3A_682 = arith.constant 0 : index
    %get3A_683 = vector.load %arg2[%get3A_680, %get3A_681, %get3A_682] : memref<32x256x128xf32, #tpu.memory_space<vmem>>, vector<1x256x64xf32>
    %get3A_684 = vector.shape_cast %get3A_683 : vector<1x256x64xf32> to vector<256x64xf32>
    %get3A_685 = arith.constant 16 : index
    %get3A_686 = arith.constant 0 : index
    %get3A_687 = arith.constant 64 : index
    %get3A_688 = vector.load %arg2[%get3A_685, %get3A_686, %get3A_687] : memref<32x256x128xf32, #tpu.memory_space<vmem>>, vector<1x256x64xf32>
    %get3A_689 = vector.shape_cast %get3A_688 : vector<1x256x64xf32> to vector<256x64xf32>
    %dot_general3A_690 = arith.constant dense<0.000000e+00> : vector<256x256xf32>
    %dot_general3A_691 = tpu.matmul %get3A_679, %get3A_684, %dot_general3A_690 {dimension_numbers = #tpu.dot_dimension_numbers<[1], [1], [0], [0], [0, 0, 1, 0], [], []>, transpose_lhs_hint = false} : vector<256x64xf32>, vector<256x64xf32>, vector<256x256xf32> -> vector<256x256xf32>
    %reduce_max3A_692 = arith.constant dense<0xFF800000> : vector<256xf32>
    %reduce_max3A_693 = vector.multi_reduction <maximumf>, %dot_general3A_691, %reduce_max3A_692 [1] : vector<256x256xf32> to vector<256xf32>
    %broadcast_in_dim3A_694 = vector.shape_cast %reduce_max3A_693 : vector<256xf32> to vector<256x1xf32>
    %sub3A_695 = vector.broadcast %broadcast_in_dim3A_694 : vector<256x1xf32> to vector<256x256xf32>
    %sub3A_696 = arith.subf %dot_general3A_691, %sub3A_695 : vector<256x256xf32>
    %exp3A_697 = math.exp %sub3A_696 : vector<256x256xf32>
    %reduce_sum3A_698 = arith.constant dense<0.000000e+00> : vector<256xf32>
    %reduce_sum3A_699 = vector.multi_reduction <add>, %exp3A_697, %reduce_sum3A_698 [1] : vector<256x256xf32> to vector<256xf32>
    %broadcast_in_dim3A_700 = vector.shape_cast %reduce_sum3A_699 : vector<256xf32> to vector<256x1xf32>
    %convert_element_type3A_701 = arith.truncf %exp3A_697 : vector<256x256xf32> to vector<256x256xbf16>
    %convert_element_type3A_702 = arith.truncf %get3A_689 : vector<256x64xf32> to vector<256x64xbf16>
    %dot_general3A_703 = arith.constant dense<0.000000e+00> : vector<256x64xf32>
    %dot_general3A_704 = tpu.matmul %convert_element_type3A_701, %convert_element_type3A_702, %dot_general3A_703 {dimension_numbers = #tpu.dot_dimension_numbers<[1], [0], [0], [1], [0, 0, 1, 1], [], []>, transpose_lhs_hint = false} : vector<256x256xbf16>, vector<256x64xbf16>, vector<256x64xf32> -> vector<256x64xf32>
    %log3A_705 = math.log %broadcast_in_dim3A_700 : vector<256x1xf32>
    %add3A_706 = arith.addf %broadcast_in_dim3A_694, %log3A_705 : vector<256x1xf32>
    %div3A_707 = vector.broadcast %broadcast_in_dim3A_700 : vector<256x1xf32> to vector<256x64xf32>
    %div3A_708 = arith.divf %dot_general3A_704, %div3A_707 : vector<256x64xf32>
    %broadcast_in_dim3A_709 = vector.shape_cast %add3A_706 : vector<256x1xf32> to vector<256x1xf32>
    %broadcast_in_dim3A_710 = vector.broadcast %broadcast_in_dim3A_709 : vector<256x1xf32> to vector<256x64xf32>
    %concatenate3A_711 = tpu.concatenate %div3A_708, %broadcast_in_dim3A_710 in 1 : vector<256x64xf32>, vector<256x64xf32> -> vector<256x128xf32>
    %swap3A_712 = arith.constant 16 : index
    %swap3A_713 = arith.constant 0 : index
    %swap3A_714 = arith.constant 0 : index
    %swap3A_715 = vector.load %arg3[%swap3A_712, %swap3A_713, %swap3A_714] : memref<32x256x128xf32, #tpu.memory_space<vmem>>, vector<1x256x128xf32>
    %swap3A_716 = vector.shape_cast %swap3A_715 : vector<1x256x128xf32> to vector<256x128xf32>
    %swap3A_717 = vector.shape_cast %concatenate3A_711 : vector<256x128xf32> to vector<1x256x128xf32>
    tpu.vector_store %arg3[%swap3A_712, %swap3A_713, %swap3A_714], %swap3A_717 {strides = array<i32>} : memref<32x256x128xf32, #tpu.memory_space<vmem>>, vector<1x256x128xf32>,
    %get3A_718 = arith.constant 17 : index
    %get3A_719 = arith.constant 0 : index
    %get3A_720 = arith.constant 0 : index
    %get3A_721 = vector.load %arg1[%get3A_718, %get3A_719, %get3A_720] : memref<32x256x128xf32, #tpu.memory_space<vmem>>, vector<1x256x64xf32>
    %get3A_722 = vector.shape_cast %get3A_721 : vector<1x256x64xf32> to vector<256x64xf32>
    %get3A_723 = arith.constant 17 : index
    %get3A_724 = arith.constant 0 : index
    %get3A_725 = arith.constant 0 : index
    %get3A_726 = vector.load %arg2[%get3A_723, %get3A_724, %get3A_725] : memref<32x256x128xf32, #tpu.memory_space<vmem>>, vector<1x256x64xf32>
    %get3A_727 = vector.shape_cast %get3A_726 : vector<1x256x64xf32> to vector<256x64xf32>
    %get3A_728 = arith.constant 17 : index
    %get3A_729 = arith.constant 0 : index
    %get3A_730 = arith.constant 64 : index
    %get3A_731 = vector.load %arg2[%get3A_728, %get3A_729, %get3A_730] : memref<32x256x128xf32, #tpu.memory_space<vmem>>, vector<1x256x64xf32>
    %get3A_732 = vector.shape_cast %get3A_731 : vector<1x256x64xf32> to vector<256x64xf32>
    %dot_general3A_733 = arith.constant dense<0.000000e+00> : vector<256x256xf32>
    %dot_general3A_734 = tpu.matmul %get3A_722, %get3A_727, %dot_general3A_733 {dimension_numbers = #tpu.dot_dimension_numbers<[1], [1], [0], [0], [0, 0, 1, 0], [], []>, transpose_lhs_hint = false} : vector<256x64xf32>, vector<256x64xf32>, vector<256x256xf32> -> vector<256x256xf32>
    %reduce_max3A_735 = arith.constant dense<0xFF800000> : vector<256xf32>
    %reduce_max3A_736 = vector.multi_reduction <maximumf>, %dot_general3A_734, %reduce_max3A_735 [1] : vector<256x256xf32> to vector<256xf32>
    %broadcast_in_dim3A_737 = vector.shape_cast %reduce_max3A_736 : vector<256xf32> to vector<256x1xf32>
    %sub3A_738 = vector.broadcast %broadcast_in_dim3A_737 : vector<256x1xf32> to vector<256x256xf32>
    %sub3A_739 = arith.subf %dot_general3A_734, %sub3A_738 : vector<256x256xf32>
    %exp3A_740 = math.exp %sub3A_739 : vector<256x256xf32>
    %reduce_sum3A_741 = arith.constant dense<0.000000e+00> : vector<256xf32>
    %reduce_sum3A_742 = vector.multi_reduction <add>, %exp3A_740, %reduce_sum3A_741 [1] : vector<256x256xf32> to vector<256xf32>
    %broadcast_in_dim3A_743 = vector.shape_cast %reduce_sum3A_742 : vector<256xf32> to vector<256x1xf32>
    %convert_element_type3A_744 = arith.truncf %exp3A_740 : vector<256x256xf32> to vector<256x256xbf16>
    %convert_element_type3A_745 = arith.truncf %get3A_732 : vector<256x64xf32> to vector<256x64xbf16>
    %dot_general3A_746 = arith.constant dense<0.000000e+00> : vector<256x64xf32>
    %dot_general3A_747 = tpu.matmul %convert_element_type3A_744, %convert_element_type3A_745, %dot_general3A_746 {dimension_numbers = #tpu.dot_dimension_numbers<[1], [0], [0], [1], [0, 0, 1, 1], [], []>, transpose_lhs_hint = false} : vector<256x256xbf16>, vector<256x64xbf16>, vector<256x64xf32> -> vector<256x64xf32>
    %log3A_748 = math.log %broadcast_in_dim3A_743 : vector<256x1xf32>
    %add3A_749 = arith.addf %broadcast_in_dim3A_737, %log3A_748 : vector<256x1xf32>
    %div3A_750 = vector.broadcast %broadcast_in_dim3A_743 : vector<256x1xf32> to vector<256x64xf32>
    %div3A_751 = arith.divf %dot_general3A_747, %div3A_750 : vector<256x64xf32>
    %broadcast_in_dim3A_752 = vector.shape_cast %add3A_749 : vector<256x1xf32> to vector<256x1xf32>
    %broadcast_in_dim3A_753 = vector.broadcast %broadcast_in_dim3A_752 : vector<256x1xf32> to vector<256x64xf32>
    %concatenate3A_754 = tpu.concatenate %div3A_751, %broadcast_in_dim3A_753 in 1 : vector<256x64xf32>, vector<256x64xf32> -> vector<256x128xf32>
    %swap3A_755 = arith.constant 17 : index
    %swap3A_756 = arith.constant 0 : index
    %swap3A_757 = arith.constant 0 : index
    %swap3A_758 = vector.load %arg3[%swap3A_755, %swap3A_756, %swap3A_757] : memref<32x256x128xf32, #tpu.memory_space<vmem>>, vector<1x256x128xf32>
    %swap3A_759 = vector.shape_cast %swap3A_758 : vector<1x256x128xf32> to vector<256x128xf32>
    %swap3A_760 = vector.shape_cast %concatenate3A_754 : vector<256x128xf32> to vector<1x256x128xf32>
    tpu.vector_store %arg3[%swap3A_755, %swap3A_756, %swap3A_757], %swap3A_760 {strides = array<i32>} : memref<32x256x128xf32, #tpu.memory_space<vmem>>, vector<1x256x128xf32>,
    %get3A_761 = arith.constant 18 : index
    %get3A_762 = arith.constant 0 : index
    %get3A_763 = arith.constant 0 : index
    %get3A_764 = vector.load %arg1[%get3A_761, %get3A_762, %get3A_763] : memref<32x256x128xf32, #tpu.memory_space<vmem>>, vector<1x256x64xf32>
    %get3A_765 = vector.shape_cast %get3A_764 : vector<1x256x64xf32> to vector<256x64xf32>
    %get3A_766 = arith.constant 18 : index
    %get3A_767 = arith.constant 0 : index
    %get3A_768 = arith.constant 0 : index
    %get3A_769 = vector.load %arg2[%get3A_766, %get3A_767, %get3A_768] : memref<32x256x128xf32, #tpu.memory_space<vmem>>, vector<1x256x64xf32>
    %get3A_770 = vector.shape_cast %get3A_769 : vector<1x256x64xf32> to vector<256x64xf32>
    %get3A_771 = arith.constant 18 : index
    %get3A_772 = arith.constant 0 : index
    %get3A_773 = arith.constant 64 : index
    %get3A_774 = vector.load %arg2[%get3A_771, %get3A_772, %get3A_773] : memref<32x256x128xf32, #tpu.memory_space<vmem>>, vector<1x256x64xf32>
    %get3A_775 = vector.shape_cast %get3A_774 : vector<1x256x64xf32> to vector<256x64xf32>
    %dot_general3A_776 = arith.constant dense<0.000000e+00> : vector<256x256xf32>
    %dot_general3A_777 = tpu.matmul %get3A_765, %get3A_770, %dot_general3A_776 {dimension_numbers = #tpu.dot_dimension_numbers<[1], [1], [0], [0], [0, 0, 1, 0], [], []>, transpose_lhs_hint = false} : vector<256x64xf32>, vector<256x64xf32>, vector<256x256xf32> -> vector<256x256xf32>
    %reduce_max3A_778 = arith.constant dense<0xFF800000> : vector<256xf32>
    %reduce_max3A_779 = vector.multi_reduction <maximumf>, %dot_general3A_777, %reduce_max3A_778 [1] : vector<256x256xf32> to vector<256xf32>
    %broadcast_in_dim3A_780 = vector.shape_cast %reduce_max3A_779 : vector<256xf32> to vector<256x1xf32>
    %sub3A_781 = vector.broadcast %broadcast_in_dim3A_780 : vector<256x1xf32> to vector<256x256xf32>
    %sub3A_782 = arith.subf %dot_general3A_777, %sub3A_781 : vector<256x256xf32>
    %exp3A_783 = math.exp %sub3A_782 : vector<256x256xf32>
    %reduce_sum3A_784 = arith.constant dense<0.000000e+00> : vector<256xf32>
    %reduce_sum3A_785 = vector.multi_reduction <add>, %exp3A_783, %reduce_sum3A_784 [1] : vector<256x256xf32> to vector<256xf32>
    %broadcast_in_dim3A_786 = vector.shape_cast %reduce_sum3A_785 : vector<256xf32> to vector<256x1xf32>
    %convert_element_type3A_787 = arith.truncf %exp3A_783 : vector<256x256xf32> to vector<256x256xbf16>
    %convert_element_type3A_788 = arith.truncf %get3A_775 : vector<256x64xf32> to vector<256x64xbf16>
    %dot_general3A_789 = arith.constant dense<0.000000e+00> : vector<256x64xf32>
    %dot_general3A_790 = tpu.matmul %convert_element_type3A_787, %convert_element_type3A_788, %dot_general3A_789 {dimension_numbers = #tpu.dot_dimension_numbers<[1], [0], [0], [1], [0, 0, 1, 1], [], []>, transpose_lhs_hint = false} : vector<256x256xbf16>, vector<256x64xbf16>, vector<256x64xf32> -> vector<256x64xf32>
    %log3A_791 = math.log %broadcast_in_dim3A_786 : vector<256x1xf32>
    %add3A_792 = arith.addf %broadcast_in_dim3A_780, %log3A_791 : vector<256x1xf32>
    %div3A_793 = vector.broadcast %broadcast_in_dim3A_786 : vector<256x1xf32> to vector<256x64xf32>
    %div3A_794 = arith.divf %dot_general3A_790, %div3A_793 : vector<256x64xf32>
    %broadcast_in_dim3A_795 = vector.shape_cast %add3A_792 : vector<256x1xf32> to vector<256x1xf32>
    %broadcast_in_dim3A_796 = vector.broadcast %broadcast_in_dim3A_795 : vector<256x1xf32> to vector<256x64xf32>
    %concatenate3A_797 = tpu.concatenate %div3A_794, %broadcast_in_dim3A_796 in 1 : vector<256x64xf32>, vector<256x64xf32> -> vector<256x128xf32>
    %swap3A_798 = arith.constant 18 : index
    %swap3A_799 = arith.constant 0 : index
    %swap3A_800 = arith.constant 0 : index
    %swap3A_801 = vector.load %arg3[%swap3A_798, %swap3A_799, %swap3A_800] : memref<32x256x128xf32, #tpu.memory_space<vmem>>, vector<1x256x128xf32>
    %swap3A_802 = vector.shape_cast %swap3A_801 : vector<1x256x128xf32> to vector<256x128xf32>
    %swap3A_803 = vector.shape_cast %concatenate3A_797 : vector<256x128xf32> to vector<1x256x128xf32>
    tpu.vector_store %arg3[%swap3A_798, %swap3A_799, %swap3A_800], %swap3A_803 {strides = array<i32>} : memref<32x256x128xf32, #tpu.memory_space<vmem>>, vector<1x256x128xf32>,
    %get3A_804 = arith.constant 19 : index
    %get3A_805 = arith.constant 0 : index
    %get3A_806 = arith.constant 0 : index
    %get3A_807 = vector.load %arg1[%get3A_804, %get3A_805, %get3A_806] : memref<32x256x128xf32, #tpu.memory_space<vmem>>, vector<1x256x64xf32>
    %get3A_808 = vector.shape_cast %get3A_807 : vector<1x256x64xf32> to vector<256x64xf32>
    %get3A_809 = arith.constant 19 : index
    %get3A_810 = arith.constant 0 : index
    %get3A_811 = arith.constant 0 : index
    %get3A_812 = vector.load %arg2[%get3A_809, %get3A_810, %get3A_811] : memref<32x256x128xf32, #tpu.memory_space<vmem>>, vector<1x256x64xf32>
    %get3A_813 = vector.shape_cast %get3A_812 : vector<1x256x64xf32> to vector<256x64xf32>
    %get3A_814 = arith.constant 19 : index
    %get3A_815 = arith.constant 0 : index
    %get3A_816 = arith.constant 64 : index
    %get3A_817 = vector.load %arg2[%get3A_814, %get3A_815, %get3A_816] : memref<32x256x128xf32, #tpu.memory_space<vmem>>, vector<1x256x64xf32>
    %get3A_818 = vector.shape_cast %get3A_817 : vector<1x256x64xf32> to vector<256x64xf32>
    %dot_general3A_819 = arith.constant dense<0.000000e+00> : vector<256x256xf32>
    %dot_general3A_820 = tpu.matmul %get3A_808, %get3A_813, %dot_general3A_819 {dimension_numbers = #tpu.dot_dimension_numbers<[1], [1], [0], [0], [0, 0, 1, 0], [], []>, transpose_lhs_hint = false} : vector<256x64xf32>, vector<256x64xf32>, vector<256x256xf32> -> vector<256x256xf32>
    %reduce_max3A_821 = arith.constant dense<0xFF800000> : vector<256xf32>
    %reduce_max3A_822 = vector.multi_reduction <maximumf>, %dot_general3A_820, %reduce_max3A_821 [1] : vector<256x256xf32> to vector<256xf32>
    %broadcast_in_dim3A_823 = vector.shape_cast %reduce_max3A_822 : vector<256xf32> to vector<256x1xf32>
    %sub3A_824 = vector.broadcast %broadcast_in_dim3A_823 : vector<256x1xf32> to vector<256x256xf32>
    %sub3A_825 = arith.subf %dot_general3A_820, %sub3A_824 : vector<256x256xf32>
    %exp3A_826 = math.exp %sub3A_825 : vector<256x256xf32>
    %reduce_sum3A_827 = arith.constant dense<0.000000e+00> : vector<256xf32>
    %reduce_sum3A_828 = vector.multi_reduction <add>, %exp3A_826, %reduce_sum3A_827 [1] : vector<256x256xf32> to vector<256xf32>
    %broadcast_in_dim3A_829 = vector.shape_cast %reduce_sum3A_828 : vector<256xf32> to vector<256x1xf32>
    %convert_element_type3A_830 = arith.truncf %exp3A_826 : vector<256x256xf32> to vector<256x256xbf16>
    %convert_element_type3A_831 = arith.truncf %get3A_818 : vector<256x64xf32> to vector<256x64xbf16>
    %dot_general3A_832 = arith.constant dense<0.000000e+00> : vector<256x64xf32>
    %dot_general3A_833 = tpu.matmul %convert_element_type3A_830, %convert_element_type3A_831, %dot_general3A_832 {dimension_numbers = #tpu.dot_dimension_numbers<[1], [0], [0], [1], [0, 0, 1, 1], [], []>, transpose_lhs_hint = false} : vector<256x256xbf16>, vector<256x64xbf16>, vector<256x64xf32> -> vector<256x64xf32>
    %log3A_834 = math.log %broadcast_in_dim3A_829 : vector<256x1xf32>
    %add3A_835 = arith.addf %broadcast_in_dim3A_823, %log3A_834 : vector<256x1xf32>
    %div3A_836 = vector.broadcast %broadcast_in_dim3A_829 : vector<256x1xf32> to vector<256x64xf32>
    %div3A_837 = arith.divf %dot_general3A_833, %div3A_836 : vector<256x64xf32>
    %broadcast_in_dim3A_838 = vector.shape_cast %add3A_835 : vector<256x1xf32> to vector<256x1xf32>
    %broadcast_in_dim3A_839 = vector.broadcast %broadcast_in_dim3A_838 : vector<256x1xf32> to vector<256x64xf32>
    %concatenate3A_840 = tpu.concatenate %div3A_837, %broadcast_in_dim3A_839 in 1 : vector<256x64xf32>, vector<256x64xf32> -> vector<256x128xf32>
    %swap3A_841 = arith.constant 19 : index
    %swap3A_842 = arith.constant 0 : index
    %swap3A_843 = arith.constant 0 : index
    %swap3A_844 = vector.load %arg3[%swap3A_841, %swap3A_842, %swap3A_843] : memref<32x256x128xf32, #tpu.memory_space<vmem>>, vector<1x256x128xf32>
    %swap3A_845 = vector.shape_cast %swap3A_844 : vector<1x256x128xf32> to vector<256x128xf32>
    %swap3A_846 = vector.shape_cast %concatenate3A_840 : vector<256x128xf32> to vector<1x256x128xf32>
    tpu.vector_store %arg3[%swap3A_841, %swap3A_842, %swap3A_843], %swap3A_846 {strides = array<i32>} : memref<32x256x128xf32, #tpu.memory_space<vmem>>, vector<1x256x128xf32>,
    %get3A_847 = arith.constant 20 : index
    %get3A_848 = arith.constant 0 : index
    %get3A_849 = arith.constant 0 : index
    %get3A_850 = vector.load %arg1[%get3A_847, %get3A_848, %get3A_849] : memref<32x256x128xf32, #tpu.memory_space<vmem>>, vector<1x256x64xf32>
    %get3A_851 = vector.shape_cast %get3A_850 : vector<1x256x64xf32> to vector<256x64xf32>
    %get3A_852 = arith.constant 20 : index
    %get3A_853 = arith.constant 0 : index
    %get3A_854 = arith.constant 0 : index
    %get3A_855 = vector.load %arg2[%get3A_852, %get3A_853, %get3A_854] : memref<32x256x128xf32, #tpu.memory_space<vmem>>, vector<1x256x64xf32>
    %get3A_856 = vector.shape_cast %get3A_855 : vector<1x256x64xf32> to vector<256x64xf32>
    %get3A_857 = arith.constant 20 : index
    %get3A_858 = arith.constant 0 : index
    %get3A_859 = arith.constant 64 : index
    %get3A_860 = vector.load %arg2[%get3A_857, %get3A_858, %get3A_859] : memref<32x256x128xf32, #tpu.memory_space<vmem>>, vector<1x256x64xf32>
    %get3A_861 = vector.shape_cast %get3A_860 : vector<1x256x64xf32> to vector<256x64xf32>
    %dot_general3A_862 = arith.constant dense<0.000000e+00> : vector<256x256xf32>
    %dot_general3A_863 = tpu.matmul %get3A_851, %get3A_856, %dot_general3A_862 {dimension_numbers = #tpu.dot_dimension_numbers<[1], [1], [0], [0], [0, 0, 1, 0], [], []>, transpose_lhs_hint = false} : vector<256x64xf32>, vector<256x64xf32>, vector<256x256xf32> -> vector<256x256xf32>
    %reduce_max3A_864 = arith.constant dense<0xFF800000> : vector<256xf32>
    %reduce_max3A_865 = vector.multi_reduction <maximumf>, %dot_general3A_863, %reduce_max3A_864 [1] : vector<256x256xf32> to vector<256xf32>
    %broadcast_in_dim3A_866 = vector.shape_cast %reduce_max3A_865 : vector<256xf32> to vector<256x1xf32>
    %sub3A_867 = vector.broadcast %broadcast_in_dim3A_866 : vector<256x1xf32> to vector<256x256xf32>
    %sub3A_868 = arith.subf %dot_general3A_863, %sub3A_867 : vector<256x256xf32>
    %exp3A_869 = math.exp %sub3A_868 : vector<256x256xf32>
    %reduce_sum3A_870 = arith.constant dense<0.000000e+00> : vector<256xf32>
    %reduce_sum3A_871 = vector.multi_reduction <add>, %exp3A_869, %reduce_sum3A_870 [1] : vector<256x256xf32> to vector<256xf32>
    %broadcast_in_dim3A_872 = vector.shape_cast %reduce_sum3A_871 : vector<256xf32> to vector<256x1xf32>
    %convert_element_type3A_873 = arith.truncf %exp3A_869 : vector<256x256xf32> to vector<256x256xbf16>
    %convert_element_type3A_874 = arith.truncf %get3A_861 : vector<256x64xf32> to vector<256x64xbf16>
    %dot_general3A_875 = arith.constant dense<0.000000e+00> : vector<256x64xf32>
    %dot_general3A_876 = tpu.matmul %convert_element_type3A_873, %convert_element_type3A_874, %dot_general3A_875 {dimension_numbers = #tpu.dot_dimension_numbers<[1], [0], [0], [1], [0, 0, 1, 1], [], []>, transpose_lhs_hint = false} : vector<256x256xbf16>, vector<256x64xbf16>, vector<256x64xf32> -> vector<256x64xf32>
    %log3A_877 = math.log %broadcast_in_dim3A_872 : vector<256x1xf32>
    %add3A_878 = arith.addf %broadcast_in_dim3A_866, %log3A_877 : vector<256x1xf32>
    %div3A_879 = vector.broadcast %broadcast_in_dim3A_872 : vector<256x1xf32> to vector<256x64xf32>
    %div3A_880 = arith.divf %dot_general3A_876, %div3A_879 : vector<256x64xf32>
    %broadcast_in_dim3A_881 = vector.shape_cast %add3A_878 : vector<256x1xf32> to vector<256x1xf32>
    %broadcast_in_dim3A_882 = vector.broadcast %broadcast_in_dim3A_881 : vector<256x1xf32> to vector<256x64xf32>
    %concatenate3A_883 = tpu.concatenate %div3A_880, %broadcast_in_dim3A_882 in 1 : vector<256x64xf32>, vector<256x64xf32> -> vector<256x128xf32>
    %swap3A_884 = arith.constant 20 : index
    %swap3A_885 = arith.constant 0 : index
    %swap3A_886 = arith.constant 0 : index
    %swap3A_887 = vector.load %arg3[%swap3A_884, %swap3A_885, %swap3A_886] : memref<32x256x128xf32, #tpu.memory_space<vmem>>, vector<1x256x128xf32>
    %swap3A_888 = vector.shape_cast %swap3A_887 : vector<1x256x128xf32> to vector<256x128xf32>
    %swap3A_889 = vector.shape_cast %concatenate3A_883 : vector<256x128xf32> to vector<1x256x128xf32>
    tpu.vector_store %arg3[%swap3A_884, %swap3A_885, %swap3A_886], %swap3A_889 {strides = array<i32>} : memref<32x256x128xf32, #tpu.memory_space<vmem>>, vector<1x256x128xf32>,
    %get3A_890 = arith.constant 21 : index
    %get3A_891 = arith.constant 0 : index
    %get3A_892 = arith.constant 0 : index
    %get3A_893 = vector.load %arg1[%get3A_890, %get3A_891, %get3A_892] : memref<32x256x128xf32, #tpu.memory_space<vmem>>, vector<1x256x64xf32>
    %get3A_894 = vector.shape_cast %get3A_893 : vector<1x256x64xf32> to vector<256x64xf32>
    %get3A_895 = arith.constant 21 : index
    %get3A_896 = arith.constant 0 : index
    %get3A_897 = arith.constant 0 : index
    %get3A_898 = vector.load %arg2[%get3A_895, %get3A_896, %get3A_897] : memref<32x256x128xf32, #tpu.memory_space<vmem>>, vector<1x256x64xf32>
    %get3A_899 = vector.shape_cast %get3A_898 : vector<1x256x64xf32> to vector<256x64xf32>
    %get3A_900 = arith.constant 21 : index
    %get3A_901 = arith.constant 0 : index
    %get3A_902 = arith.constant 64 : index
    %get3A_903 = vector.load %arg2[%get3A_900, %get3A_901, %get3A_902] : memref<32x256x128xf32, #tpu.memory_space<vmem>>, vector<1x256x64xf32>
    %get3A_904 = vector.shape_cast %get3A_903 : vector<1x256x64xf32> to vector<256x64xf32>
    %dot_general3A_905 = arith.constant dense<0.000000e+00> : vector<256x256xf32>
    %dot_general3A_906 = tpu.matmul %get3A_894, %get3A_899, %dot_general3A_905 {dimension_numbers = #tpu.dot_dimension_numbers<[1], [1], [0], [0], [0, 0, 1, 0], [], []>, transpose_lhs_hint = false} : vector<256x64xf32>, vector<256x64xf32>, vector<256x256xf32> -> vector<256x256xf32>
    %reduce_max3A_907 = arith.constant dense<0xFF800000> : vector<256xf32>
    %reduce_max3A_908 = vector.multi_reduction <maximumf>, %dot_general3A_906, %reduce_max3A_907 [1] : vector<256x256xf32> to vector<256xf32>
    %broadcast_in_dim3A_909 = vector.shape_cast %reduce_max3A_908 : vector<256xf32> to vector<256x1xf32>
    %sub3A_910 = vector.broadcast %broadcast_in_dim3A_909 : vector<256x1xf32> to vector<256x256xf32>
    %sub3A_911 = arith.subf %dot_general3A_906, %sub3A_910 : vector<256x256xf32>
    %exp3A_912 = math.exp %sub3A_911 : vector<256x256xf32>
    %reduce_sum3A_913 = arith.constant dense<0.000000e+00> : vector<256xf32>
    %reduce_sum3A_914 = vector.multi_reduction <add>, %exp3A_912, %reduce_sum3A_913 [1] : vector<256x256xf32> to vector<256xf32>
    %broadcast_in_dim3A_915 = vector.shape_cast %reduce_sum3A_914 : vector<256xf32> to vector<256x1xf32>
    %convert_element_type3A_916 = arith.truncf %exp3A_912 : vector<256x256xf32> to vector<256x256xbf16>
    %convert_element_type3A_917 = arith.truncf %get3A_904 : vector<256x64xf32> to vector<256x64xbf16>
    %dot_general3A_918 = arith.constant dense<0.000000e+00> : vector<256x64xf32>
    %dot_general3A_919 = tpu.matmul %convert_element_type3A_916, %convert_element_type3A_917, %dot_general3A_918 {dimension_numbers = #tpu.dot_dimension_numbers<[1], [0], [0], [1], [0, 0, 1, 1], [], []>, transpose_lhs_hint = false} : vector<256x256xbf16>, vector<256x64xbf16>, vector<256x64xf32> -> vector<256x64xf32>
    %log3A_920 = math.log %broadcast_in_dim3A_915 : vector<256x1xf32>
    %add3A_921 = arith.addf %broadcast_in_dim3A_909, %log3A_920 : vector<256x1xf32>
    %div3A_922 = vector.broadcast %broadcast_in_dim3A_915 : vector<256x1xf32> to vector<256x64xf32>
    %div3A_923 = arith.divf %dot_general3A_919, %div3A_922 : vector<256x64xf32>
    %broadcast_in_dim3A_924 = vector.shape_cast %add3A_921 : vector<256x1xf32> to vector<256x1xf32>
    %broadcast_in_dim3A_925 = vector.broadcast %broadcast_in_dim3A_924 : vector<256x1xf32> to vector<256x64xf32>
    %concatenate3A_926 = tpu.concatenate %div3A_923, %broadcast_in_dim3A_925 in 1 : vector<256x64xf32>, vector<256x64xf32> -> vector<256x128xf32>
    %swap3A_927 = arith.constant 21 : index
    %swap3A_928 = arith.constant 0 : index
    %swap3A_929 = arith.constant 0 : index
    %swap3A_930 = vector.load %arg3[%swap3A_927, %swap3A_928, %swap3A_929] : memref<32x256x128xf32, #tpu.memory_space<vmem>>, vector<1x256x128xf32>
    %swap3A_931 = vector.shape_cast %swap3A_930 : vector<1x256x128xf32> to vector<256x128xf32>
    %swap3A_932 = vector.shape_cast %concatenate3A_926 : vector<256x128xf32> to vector<1x256x128xf32>
    tpu.vector_store %arg3[%swap3A_927, %swap3A_928, %swap3A_929], %swap3A_932 {strides = array<i32>} : memref<32x256x128xf32, #tpu.memory_space<vmem>>, vector<1x256x128xf32>,
    %get3A_933 = arith.constant 22 : index
    %get3A_934 = arith.constant 0 : index
    %get3A_935 = arith.constant 0 : index
    %get3A_936 = vector.load %arg1[%get3A_933, %get3A_934, %get3A_935] : memref<32x256x128xf32, #tpu.memory_space<vmem>>, vector<1x256x64xf32>
    %get3A_937 = vector.shape_cast %get3A_936 : vector<1x256x64xf32> to vector<256x64xf32>
    %get3A_938 = arith.constant 22 : index
    %get3A_939 = arith.constant 0 : index
    %get3A_940 = arith.constant 0 : index
    %get3A_941 = vector.load %arg2[%get3A_938, %get3A_939, %get3A_940] : memref<32x256x128xf32, #tpu.memory_space<vmem>>, vector<1x256x64xf32>
    %get3A_942 = vector.shape_cast %get3A_941 : vector<1x256x64xf32> to vector<256x64xf32>
    %get3A_943 = arith.constant 22 : index
    %get3A_944 = arith.constant 0 : index
    %get3A_945 = arith.constant 64 : index
    %get3A_946 = vector.load %arg2[%get3A_943, %get3A_944, %get3A_945] : memref<32x256x128xf32, #tpu.memory_space<vmem>>, vector<1x256x64xf32>
    %get3A_947 = vector.shape_cast %get3A_946 : vector<1x256x64xf32> to vector<256x64xf32>
    %dot_general3A_948 = arith.constant dense<0.000000e+00> : vector<256x256xf32>
    %dot_general3A_949 = tpu.matmul %get3A_937, %get3A_942, %dot_general3A_948 {dimension_numbers = #tpu.dot_dimension_numbers<[1], [1], [0], [0], [0, 0, 1, 0], [], []>, transpose_lhs_hint = false} : vector<256x64xf32>, vector<256x64xf32>, vector<256x256xf32> -> vector<256x256xf32>
    %reduce_max3A_950 = arith.constant dense<0xFF800000> : vector<256xf32>
    %reduce_max3A_951 = vector.multi_reduction <maximumf>, %dot_general3A_949, %reduce_max3A_950 [1] : vector<256x256xf32> to vector<256xf32>
    %broadcast_in_dim3A_952 = vector.shape_cast %reduce_max3A_951 : vector<256xf32> to vector<256x1xf32>
    %sub3A_953 = vector.broadcast %broadcast_in_dim3A_952 : vector<256x1xf32> to vector<256x256xf32>
    %sub3A_954 = arith.subf %dot_general3A_949, %sub3A_953 : vector<256x256xf32>
    %exp3A_955 = math.exp %sub3A_954 : vector<256x256xf32>
    %reduce_sum3A_956 = arith.constant dense<0.000000e+00> : vector<256xf32>
    %reduce_sum3A_957 = vector.multi_reduction <add>, %exp3A_955, %reduce_sum3A_956 [1] : vector<256x256xf32> to vector<256xf32>
    %broadcast_in_dim3A_958 = vector.shape_cast %reduce_sum3A_957 : vector<256xf32> to vector<256x1xf32>
    %convert_element_type3A_959 = arith.truncf %exp3A_955 : vector<256x256xf32> to vector<256x256xbf16>
    %convert_element_type3A_960 = arith.truncf %get3A_947 : vector<256x64xf32> to vector<256x64xbf16>
    %dot_general3A_961 = arith.constant dense<0.000000e+00> : vector<256x64xf32>
    %dot_general3A_962 = tpu.matmul %convert_element_type3A_959, %convert_element_type3A_960, %dot_general3A_961 {dimension_numbers = #tpu.dot_dimension_numbers<[1], [0], [0], [1], [0, 0, 1, 1], [], []>, transpose_lhs_hint = false} : vector<256x256xbf16>, vector<256x64xbf16>, vector<256x64xf32> -> vector<256x64xf32>
    %log3A_963 = math.log %broadcast_in_dim3A_958 : vector<256x1xf32>
    %add3A_964 = arith.addf %broadcast_in_dim3A_952, %log3A_963 : vector<256x1xf32>
    %div3A_965 = vector.broadcast %broadcast_in_dim3A_958 : vector<256x1xf32> to vector<256x64xf32>
    %div3A_966 = arith.divf %dot_general3A_962, %div3A_965 : vector<256x64xf32>
    %broadcast_in_dim3A_967 = vector.shape_cast %add3A_964 : vector<256x1xf32> to vector<256x1xf32>
    %broadcast_in_dim3A_968 = vector.broadcast %broadcast_in_dim3A_967 : vector<256x1xf32> to vector<256x64xf32>
    %concatenate3A_969 = tpu.concatenate %div3A_966, %broadcast_in_dim3A_968 in 1 : vector<256x64xf32>, vector<256x64xf32> -> vector<256x128xf32>
    %swap3A_970 = arith.constant 22 : index
    %swap3A_971 = arith.constant 0 : index
    %swap3A_972 = arith.constant 0 : index
    %swap3A_973 = vector.load %arg3[%swap3A_970, %swap3A_971, %swap3A_972] : memref<32x256x128xf32, #tpu.memory_space<vmem>>, vector<1x256x128xf32>
    %swap3A_974 = vector.shape_cast %swap3A_973 : vector<1x256x128xf32> to vector<256x128xf32>
    %swap3A_975 = vector.shape_cast %concatenate3A_969 : vector<256x128xf32> to vector<1x256x128xf32>
    tpu.vector_store %arg3[%swap3A_970, %swap3A_971, %swap3A_972], %swap3A_975 {strides = array<i32>} : memref<32x256x128xf32, #tpu.memory_space<vmem>>, vector<1x256x128xf32>,
    %get3A_976 = arith.constant 23 : index
    %get3A_977 = arith.constant 0 : index
    %get3A_978 = arith.constant 0 : index
    %get3A_979 = vector.load %arg1[%get3A_976, %get3A_977, %get3A_978] : memref<32x256x128xf32, #tpu.memory_space<vmem>>, vector<1x256x64xf32>
    %get3A_980 = vector.shape_cast %get3A_979 : vector<1x256x64xf32> to vector<256x64xf32>
    %get3A_981 = arith.constant 23 : index
    %get3A_982 = arith.constant 0 : index
    %get3A_983 = arith.constant 0 : index
    %get3A_984 = vector.load %arg2[%get3A_981, %get3A_982, %get3A_983] : memref<32x256x128xf32, #tpu.memory_space<vmem>>, vector<1x256x64xf32>
    %get3A_985 = vector.shape_cast %get3A_984 : vector<1x256x64xf32> to vector<256x64xf32>
    %get3A_986 = arith.constant 23 : index
    %get3A_987 = arith.constant 0 : index
    %get3A_988 = arith.constant 64 : index
    %get3A_989 = vector.load %arg2[%get3A_986, %get3A_987, %get3A_988] : memref<32x256x128xf32, #tpu.memory_space<vmem>>, vector<1x256x64xf32>
    %get3A_990 = vector.shape_cast %get3A_989 : vector<1x256x64xf32> to vector<256x64xf32>
    %dot_general3A_991 = arith.constant dense<0.000000e+00> : vector<256x256xf32>
    %dot_general3A_992 = tpu.matmul %get3A_980, %get3A_985, %dot_general3A_991 {dimension_numbers = #tpu.dot_dimension_numbers<[1], [1], [0], [0], [0, 0, 1, 0], [], []>, transpose_lhs_hint = false} : vector<256x64xf32>, vector<256x64xf32>, vector<256x256xf32> -> vector<256x256xf32>
    %reduce_max3A_993 = arith.constant dense<0xFF800000> : vector<256xf32>
    %reduce_max3A_994 = vector.multi_reduction <maximumf>, %dot_general3A_992, %reduce_max3A_993 [1] : vector<256x256xf32> to vector<256xf32>
    %broadcast_in_dim3A_995 = vector.shape_cast %reduce_max3A_994 : vector<256xf32> to vector<256x1xf32>
    %sub3A_996 = vector.broadcast %broadcast_in_dim3A_995 : vector<256x1xf32> to vector<256x256xf32>
    %sub3A_997 = arith.subf %dot_general3A_992, %sub3A_996 : vector<256x256xf32>
    %exp3A_998 = math.exp %sub3A_997 : vector<256x256xf32>
    %reduce_sum3A_999 = arith.constant dense<0.000000e+00> : vector<256xf32>
    %reduce_sum3A_1000 = vector.multi_reduction <add>, %exp3A_998, %reduce_sum3A_999 [1] : vector<256x256xf32> to vector<256xf32>
    %broadcast_in_dim3A_1001 = vector.shape_cast %reduce_sum3A_1000 : vector<256xf32> to vector<256x1xf32>
    %convert_element_type3A_1002 = arith.truncf %exp3A_998 : vector<256x256xf32> to vector<256x256xbf16>
    %convert_element_type3A_1003 = arith.truncf %get3A_990 : vector<256x64xf32> to vector<256x64xbf16>
    %dot_general3A_1004 = arith.constant dense<0.000000e+00> : vector<256x64xf32>
    %dot_general3A_1005 = tpu.matmul %convert_element_type3A_1002, %convert_element_type3A_1003, %dot_general3A_1004 {dimension_numbers = #tpu.dot_dimension_numbers<[1], [0], [0], [1], [0, 0, 1, 1], [], []>, transpose_lhs_hint = false} : vector<256x256xbf16>, vector<256x64xbf16>, vector<256x64xf32> -> vector<256x64xf32>
    %log3A_1006 = math.log %broadcast_in_dim3A_1001 : vector<256x1xf32>
    %add3A_1007 = arith.addf %broadcast_in_dim3A_995, %log3A_1006 : vector<256x1xf32>
    %div3A_1008 = vector.broadcast %broadcast_in_dim3A_1001 : vector<256x1xf32> to vector<256x64xf32>
    %div3A_1009 = arith.divf %dot_general3A_1005, %div3A_1008 : vector<256x64xf32>
    %broadcast_in_dim3A_1010 = vector.shape_cast %add3A_1007 : vector<256x1xf32> to vector<256x1xf32>
    %broadcast_in_dim3A_1011 = vector.broadcast %broadcast_in_dim3A_1010 : vector<256x1xf32> to vector<256x64xf32>
    %concatenate3A_1012 = tpu.concatenate %div3A_1009, %broadcast_in_dim3A_1011 in 1 : vector<256x64xf32>, vector<256x64xf32> -> vector<256x128xf32>
    %swap3A_1013 = arith.constant 23 : index
    %swap3A_1014 = arith.constant 0 : index
    %swap3A_1015 = arith.constant 0 : index
    %swap3A_1016 = vector.load %arg3[%swap3A_1013, %swap3A_1014, %swap3A_1015] : memref<32x256x128xf32, #tpu.memory_space<vmem>>, vector<1x256x128xf32>
    %swap3A_1017 = vector.shape_cast %swap3A_1016 : vector<1x256x128xf32> to vector<256x128xf32>
    %swap3A_1018 = vector.shape_cast %concatenate3A_1012 : vector<256x128xf32> to vector<1x256x128xf32>
    tpu.vector_store %arg3[%swap3A_1013, %swap3A_1014, %swap3A_1015], %swap3A_1018 {strides = array<i32>} : memref<32x256x128xf32, #tpu.memory_space<vmem>>, vector<1x256x128xf32>,
    %get3A_1019 = arith.constant 24 : index
    %get3A_1020 = arith.constant 0 : index
    %get3A_1021 = arith.constant 0 : index
    %get3A_1022 = vector.load %arg1[%get3A_1019, %get3A_1020, %get3A_1021] : memref<32x256x128xf32, #tpu.memory_space<vmem>>, vector<1x256x64xf32>
    %get3A_1023 = vector.shape_cast %get3A_1022 : vector<1x256x64xf32> to vector<256x64xf32>
    %get3A_1024 = arith.constant 24 : index
    %get3A_1025 = arith.constant 0 : index
    %get3A_1026 = arith.constant 0 : index
    %get3A_1027 = vector.load %arg2[%get3A_1024, %get3A_1025, %get3A_1026] : memref<32x256x128xf32, #tpu.memory_space<vmem>>, vector<1x256x64xf32>
    %get3A_1028 = vector.shape_cast %get3A_1027 : vector<1x256x64xf32> to vector<256x64xf32>
    %get3A_1029 = arith.constant 24 : index
    %get3A_1030 = arith.constant 0 : index
    %get3A_1031 = arith.constant 64 : index
    %get3A_1032 = vector.load %arg2[%get3A_1029, %get3A_1030, %get3A_1031] : memref<32x256x128xf32, #tpu.memory_space<vmem>>, vector<1x256x64xf32>
    %get3A_1033 = vector.shape_cast %get3A_1032 : vector<1x256x64xf32> to vector<256x64xf32>
    %dot_general3A_1034 = arith.constant dense<0.000000e+00> : vector<256x256xf32>
    %dot_general3A_1035 = tpu.matmul %get3A_1023, %get3A_1028, %dot_general3A_1034 {dimension_numbers = #tpu.dot_dimension_numbers<[1], [1], [0], [0], [0, 0, 1, 0], [], []>, transpose_lhs_hint = false} : vector<256x64xf32>, vector<256x64xf32>, vector<256x256xf32> -> vector<256x256xf32>
    %reduce_max3A_1036 = arith.constant dense<0xFF800000> : vector<256xf32>
    %reduce_max3A_1037 = vector.multi_reduction <maximumf>, %dot_general3A_1035, %reduce_max3A_1036 [1] : vector<256x256xf32> to vector<256xf32>
    %broadcast_in_dim3A_1038 = vector.shape_cast %reduce_max3A_1037 : vector<256xf32> to vector<256x1xf32>
    %sub3A_1039 = vector.broadcast %broadcast_in_dim3A_1038 : vector<256x1xf32> to vector<256x256xf32>
    %sub3A_1040 = arith.subf %dot_general3A_1035, %sub3A_1039 : vector<256x256xf32>
    %exp3A_1041 = math.exp %sub3A_1040 : vector<256x256xf32>
    %reduce_sum3A_1042 = arith.constant dense<0.000000e+00> : vector<256xf32>
    %reduce_sum3A_1043 = vector.multi_reduction <add>, %exp3A_1041, %reduce_sum3A_1042 [1] : vector<256x256xf32> to vector<256xf32>
    %broadcast_in_dim3A_1044 = vector.shape_cast %reduce_sum3A_1043 : vector<256xf32> to vector<256x1xf32>
    %convert_element_type3A_1045 = arith.truncf %exp3A_1041 : vector<256x256xf32> to vector<256x256xbf16>
    %convert_element_type3A_1046 = arith.truncf %get3A_1033 : vector<256x64xf32> to vector<256x64xbf16>
    %dot_general3A_1047 = arith.constant dense<0.000000e+00> : vector<256x64xf32>
    %dot_general3A_1048 = tpu.matmul %convert_element_type3A_1045, %convert_element_type3A_1046, %dot_general3A_1047 {dimension_numbers = #tpu.dot_dimension_numbers<[1], [0], [0], [1], [0, 0, 1, 1], [], []>, transpose_lhs_hint = false} : vector<256x256xbf16>, vector<256x64xbf16>, vector<256x64xf32> -> vector<256x64xf32>
    %log3A_1049 = math.log %broadcast_in_dim3A_1044 : vector<256x1xf32>
    %add3A_1050 = arith.addf %broadcast_in_dim3A_1038, %log3A_1049 : vector<256x1xf32>
    %div3A_1051 = vector.broadcast %broadcast_in_dim3A_1044 : vector<256x1xf32> to vector<256x64xf32>
    %div3A_1052 = arith.divf %dot_general3A_1048, %div3A_1051 : vector<256x64xf32>
    %broadcast_in_dim3A_1053 = vector.shape_cast %add3A_1050 : vector<256x1xf32> to vector<256x1xf32>
    %broadcast_in_dim3A_1054 = vector.broadcast %broadcast_in_dim3A_1053 : vector<256x1xf32> to vector<256x64xf32>
    %concatenate3A_1055 = tpu.concatenate %div3A_1052, %broadcast_in_dim3A_1054 in 1 : vector<256x64xf32>, vector<256x64xf32> -> vector<256x128xf32>
    %swap3A_1056 = arith.constant 24 : index
    %swap3A_1057 = arith.constant 0 : index
    %swap3A_1058 = arith.constant 0 : index
    %swap3A_1059 = vector.load %arg3[%swap3A_1056, %swap3A_1057, %swap3A_1058] : memref<32x256x128xf32, #tpu.memory_space<vmem>>, vector<1x256x128xf32>
    %swap3A_1060 = vector.shape_cast %swap3A_1059 : vector<1x256x128xf32> to vector<256x128xf32>
    %swap3A_1061 = vector.shape_cast %concatenate3A_1055 : vector<256x128xf32> to vector<1x256x128xf32>
    tpu.vector_store %arg3[%swap3A_1056, %swap3A_1057, %swap3A_1058], %swap3A_1061 {strides = array<i32>} : memref<32x256x128xf32, #tpu.memory_space<vmem>>, vector<1x256x128xf32>,
    %get3A_1062 = arith.constant 25 : index
    %get3A_1063 = arith.constant 0 : index
    %get3A_1064 = arith.constant 0 : index
    %get3A_1065 = vector.load %arg1[%get3A_1062, %get3A_1063, %get3A_1064] : memref<32x256x128xf32, #tpu.memory_space<vmem>>, vector<1x256x64xf32>
    %get3A_1066 = vector.shape_cast %get3A_1065 : vector<1x256x64xf32> to vector<256x64xf32>
    %get3A_1067 = arith.constant 25 : index
    %get3A_1068 = arith.constant 0 : index
    %get3A_1069 = arith.constant 0 : index
    %get3A_1070 = vector.load %arg2[%get3A_1067, %get3A_1068, %get3A_1069] : memref<32x256x128xf32, #tpu.memory_space<vmem>>, vector<1x256x64xf32>
    %get3A_1071 = vector.shape_cast %get3A_1070 : vector<1x256x64xf32> to vector<256x64xf32>
    %get3A_1072 = arith.constant 25 : index
    %get3A_1073 = arith.constant 0 : index
    %get3A_1074 = arith.constant 64 : index
    %get3A_1075 = vector.load %arg2[%get3A_1072, %get3A_1073, %get3A_1074] : memref<32x256x128xf32, #tpu.memory_space<vmem>>, vector<1x256x64xf32>
    %get3A_1076 = vector.shape_cast %get3A_1075 : vector<1x256x64xf32> to vector<256x64xf32>
    %dot_general3A_1077 = arith.constant dense<0.000000e+00> : vector<256x256xf32>
    %dot_general3A_1078 = tpu.matmul %get3A_1066, %get3A_1071, %dot_general3A_1077 {dimension_numbers = #tpu.dot_dimension_numbers<[1], [1], [0], [0], [0, 0, 1, 0], [], []>, transpose_lhs_hint = false} : vector<256x64xf32>, vector<256x64xf32>, vector<256x256xf32> -> vector<256x256xf32>
    %reduce_max3A_1079 = arith.constant dense<0xFF800000> : vector<256xf32>
    %reduce_max3A_1080 = vector.multi_reduction <maximumf>, %dot_general3A_1078, %reduce_max3A_1079 [1] : vector<256x256xf32> to vector<256xf32>
    %broadcast_in_dim3A_1081 = vector.shape_cast %reduce_max3A_1080 : vector<256xf32> to vector<256x1xf32>
    %sub3A_1082 = vector.broadcast %broadcast_in_dim3A_1081 : vector<256x1xf32> to vector<256x256xf32>
    %sub3A_1083 = arith.subf %dot_general3A_1078, %sub3A_1082 : vector<256x256xf32>
    %exp3A_1084 = math.exp %sub3A_1083 : vector<256x256xf32>
    %reduce_sum3A_1085 = arith.constant dense<0.000000e+00> : vector<256xf32>
    %reduce_sum3A_1086 = vector.multi_reduction <add>, %exp3A_1084, %reduce_sum3A_1085 [1] : vector<256x256xf32> to vector<256xf32>
    %broadcast_in_dim3A_1087 = vector.shape_cast %reduce_sum3A_1086 : vector<256xf32> to vector<256x1xf32>
    %convert_element_type3A_1088 = arith.truncf %exp3A_1084 : vector<256x256xf32> to vector<256x256xbf16>
    %convert_element_type3A_1089 = arith.truncf %get3A_1076 : vector<256x64xf32> to vector<256x64xbf16>
    %dot_general3A_1090 = arith.constant dense<0.000000e+00> : vector<256x64xf32>
    %dot_general3A_1091 = tpu.matmul %convert_element_type3A_1088, %convert_element_type3A_1089, %dot_general3A_1090 {dimension_numbers = #tpu.dot_dimension_numbers<[1], [0], [0], [1], [0, 0, 1, 1], [], []>, transpose_lhs_hint = false} : vector<256x256xbf16>, vector<256x64xbf16>, vector<256x64xf32> -> vector<256x64xf32>
    %log3A_1092 = math.log %broadcast_in_dim3A_1087 : vector<256x1xf32>
    %add3A_1093 = arith.addf %broadcast_in_dim3A_1081, %log3A_1092 : vector<256x1xf32>
    %div3A_1094 = vector.broadcast %broadcast_in_dim3A_1087 : vector<256x1xf32> to vector<256x64xf32>
    %div3A_1095 = arith.divf %dot_general3A_1091, %div3A_1094 : vector<256x64xf32>
    %broadcast_in_dim3A_1096 = vector.shape_cast %add3A_1093 : vector<256x1xf32> to vector<256x1xf32>
    %broadcast_in_dim3A_1097 = vector.broadcast %broadcast_in_dim3A_1096 : vector<256x1xf32> to vector<256x64xf32>
    %concatenate3A_1098 = tpu.concatenate %div3A_1095, %broadcast_in_dim3A_1097 in 1 : vector<256x64xf32>, vector<256x64xf32> -> vector<256x128xf32>
    %swap3A_1099 = arith.constant 25 : index
    %swap3A_1100 = arith.constant 0 : index
    %swap3A_1101 = arith.constant 0 : index
    %swap3A_1102 = vector.load %arg3[%swap3A_1099, %swap3A_1100, %swap3A_1101] : memref<32x256x128xf32, #tpu.memory_space<vmem>>, vector<1x256x128xf32>
    %swap3A_1103 = vector.shape_cast %swap3A_1102 : vector<1x256x128xf32> to vector<256x128xf32>
    %swap3A_1104 = vector.shape_cast %concatenate3A_1098 : vector<256x128xf32> to vector<1x256x128xf32>
    tpu.vector_store %arg3[%swap3A_1099, %swap3A_1100, %swap3A_1101], %swap3A_1104 {strides = array<i32>} : memref<32x256x128xf32, #tpu.memory_space<vmem>>, vector<1x256x128xf32>,
    %get3A_1105 = arith.constant 26 : index
    %get3A_1106 = arith.constant 0 : index
    %get3A_1107 = arith.constant 0 : index
    %get3A_1108 = vector.load %arg1[%get3A_1105, %get3A_1106, %get3A_1107] : memref<32x256x128xf32, #tpu.memory_space<vmem>>, vector<1x256x64xf32>
    %get3A_1109 = vector.shape_cast %get3A_1108 : vector<1x256x64xf32> to vector<256x64xf32>
    %get3A_1110 = arith.constant 26 : index
    %get3A_1111 = arith.constant 0 : index
    %get3A_1112 = arith.constant 0 : index
    %get3A_1113 = vector.load %arg2[%get3A_1110, %get3A_1111, %get3A_1112] : memref<32x256x128xf32, #tpu.memory_space<vmem>>, vector<1x256x64xf32>
    %get3A_1114 = vector.shape_cast %get3A_1113 : vector<1x256x64xf32> to vector<256x64xf32>
    %get3A_1115 = arith.constant 26 : index
    %get3A_1116 = arith.constant 0 : index
    %get3A_1117 = arith.constant 64 : index
    %get3A_1118 = vector.load %arg2[%get3A_1115, %get3A_1116, %get3A_1117] : memref<32x256x128xf32, #tpu.memory_space<vmem>>, vector<1x256x64xf32>
    %get3A_1119 = vector.shape_cast %get3A_1118 : vector<1x256x64xf32> to vector<256x64xf32>
    %dot_general3A_1120 = arith.constant dense<0.000000e+00> : vector<256x256xf32>
    %dot_general3A_1121 = tpu.matmul %get3A_1109, %get3A_1114, %dot_general3A_1120 {dimension_numbers = #tpu.dot_dimension_numbers<[1], [1], [0], [0], [0, 0, 1, 0], [], []>, transpose_lhs_hint = false} : vector<256x64xf32>, vector<256x64xf32>, vector<256x256xf32> -> vector<256x256xf32>
    %reduce_max3A_1122 = arith.constant dense<0xFF800000> : vector<256xf32>
    %reduce_max3A_1123 = vector.multi_reduction <maximumf>, %dot_general3A_1121, %reduce_max3A_1122 [1] : vector<256x256xf32> to vector<256xf32>
    %broadcast_in_dim3A_1124 = vector.shape_cast %reduce_max3A_1123 : vector<256xf32> to vector<256x1xf32>
    %sub3A_1125 = vector.broadcast %broadcast_in_dim3A_1124 : vector<256x1xf32> to vector<256x256xf32>
    %sub3A_1126 = arith.subf %dot_general3A_1121, %sub3A_1125 : vector<256x256xf32>
    %exp3A_1127 = math.exp %sub3A_1126 : vector<256x256xf32>
    %reduce_sum3A_1128 = arith.constant dense<0.000000e+00> : vector<256xf32>
    %reduce_sum3A_1129 = vector.multi_reduction <add>, %exp3A_1127, %reduce_sum3A_1128 [1] : vector<256x256xf32> to vector<256xf32>
    %broadcast_in_dim3A_1130 = vector.shape_cast %reduce_sum3A_1129 : vector<256xf32> to vector<256x1xf32>
    %convert_element_type3A_1131 = arith.truncf %exp3A_1127 : vector<256x256xf32> to vector<256x256xbf16>
    %convert_element_type3A_1132 = arith.truncf %get3A_1119 : vector<256x64xf32> to vector<256x64xbf16>
    %dot_general3A_1133 = arith.constant dense<0.000000e+00> : vector<256x64xf32>
    %dot_general3A_1134 = tpu.matmul %convert_element_type3A_1131, %convert_element_type3A_1132, %dot_general3A_1133 {dimension_numbers = #tpu.dot_dimension_numbers<[1], [0], [0], [1], [0, 0, 1, 1], [], []>, transpose_lhs_hint = false} : vector<256x256xbf16>, vector<256x64xbf16>, vector<256x64xf32> -> vector<256x64xf32>
    %log3A_1135 = math.log %broadcast_in_dim3A_1130 : vector<256x1xf32>
    %add3A_1136 = arith.addf %broadcast_in_dim3A_1124, %log3A_1135 : vector<256x1xf32>
    %div3A_1137 = vector.broadcast %broadcast_in_dim3A_1130 : vector<256x1xf32> to vector<256x64xf32>
    %div3A_1138 = arith.divf %dot_general3A_1134, %div3A_1137 : vector<256x64xf32>
    %broadcast_in_dim3A_1139 = vector.shape_cast %add3A_1136 : vector<256x1xf32> to vector<256x1xf32>
    %broadcast_in_dim3A_1140 = vector.broadcast %broadcast_in_dim3A_1139 : vector<256x1xf32> to vector<256x64xf32>
    %concatenate3A_1141 = tpu.concatenate %div3A_1138, %broadcast_in_dim3A_1140 in 1 : vector<256x64xf32>, vector<256x64xf32> -> vector<256x128xf32>
    %swap3A_1142 = arith.constant 26 : index
    %swap3A_1143 = arith.constant 0 : index
    %swap3A_1144 = arith.constant 0 : index
    %swap3A_1145 = vector.load %arg3[%swap3A_1142, %swap3A_1143, %swap3A_1144] : memref<32x256x128xf32, #tpu.memory_space<vmem>>, vector<1x256x128xf32>
    %swap3A_1146 = vector.shape_cast %swap3A_1145 : vector<1x256x128xf32> to vector<256x128xf32>
    %swap3A_1147 = vector.shape_cast %concatenate3A_1141 : vector<256x128xf32> to vector<1x256x128xf32>
    tpu.vector_store %arg3[%swap3A_1142, %swap3A_1143, %swap3A_1144], %swap3A_1147 {strides = array<i32>} : memref<32x256x128xf32, #tpu.memory_space<vmem>>, vector<1x256x128xf32>,
    %get3A_1148 = arith.constant 27 : index
    %get3A_1149 = arith.constant 0 : index
    %get3A_1150 = arith.constant 0 : index
    %get3A_1151 = vector.load %arg1[%get3A_1148, %get3A_1149, %get3A_1150] : memref<32x256x128xf32, #tpu.memory_space<vmem>>, vector<1x256x64xf32>
    %get3A_1152 = vector.shape_cast %get3A_1151 : vector<1x256x64xf32> to vector<256x64xf32>
    %get3A_1153 = arith.constant 27 : index
    %get3A_1154 = arith.constant 0 : index
    %get3A_1155 = arith.constant 0 : index
    %get3A_1156 = vector.load %arg2[%get3A_1153, %get3A_1154, %get3A_1155] : memref<32x256x128xf32, #tpu.memory_space<vmem>>, vector<1x256x64xf32>
    %get3A_1157 = vector.shape_cast %get3A_1156 : vector<1x256x64xf32> to vector<256x64xf32>
    %get3A_1158 = arith.constant 27 : index
    %get3A_1159 = arith.constant 0 : index
    %get3A_1160 = arith.constant 64 : index
    %get3A_1161 = vector.load %arg2[%get3A_1158, %get3A_1159, %get3A_1160] : memref<32x256x128xf32, #tpu.memory_space<vmem>>, vector<1x256x64xf32>
    %get3A_1162 = vector.shape_cast %get3A_1161 : vector<1x256x64xf32> to vector<256x64xf32>
    %dot_general3A_1163 = arith.constant dense<0.000000e+00> : vector<256x256xf32>
    %dot_general3A_1164 = tpu.matmul %get3A_1152, %get3A_1157, %dot_general3A_1163 {dimension_numbers = #tpu.dot_dimension_numbers<[1], [1], [0], [0], [0, 0, 1, 0], [], []>, transpose_lhs_hint = false} : vector<256x64xf32>, vector<256x64xf32>, vector<256x256xf32> -> vector<256x256xf32>
    %reduce_max3A_1165 = arith.constant dense<0xFF800000> : vector<256xf32>
    %reduce_max3A_1166 = vector.multi_reduction <maximumf>, %dot_general3A_1164, %reduce_max3A_1165 [1] : vector<256x256xf32> to vector<256xf32>
    %broadcast_in_dim3A_1167 = vector.shape_cast %reduce_max3A_1166 : vector<256xf32> to vector<256x1xf32>
    %sub3A_1168 = vector.broadcast %broadcast_in_dim3A_1167 : vector<256x1xf32> to vector<256x256xf32>
    %sub3A_1169 = arith.subf %dot_general3A_1164, %sub3A_1168 : vector<256x256xf32>
    %exp3A_1170 = math.exp %sub3A_1169 : vector<256x256xf32>
    %reduce_sum3A_1171 = arith.constant dense<0.000000e+00> : vector<256xf32>
    %reduce_sum3A_1172 = vector.multi_reduction <add>, %exp3A_1170, %reduce_sum3A_1171 [1] : vector<256x256xf32> to vector<256xf32>
    %broadcast_in_dim3A_1173 = vector.shape_cast %reduce_sum3A_1172 : vector<256xf32> to vector<256x1xf32>
    %convert_element_type3A_1174 = arith.truncf %exp3A_1170 : vector<256x256xf32> to vector<256x256xbf16>
    %convert_element_type3A_1175 = arith.truncf %get3A_1162 : vector<256x64xf32> to vector<256x64xbf16>
    %dot_general3A_1176 = arith.constant dense<0.000000e+00> : vector<256x64xf32>
    %dot_general3A_1177 = tpu.matmul %convert_element_type3A_1174, %convert_element_type3A_1175, %dot_general3A_1176 {dimension_numbers = #tpu.dot_dimension_numbers<[1], [0], [0], [1], [0, 0, 1, 1], [], []>, transpose_lhs_hint = false} : vector<256x256xbf16>, vector<256x64xbf16>, vector<256x64xf32> -> vector<256x64xf32>
    %log3A_1178 = math.log %broadcast_in_dim3A_1173 : vector<256x1xf32>
    %add3A_1179 = arith.addf %broadcast_in_dim3A_1167, %log3A_1178 : vector<256x1xf32>
    %div3A_1180 = vector.broadcast %broadcast_in_dim3A_1173 : vector<256x1xf32> to vector<256x64xf32>
    %div3A_1181 = arith.divf %dot_general3A_1177, %div3A_1180 : vector<256x64xf32>
    %broadcast_in_dim3A_1182 = vector.shape_cast %add3A_1179 : vector<256x1xf32> to vector<256x1xf32>
    %broadcast_in_dim3A_1183 = vector.broadcast %broadcast_in_dim3A_1182 : vector<256x1xf32> to vector<256x64xf32>
    %concatenate3A_1184 = tpu.concatenate %div3A_1181, %broadcast_in_dim3A_1183 in 1 : vector<256x64xf32>, vector<256x64xf32> -> vector<256x128xf32>
    %swap3A_1185 = arith.constant 27 : index
    %swap3A_1186 = arith.constant 0 : index
    %swap3A_1187 = arith.constant 0 : index
    %swap3A_1188 = vector.load %arg3[%swap3A_1185, %swap3A_1186, %swap3A_1187] : memref<32x256x128xf32, #tpu.memory_space<vmem>>, vector<1x256x128xf32>
    %swap3A_1189 = vector.shape_cast %swap3A_1188 : vector<1x256x128xf32> to vector<256x128xf32>
    %swap3A_1190 = vector.shape_cast %concatenate3A_1184 : vector<256x128xf32> to vector<1x256x128xf32>
    tpu.vector_store %arg3[%swap3A_1185, %swap3A_1186, %swap3A_1187], %swap3A_1190 {strides = array<i32>} : memref<32x256x128xf32, #tpu.memory_space<vmem>>, vector<1x256x128xf32>,
    %get3A_1191 = arith.constant 28 : index
    %get3A_1192 = arith.constant 0 : index
    %get3A_1193 = arith.constant 0 : index
    %get3A_1194 = vector.load %arg1[%get3A_1191, %get3A_1192, %get3A_1193] : memref<32x256x128xf32, #tpu.memory_space<vmem>>, vector<1x256x64xf32>
    %get3A_1195 = vector.shape_cast %get3A_1194 : vector<1x256x64xf32> to vector<256x64xf32>
    %get3A_1196 = arith.constant 28 : index
    %get3A_1197 = arith.constant 0 : index
    %get3A_1198 = arith.constant 0 : index
    %get3A_1199 = vector.load %arg2[%get3A_1196, %get3A_1197, %get3A_1198] : memref<32x256x128xf32, #tpu.memory_space<vmem>>, vector<1x256x64xf32>
    %get3A_1200 = vector.shape_cast %get3A_1199 : vector<1x256x64xf32> to vector<256x64xf32>
    %get3A_1201 = arith.constant 28 : index
    %get3A_1202 = arith.constant 0 : index
    %get3A_1203 = arith.constant 64 : index
    %get3A_1204 = vector.load %arg2[%get3A_1201, %get3A_1202, %get3A_1203] : memref<32x256x128xf32, #tpu.memory_space<vmem>>, vector<1x256x64xf32>
    %get3A_1205 = vector.shape_cast %get3A_1204 : vector<1x256x64xf32> to vector<256x64xf32>
    %dot_general3A_1206 = arith.constant dense<0.000000e+00> : vector<256x256xf32>
    %dot_general3A_1207 = tpu.matmul %get3A_1195, %get3A_1200, %dot_general3A_1206 {dimension_numbers = #tpu.dot_dimension_numbers<[1], [1], [0], [0], [0, 0, 1, 0], [], []>, transpose_lhs_hint = false} : vector<256x64xf32>, vector<256x64xf32>, vector<256x256xf32> -> vector<256x256xf32>
    %reduce_max3A_1208 = arith.constant dense<0xFF800000> : vector<256xf32>
    %reduce_max3A_1209 = vector.multi_reduction <maximumf>, %dot_general3A_1207, %reduce_max3A_1208 [1] : vector<256x256xf32> to vector<256xf32>
    %broadcast_in_dim3A_1210 = vector.shape_cast %reduce_max3A_1209 : vector<256xf32> to vector<256x1xf32>
    %sub3A_1211 = vector.broadcast %broadcast_in_dim3A_1210 : vector<256x1xf32> to vector<256x256xf32>
    %sub3A_1212 = arith.subf %dot_general3A_1207, %sub3A_1211 : vector<256x256xf32>
    %exp3A_1213 = math.exp %sub3A_1212 : vector<256x256xf32>
    %reduce_sum3A_1214 = arith.constant dense<0.000000e+00> : vector<256xf32>
    %reduce_sum3A_1215 = vector.multi_reduction <add>, %exp3A_1213, %reduce_sum3A_1214 [1] : vector<256x256xf32> to vector<256xf32>
    %broadcast_in_dim3A_1216 = vector.shape_cast %reduce_sum3A_1215 : vector<256xf32> to vector<256x1xf32>
    %convert_element_type3A_1217 = arith.truncf %exp3A_1213 : vector<256x256xf32> to vector<256x256xbf16>
    %convert_element_type3A_1218 = arith.truncf %get3A_1205 : vector<256x64xf32> to vector<256x64xbf16>
    %dot_general3A_1219 = arith.constant dense<0.000000e+00> : vector<256x64xf32>
    %dot_general3A_1220 = tpu.matmul %convert_element_type3A_1217, %convert_element_type3A_1218, %dot_general3A_1219 {dimension_numbers = #tpu.dot_dimension_numbers<[1], [0], [0], [1], [0, 0, 1, 1], [], []>, transpose_lhs_hint = false} : vector<256x256xbf16>, vector<256x64xbf16>, vector<256x64xf32> -> vector<256x64xf32>
    %log3A_1221 = math.log %broadcast_in_dim3A_1216 : vector<256x1xf32>
    %add3A_1222 = arith.addf %broadcast_in_dim3A_1210, %log3A_1221 : vector<256x1xf32>
    %div3A_1223 = vector.broadcast %broadcast_in_dim3A_1216 : vector<256x1xf32> to vector<256x64xf32>
    %div3A_1224 = arith.divf %dot_general3A_1220, %div3A_1223 : vector<256x64xf32>
    %broadcast_in_dim3A_1225 = vector.shape_cast %add3A_1222 : vector<256x1xf32> to vector<256x1xf32>
    %broadcast_in_dim3A_1226 = vector.broadcast %broadcast_in_dim3A_1225 : vector<256x1xf32> to vector<256x64xf32>
    %concatenate3A_1227 = tpu.concatenate %div3A_1224, %broadcast_in_dim3A_1226 in 1 : vector<256x64xf32>, vector<256x64xf32> -> vector<256x128xf32>
    %swap3A_1228 = arith.constant 28 : index
    %swap3A_1229 = arith.constant 0 : index
    %swap3A_1230 = arith.constant 0 : index
    %swap3A_1231 = vector.load %arg3[%swap3A_1228, %swap3A_1229, %swap3A_1230] : memref<32x256x128xf32, #tpu.memory_space<vmem>>, vector<1x256x128xf32>
    %swap3A_1232 = vector.shape_cast %swap3A_1231 : vector<1x256x128xf32> to vector<256x128xf32>
    %swap3A_1233 = vector.shape_cast %concatenate3A_1227 : vector<256x128xf32> to vector<1x256x128xf32>
    tpu.vector_store %arg3[%swap3A_1228, %swap3A_1229, %swap3A_1230], %swap3A_1233 {strides = array<i32>} : memref<32x256x128xf32, #tpu.memory_space<vmem>>, vector<1x256x128xf32>,
    %get3A_1234 = arith.constant 29 : index
    %get3A_1235 = arith.constant 0 : index
    %get3A_1236 = arith.constant 0 : index
    %get3A_1237 = vector.load %arg1[%get3A_1234, %get3A_1235, %get3A_1236] : memref<32x256x128xf32, #tpu.memory_space<vmem>>, vector<1x256x64xf32>
    %get3A_1238 = vector.shape_cast %get3A_1237 : vector<1x256x64xf32> to vector<256x64xf32>
    %get3A_1239 = arith.constant 29 : index
    %get3A_1240 = arith.constant 0 : index
    %get3A_1241 = arith.constant 0 : index
    %get3A_1242 = vector.load %arg2[%get3A_1239, %get3A_1240, %get3A_1241] : memref<32x256x128xf32, #tpu.memory_space<vmem>>, vector<1x256x64xf32>
    %get3A_1243 = vector.shape_cast %get3A_1242 : vector<1x256x64xf32> to vector<256x64xf32>
    %get3A_1244 = arith.constant 29 : index
    %get3A_1245 = arith.constant 0 : index
    %get3A_1246 = arith.constant 64 : index
    %get3A_1247 = vector.load %arg2[%get3A_1244, %get3A_1245, %get3A_1246] : memref<32x256x128xf32, #tpu.memory_space<vmem>>, vector<1x256x64xf32>
    %get3A_1248 = vector.shape_cast %get3A_1247 : vector<1x256x64xf32> to vector<256x64xf32>
    %dot_general3A_1249 = arith.constant dense<0.000000e+00> : vector<256x256xf32>
    %dot_general3A_1250 = tpu.matmul %get3A_1238, %get3A_1243, %dot_general3A_1249 {dimension_numbers = #tpu.dot_dimension_numbers<[1], [1], [0], [0], [0, 0, 1, 0], [], []>, transpose_lhs_hint = false} : vector<256x64xf32>, vector<256x64xf32>, vector<256x256xf32> -> vector<256x256xf32>
    %reduce_max3A_1251 = arith.constant dense<0xFF800000> : vector<256xf32>
    %reduce_max3A_1252 = vector.multi_reduction <maximumf>, %dot_general3A_1250, %reduce_max3A_1251 [1] : vector<256x256xf32> to vector<256xf32>
    %broadcast_in_dim3A_1253 = vector.shape_cast %reduce_max3A_1252 : vector<256xf32> to vector<256x1xf32>
    %sub3A_1254 = vector.broadcast %broadcast_in_dim3A_1253 : vector<256x1xf32> to vector<256x256xf32>
    %sub3A_1255 = arith.subf %dot_general3A_1250, %sub3A_1254 : vector<256x256xf32>
    %exp3A_1256 = math.exp %sub3A_1255 : vector<256x256xf32>
    %reduce_sum3A_1257 = arith.constant dense<0.000000e+00> : vector<256xf32>
    %reduce_sum3A_1258 = vector.multi_reduction <add>, %exp3A_1256, %reduce_sum3A_1257 [1] : vector<256x256xf32> to vector<256xf32>
    %broadcast_in_dim3A_1259 = vector.shape_cast %reduce_sum3A_1258 : vector<256xf32> to vector<256x1xf32>
    %convert_element_type3A_1260 = arith.truncf %exp3A_1256 : vector<256x256xf32> to vector<256x256xbf16>
    %convert_element_type3A_1261 = arith.truncf %get3A_1248 : vector<256x64xf32> to vector<256x64xbf16>
    %dot_general3A_1262 = arith.constant dense<0.000000e+00> : vector<256x64xf32>
    %dot_general3A_1263 = tpu.matmul %convert_element_type3A_1260, %convert_element_type3A_1261, %dot_general3A_1262 {dimension_numbers = #tpu.dot_dimension_numbers<[1], [0], [0], [1], [0, 0, 1, 1], [], []>, transpose_lhs_hint = false} : vector<256x256xbf16>, vector<256x64xbf16>, vector<256x64xf32> -> vector<256x64xf32>
    %log3A_1264 = math.log %broadcast_in_dim3A_1259 : vector<256x1xf32>
    %add3A_1265 = arith.addf %broadcast_in_dim3A_1253, %log3A_1264 : vector<256x1xf32>
    %div3A_1266 = vector.broadcast %broadcast_in_dim3A_1259 : vector<256x1xf32> to vector<256x64xf32>
    %div3A_1267 = arith.divf %dot_general3A_1263, %div3A_1266 : vector<256x64xf32>
    %broadcast_in_dim3A_1268 = vector.shape_cast %add3A_1265 : vector<256x1xf32> to vector<256x1xf32>
    %broadcast_in_dim3A_1269 = vector.broadcast %broadcast_in_dim3A_1268 : vector<256x1xf32> to vector<256x64xf32>
    %concatenate3A_1270 = tpu.concatenate %div3A_1267, %broadcast_in_dim3A_1269 in 1 : vector<256x64xf32>, vector<256x64xf32> -> vector<256x128xf32>
    %swap3A_1271 = arith.constant 29 : index
    %swap3A_1272 = arith.constant 0 : index
    %swap3A_1273 = arith.constant 0 : index
    %swap3A_1274 = vector.load %arg3[%swap3A_1271, %swap3A_1272, %swap3A_1273] : memref<32x256x128xf32, #tpu.memory_space<vmem>>, vector<1x256x128xf32>
    %swap3A_1275 = vector.shape_cast %swap3A_1274 : vector<1x256x128xf32> to vector<256x128xf32>
    %swap3A_1276 = vector.shape_cast %concatenate3A_1270 : vector<256x128xf32> to vector<1x256x128xf32>
    tpu.vector_store %arg3[%swap3A_1271, %swap3A_1272, %swap3A_1273], %swap3A_1276 {strides = array<i32>} : memref<32x256x128xf32, #tpu.memory_space<vmem>>, vector<1x256x128xf32>,
    %get3A_1277 = arith.constant 30 : index
    %get3A_1278 = arith.constant 0 : index
    %get3A_1279 = arith.constant 0 : index
    %get3A_1280 = vector.load %arg1[%get3A_1277, %get3A_1278, %get3A_1279] : memref<32x256x128xf32, #tpu.memory_space<vmem>>, vector<1x256x64xf32>
    %get3A_1281 = vector.shape_cast %get3A_1280 : vector<1x256x64xf32> to vector<256x64xf32>
    %get3A_1282 = arith.constant 30 : index
    %get3A_1283 = arith.constant 0 : index
    %get3A_1284 = arith.constant 0 : index
    %get3A_1285 = vector.load %arg2[%get3A_1282, %get3A_1283, %get3A_1284] : memref<32x256x128xf32, #tpu.memory_space<vmem>>, vector<1x256x64xf32>
    %get3A_1286 = vector.shape_cast %get3A_1285 : vector<1x256x64xf32> to vector<256x64xf32>
    %get3A_1287 = arith.constant 30 : index
    %get3A_1288 = arith.constant 0 : index
    %get3A_1289 = arith.constant 64 : index
    %get3A_1290 = vector.load %arg2[%get3A_1287, %get3A_1288, %get3A_1289] : memref<32x256x128xf32, #tpu.memory_space<vmem>>, vector<1x256x64xf32>
    %get3A_1291 = vector.shape_cast %get3A_1290 : vector<1x256x64xf32> to vector<256x64xf32>
    %dot_general3A_1292 = arith.constant dense<0.000000e+00> : vector<256x256xf32>
    %dot_general3A_1293 = tpu.matmul %get3A_1281, %get3A_1286, %dot_general3A_1292 {dimension_numbers = #tpu.dot_dimension_numbers<[1], [1], [0], [0], [0, 0, 1, 0], [], []>, transpose_lhs_hint = false} : vector<256x64xf32>, vector<256x64xf32>, vector<256x256xf32> -> vector<256x256xf32>
    %reduce_max3A_1294 = arith.constant dense<0xFF800000> : vector<256xf32>
    %reduce_max3A_1295 = vector.multi_reduction <maximumf>, %dot_general3A_1293, %reduce_max3A_1294 [1] : vector<256x256xf32> to vector<256xf32>
    %broadcast_in_dim3A_1296 = vector.shape_cast %reduce_max3A_1295 : vector<256xf32> to vector<256x1xf32>
    %sub3A_1297 = vector.broadcast %broadcast_in_dim3A_1296 : vector<256x1xf32> to vector<256x256xf32>
    %sub3A_1298 = arith.subf %dot_general3A_1293, %sub3A_1297 : vector<256x256xf32>
    %exp3A_1299 = math.exp %sub3A_1298 : vector<256x256xf32>
    %reduce_sum3A_1300 = arith.constant dense<0.000000e+00> : vector<256xf32>
    %reduce_sum3A_1301 = vector.multi_reduction <add>, %exp3A_1299, %reduce_sum3A_1300 [1] : vector<256x256xf32> to vector<256xf32>
    %broadcast_in_dim3A_1302 = vector.shape_cast %reduce_sum3A_1301 : vector<256xf32> to vector<256x1xf32>
    %convert_element_type3A_1303 = arith.truncf %exp3A_1299 : vector<256x256xf32> to vector<256x256xbf16>
    %convert_element_type3A_1304 = arith.truncf %get3A_1291 : vector<256x64xf32> to vector<256x64xbf16>
    %dot_general3A_1305 = arith.constant dense<0.000000e+00> : vector<256x64xf32>
    %dot_general3A_1306 = tpu.matmul %convert_element_type3A_1303, %convert_element_type3A_1304, %dot_general3A_1305 {dimension_numbers = #tpu.dot_dimension_numbers<[1], [0], [0], [1], [0, 0, 1, 1], [], []>, transpose_lhs_hint = false} : vector<256x256xbf16>, vector<256x64xbf16>, vector<256x64xf32> -> vector<256x64xf32>
    %log3A_1307 = math.log %broadcast_in_dim3A_1302 : vector<256x1xf32>
    %add3A_1308 = arith.addf %broadcast_in_dim3A_1296, %log3A_1307 : vector<256x1xf32>
    %div3A_1309 = vector.broadcast %broadcast_in_dim3A_1302 : vector<256x1xf32> to vector<256x64xf32>
    %div3A_1310 = arith.divf %dot_general3A_1306, %div3A_1309 : vector<256x64xf32>
    %broadcast_in_dim3A_1311 = vector.shape_cast %add3A_1308 : vector<256x1xf32> to vector<256x1xf32>
    %broadcast_in_dim3A_1312 = vector.broadcast %broadcast_in_dim3A_1311 : vector<256x1xf32> to vector<256x64xf32>
    %concatenate3A_1313 = tpu.concatenate %div3A_1310, %broadcast_in_dim3A_1312 in 1 : vector<256x64xf32>, vector<256x64xf32> -> vector<256x128xf32>
    %swap3A_1314 = arith.constant 30 : index
    %swap3A_1315 = arith.constant 0 : index
    %swap3A_1316 = arith.constant 0 : index
    %swap3A_1317 = vector.load %arg3[%swap3A_1314, %swap3A_1315, %swap3A_1316] : memref<32x256x128xf32, #tpu.memory_space<vmem>>, vector<1x256x128xf32>
    %swap3A_1318 = vector.shape_cast %swap3A_1317 : vector<1x256x128xf32> to vector<256x128xf32>
    %swap3A_1319 = vector.shape_cast %concatenate3A_1313 : vector<256x128xf32> to vector<1x256x128xf32>
    tpu.vector_store %arg3[%swap3A_1314, %swap3A_1315, %swap3A_1316], %swap3A_1319 {strides = array<i32>} : memref<32x256x128xf32, #tpu.memory_space<vmem>>, vector<1x256x128xf32>,
    %get3A_1320 = arith.constant 31 : index
    %get3A_1321 = arith.constant 0 : index
    %get3A_1322 = arith.constant 0 : index
    %get3A_1323 = vector.load %arg1[%get3A_1320, %get3A_1321, %get3A_1322] : memref<32x256x128xf32, #tpu.memory_space<vmem>>, vector<1x256x64xf32>
    %get3A_1324 = vector.shape_cast %get3A_1323 : vector<1x256x64xf32> to vector<256x64xf32>
    %get3A_1325 = arith.constant 31 : index
    %get3A_1326 = arith.constant 0 : index
    %get3A_1327 = arith.constant 0 : index
    %get3A_1328 = vector.load %arg2[%get3A_1325, %get3A_1326, %get3A_1327] : memref<32x256x128xf32, #tpu.memory_space<vmem>>, vector<1x256x64xf32>
    %get3A_1329 = vector.shape_cast %get3A_1328 : vector<1x256x64xf32> to vector<256x64xf32>
    %get3A_1330 = arith.constant 31 : index
    %get3A_1331 = arith.constant 0 : index
    %get3A_1332 = arith.constant 64 : index
    %get3A_1333 = vector.load %arg2[%get3A_1330, %get3A_1331, %get3A_1332] : memref<32x256x128xf32, #tpu.memory_space<vmem>>, vector<1x256x64xf32>
    %get3A_1334 = vector.shape_cast %get3A_1333 : vector<1x256x64xf32> to vector<256x64xf32>
    %dot_general3A_1335 = arith.constant dense<0.000000e+00> : vector<256x256xf32>
    %dot_general3A_1336 = tpu.matmul %get3A_1324, %get3A_1329, %dot_general3A_1335 {dimension_numbers = #tpu.dot_dimension_numbers<[1], [1], [0], [0], [0, 0, 1, 0], [], []>, transpose_lhs_hint = false} : vector<256x64xf32>, vector<256x64xf32>, vector<256x256xf32> -> vector<256x256xf32>
    %reduce_max3A_1337 = arith.constant dense<0xFF800000> : vector<256xf32>
    %reduce_max3A_1338 = vector.multi_reduction <maximumf>, %dot_general3A_1336, %reduce_max3A_1337 [1] : vector<256x256xf32> to vector<256xf32>
    %broadcast_in_dim3A_1339 = vector.shape_cast %reduce_max3A_1338 : vector<256xf32> to vector<256x1xf32>
    %sub3A_1340 = vector.broadcast %broadcast_in_dim3A_1339 : vector<256x1xf32> to vector<256x256xf32>
    %sub3A_1341 = arith.subf %dot_general3A_1336, %sub3A_1340 : vector<256x256xf32>
    %exp3A_1342 = math.exp %sub3A_1341 : vector<256x256xf32>
    %reduce_sum3A_1343 = arith.constant dense<0.000000e+00> : vector<256xf32>
    %reduce_sum3A_1344 = vector.multi_reduction <add>, %exp3A_1342, %reduce_sum3A_1343 [1] : vector<256x256xf32> to vector<256xf32>
    %broadcast_in_dim3A_1345 = vector.shape_cast %reduce_sum3A_1344 : vector<256xf32> to vector<256x1xf32>
    %convert_element_type3A_1346 = arith.truncf %exp3A_1342 : vector<256x256xf32> to vector<256x256xbf16>
    %convert_element_type3A_1347 = arith.truncf %get3A_1334 : vector<256x64xf32> to vector<256x64xbf16>
    %dot_general3A_1348 = arith.constant dense<0.000000e+00> : vector<256x64xf32>
    %dot_general3A_1349 = tpu.matmul %convert_element_type3A_1346, %convert_element_type3A_1347, %dot_general3A_1348 {dimension_numbers = #tpu.dot_dimension_numbers<[1], [0], [0], [1], [0, 0, 1, 1], [], []>, transpose_lhs_hint = false} : vector<256x256xbf16>, vector<256x64xbf16>, vector<256x64xf32> -> vector<256x64xf32>
    %log3A_1350 = math.log %broadcast_in_dim3A_1345 : vector<256x1xf32>
    %add3A_1351 = arith.addf %broadcast_in_dim3A_1339, %log3A_1350 : vector<256x1xf32>
    %div3A_1352 = vector.broadcast %broadcast_in_dim3A_1345 : vector<256x1xf32> to vector<256x64xf32>
    %div3A_1353 = arith.divf %dot_general3A_1349, %div3A_1352 : vector<256x64xf32>
    %broadcast_in_dim3A_1354 = vector.shape_cast %add3A_1351 : vector<256x1xf32> to vector<256x1xf32>
    %broadcast_in_dim3A_1355 = vector.broadcast %broadcast_in_dim3A_1354 : vector<256x1xf32> to vector<256x64xf32>
    %concatenate3A_1356 = tpu.concatenate %div3A_1353, %broadcast_in_dim3A_1355 in 1 : vector<256x64xf32>, vector<256x64xf32> -> vector<256x128xf32>
    %swap3A_1357 = arith.constant 31 : index
    %swap3A_1358 = arith.constant 0 : index
    %swap3A_1359 = arith.constant 0 : index
    %swap3A_1360 = vector.load %arg3[%swap3A_1357, %swap3A_1358, %swap3A_1359] : memref<32x256x128xf32, #tpu.memory_space<vmem>>, vector<1x256x128xf32>
    %swap3A_1361 = vector.shape_cast %swap3A_1360 : vector<1x256x128xf32> to vector<256x128xf32>
    %swap3A_1362 = vector.shape_cast %concatenate3A_1356 : vector<256x128xf32> to vector<1x256x128xf32>
    tpu.vector_store %arg3[%swap3A_1357, %swap3A_1358, %swap3A_1359], %swap3A_1362 {strides = array<i32>} : memref<32x256x128xf32, #tpu.memory_space<vmem>>, vector<1x256x128xf32>,
    return
  }
  func.func @transform_0(%arg0: i32) -> (i32, i32, i32) {
    %c0_i32 = arith.constant 0 : i32
    %c0_i32_0 = arith.constant 0 : i32
    %c0_i32_1 = arith.constant 0 : i32
    return %arg0, %c0_i32, %c0_i32_0 : i32, i32, i32
  }
  func.func @transform_1(%arg0: i32) -> (i32, i32, i32) {
    %c0_i32 = arith.constant 0 : i32
    %c0_i32_0 = arith.constant 0 : i32
    %c0_i32_1 = arith.constant 0 : i32
    return %arg0, %c0_i32, %c0_i32_0 : i32, i32, i32
  }
  func.func @transform_2(%arg0: i32) -> (i32, i32, i32) {
    %c0_i32 = arith.constant 0 : i32
    %c0_i32_0 = arith.constant 0 : i32
    %c0_i32_1 = arith.constant 0 : i32
    return %arg0, %c0_i32, %c0_i32_0 : i32, i32, i32
  }
}

module attributes {stable_mosaic.version = 14 : i64} {
  func.func @_combine_kernel(%arg0: i32, %arg1: i32, %arg2: memref<4x1x4096x128xf32, #tpu.memory_space<vmem>>, %arg3: memref<1x4096x64xf32, #tpu.memory_space<vmem>>) attributes {dimension_semantics = [#tpu.dimension_semantics<arbitrary>, #tpu.dimension_semantics<arbitrary>], iteration_bounds = array<i64: 8, 1>, scalar_prefetch = 0 : i64, scratch_operands = 0 : i64, tpu.core_type = #tpu.core_type<tc>, window_params = [{transform_indices = @transform_0, window_bounds = array<i64: 4, 1, 4096, 128>}, {transform_indices = @transform_1, window_bounds = array<i64: 1, 4096, 64>}]} {
    %get3A = arith.constant 0 : index
    %get3A_0 = arith.constant 0 : index
    %get3A_1 = arith.constant 0 : index
    %get3A_2 = arith.constant 0 : index
    %get3A_3 = vector.load %arg2[%get3A, %get3A_0, %get3A_1, %get3A_2] : memref<4x1x4096x128xf32, #tpu.memory_space<vmem>>, vector<4x1x4096x128xf32>
    %get3A_4 = vector.shape_cast %get3A_3 : vector<4x1x4096x128xf32> to vector<4x4096x128xf32>
    %slice3A = vector.extract_strided_slice %get3A_4 {offsets = [0, 0, 0], sizes = [4, 4096, 64], strides = [1, 1, 1]} : vector<4x4096x128xf32> to vector<4x4096x64xf32>
    %slice3A_5 = vector.extract_strided_slice %get3A_4 {offsets = [0, 0, 64], sizes = [4, 4096, 1], strides = [1, 1, 1]} : vector<4x4096x128xf32> to vector<4x4096x1xf32>
    %reduce_max3A = arith.constant dense<0xFF800000> : vector<4096x1xf32>
    %reduce_max3A_6 = vector.multi_reduction <maximumf>, %slice3A_5, %reduce_max3A [0] : vector<4x4096x1xf32> to vector<4096x1xf32>
    %broadcast_in_dim3A = vector.shape_cast %reduce_max3A_6 : vector<4096x1xf32> to vector<1x4096x1xf32>
    %sub3A = vector.broadcast %broadcast_in_dim3A : vector<1x4096x1xf32> to vector<4x4096x1xf32>
    %sub3A_7 = arith.subf %slice3A_5, %sub3A : vector<4x4096x1xf32>
    %exp3A = math.exp %sub3A_7 : vector<4x4096x1xf32>
    %reduce_sum3A = arith.constant dense<0.000000e+00> : vector<4096x1xf32>
    %reduce_sum3A_8 = vector.multi_reduction <add>, %exp3A, %reduce_sum3A [0] : vector<4x4096x1xf32> to vector<4096x1xf32>
    %broadcast_in_dim3A_9 = vector.shape_cast %reduce_sum3A_8 : vector<4096x1xf32> to vector<1x4096x1xf32>
    %div3A = vector.broadcast %broadcast_in_dim3A_9 : vector<1x4096x1xf32> to vector<4x4096x1xf32>
    %div3A_10 = arith.divf %exp3A, %div3A : vector<4x4096x1xf32>
    %mul3A = vector.broadcast %div3A_10 : vector<4x4096x1xf32> to vector<4x4096x64xf32>
    %mul3A_11 = arith.mulf %slice3A, %mul3A : vector<4x4096x64xf32>
    %reduce_sum3A_12 = arith.constant dense<0.000000e+00> : vector<4096x64xf32>
    %reduce_sum3A_13 = vector.multi_reduction <add>, %mul3A_11, %reduce_sum3A_12 [0] : vector<4x4096x64xf32> to vector<4096x64xf32>
    %swap3A = arith.constant 0 : index
    %swap3A_14 = arith.constant 0 : index
    %swap3A_15 = arith.constant 0 : index
    %swap3A_16 = vector.load %arg3[%swap3A, %swap3A_14, %swap3A_15] : memref<1x4096x64xf32, #tpu.memory_space<vmem>>, vector<1x4096x64xf32>
    %swap3A_17 = vector.shape_cast %swap3A_16 : vector<1x4096x64xf32> to vector<4096x64xf32>
    %swap3A_18 = vector.shape_cast %reduce_sum3A_13 : vector<4096x64xf32> to vector<1x4096x64xf32>
    tpu.vector_store %arg3[%swap3A, %swap3A_14, %swap3A_15], %swap3A_18 {strides = array<i32>} : memref<1x4096x64xf32, #tpu.memory_space<vmem>>, vector<1x4096x64xf32>,
    return
  }
  func.func @transform_0(%arg0: i32, %arg1: i32) -> (i32, i32, i32, i32) {
    %c0_i32 = arith.constant 0 : i32
    %c0_i32_0 = arith.constant 0 : i32
    %c0_i32_1 = arith.constant 0 : i32
    return %c0_i32, %arg0, %arg1, %c0_i32_0 : i32, i32, i32, i32
  }
  func.func @transform_1(%arg0: i32, %arg1: i32) -> (i32, i32, i32) {
    %c0_i32 = arith.constant 0 : i32
    %c0_i32_0 = arith.constant 0 : i32
    return %arg0, %arg1, %c0_i32 : i32, i32, i32
  }
}

</mosaic_0001>

<sc_bundles>
// kernel: kernel.11.cloned.1.call-start
scs
__scs_entry_jumppad:
0x0: {  	(pc) =	sbr.rel $0x88, $3  }
0x1: {  	(tag) =	ssettag $0x0;
	lr =	simm.s32 $0x1  }
0x2: {  	[smem:$0x3F9C] =	sst lr;
	_ =	strace $0xD0000000  }
0x3: {  	_ = 	snop  }
0x4: {  	_ = 	snop  }
0x5: {  	_ = 	snop  }
0x6: {  	_ = 	snop  }
0x7: {  	_ = 	snop  }
__scs_overlays_trampoline_lowered:
0x8: {  	[smem:$0x3FAB] =	sst s0  }
0x9: {  	[smem:$0x3FAC] =	sst s1  }
0xa: {  	[smem:$0x3FAD] =	sst s2  }
0xb: {  	[smem:$0x3FAE] =	sst s3  }
0xc: {  	[smem:$0x3FAF] =	sst s4  }
0xd: {  	[smem:$0x3FB0] =	sst s5  }
0xe: {  	[smem:$0x3FB1] =	sst s6  }
0xf: {  	[smem:$0x3FB2] =	sst s7  }
0x10: {  	[smem:$0x3FB3] =	sst s8  }
0x11: {  	[smem:$0x3FB4] =	sst s9;
	s0 =	simm.s32 @!p0 $0x0  }
0x12: {  	s1 =	sld [smem:$0x3F9A];
	s0 =	simm.s32 @p0 $0x1  }
0x13: {  	[smem:$0x3FB5] =	sst s0;
	s0 =	simm.s32 @!p1 $0x0  }
0x14: {  	s2 =	sld [smem:$0x3F99];
	s0 =	simm.s32 @p1 $0x1  }
0x15: {  	[smem:$0x3FB6] =	sst s0;
	s0 =	simm.s32 @!p2 $0x0  }
0x16: {  	s3 =	sld [smem:$0x3FDB];
	s0 =	simm.s32 @p2 $0x1  }
0x17: {  	s4 =	simm.s32 $0x1BF5;
	[smem:$0x3FB8] =	sst s0  }
0x18: {  	s0 =	sld [smem:$0x3F9B];
	_ =	swait.ge [sflag:s4], $0x0  }
0x19: {  	s7 =	sld [smem:$0x3F9C]  }
0x1a: {  	s8 =	sadd.s32 $0xFFFFE003, lr  }
0x1b: {  	s9 =	sadd.s32 $0xFFFFFEF7, lr;
	s5 =	simm.s32 $0xFFFFFFFF;
	p2 =	slt.u32 s8, $0xFFFFF086  }
0x1c: {  	p1 =	slt.u32 s9, $0xF7A;
	s5 =	simm.s32 @!p2 $0x0  }
0x1d: {  	s5 =	simm.s32 @p1 $0x1;
	p0 =	seq.s32 s7, s2  }
0x1e: {  	s7 =	smul.u32 @!p0 $0xF7A, s2;
	p2 =	seq.s32 @!p0 s5, $0x0  }
0x1f: {  	s9 =	smul.u32 $0xF7A, s1;
	s8 =	simm.s32 @!p0 $0x1BF5;
	p2 =	por !p2, p0  }
0x20: {  	[sflag:s8] =	ssyncset.s32 @!p0 $0xFFFFF086;
	s6 =	sadd.s32 @!p0 s3, s7;
	s7 =	simm.s32 @!p0 $0x108  }
0x21: {  	s3 =	sadd.s32 s3, s9;
	s6 =	sadd.s32 @!p0 $0x88, s6;
	s7 =	simm.s32 @p2 $0x1082  }
0x22: {  	[simem:s7], [sflag:s8] =	dma.local @!p0 [hbm:s6], $0xF7A  }
0x23: {  	s9 =	sor.u32 $0xD0000000, s2;
	s6 =	simm.s32 $0x108;
	_ =	swait.ge @!p0 [sflag:s8], $0x0  }
0x24: {  	s3 =	sadd.s32 $0x88, s3;
	s6 =	simm.s32 @!p1 $0x1082;
	[sflag:s4] =	ssyncset.s32 $0xFFFFF086  }
0x25: {  	[simem:s6], [sflag:s4] =	dma.local [hbm:s3], $0xF7A  }
0x26: {  	[smem:$0x3F9C] =	sst s1;
	(tag) =	ssettag s2;
	_ =	strace s9  }
0x27: {  	s1 =	sld [smem:$0x3FAC]  }
0x28: {  	s2 =	sld [smem:$0x3FAD]  }
0x29: {  	s4 =	sld [smem:$0x3FAF]  }
0x2a: {  	p0 =	seq.s32 s5, $0x0;
	s5 =	sld [smem:$0x3FB0]  }
0x2b: {  	s6 =	sld [smem:$0x3FB1]  }
0x2c: {  	s7 =	sld [smem:$0x3FB2]  }
0x2d: {  	s3 =	simm.s32 $0x108;
	s8 =	sld [smem:$0x3FB3]  }
0x2e: {  	s3 =	simm.s32 @!p0 $0x1082;
	s9 =	sld [smem:$0x3FB4]  }
0x2f: {  	lr =	sadd.s32 s0, s3;
	s0 =	sld [smem:$0x3FAB]  }
0x30: {  	s3 =	sld [smem:$0x3FAE]  }
0x31: {  	[smem:$0x3FB7] =	sst s10  }
0x32: {  	s10 =	sld [smem:$0x3FB5];
	_ =	sdelay $0x3  }
0x33: {  	p0 =	seq.s32 s10, $0x1;
	s10 =	sld [smem:$0x3FB7];
	_ =	sdelay $0x3  }
0x34: {  	[smem:$0x3FB7] =	sst s10  }
0x35: {  	s10 =	sld [smem:$0x3FB6];
	_ =	sdelay $0x3  }
0x36: {  	p1 =	seq.s32 s10, $0x1;
	s10 =	sld [smem:$0x3FB7];
	_ =	sdelay $0x3  }
0x37: {  	[smem:$0x3FB7] =	sst s10  }
0x38: {  	s10 =	sld [smem:$0x3FB8]  }
0x39: {  	_ = 	snop;
	(pc) =	sbr.ind lr, $3  }
0x3a: {  	_ = 	snop  }
0x3b: {  	_ = 	snop  }
0x3c: {  	p2 =	seq.s32 s10, $0x1;
	s10 =	sld [smem:$0x3FB7]  }
0x3d: {  	_ =	shalt  }
0x3e: {  	_ =	shalt  }
0x3f: {  	_ =	shalt  }
0x40: {  	_ =	shalt  }
0x41: {  	_ =	shalt  }
0x42: {  	_ =	shalt  }
0x43: {  	_ =	shalt  }
0x44: {  	_ =	shalt  }
0x45: {  	_ =	shalt  }
0x46: {  	_ =	shalt  }
0x47: {  	_ =	shalt  }
0x48: {  	_ =	shalt  }
0x49: {  	_ =	shalt  }
0x4a: {  	_ =	shalt  }
0x4b: {  	_ =	shalt  }
0x4c: {  	_ =	shalt  }
0x4d: {  	_ =	shalt  }
0x4e: {  	_ =	shalt  }
0x4f: {  	_ =	shalt  }
0x50: {  	_ =	shalt  }
0x51: {  	_ =	shalt  }
0x52: {  	_ =	shalt  }
0x53: {  	_ =	shalt  }
0x54: {  	_ =	shalt  }
0x55: {  	_ =	shalt  }
0x56: {  	_ =	shalt  }
0x57: {  	_ =	shalt  }
0x58: {  	_ =	shalt  }
0x59: {  	_ =	shalt  }
0x5a: {  	_ =	shalt  }
0x5b: {  	_ =	shalt  }
0x5c: {  	_ =	shalt  }
0x5d: {  	_ =	shalt  }
0x5e: {  	_ =	shalt  }
0x5f: {  	_ =	shalt  }
0x60: {  	_ =	shalt  }
0x61: {  	_ =	shalt  }
0x62: {  	_ =	shalt  }
0x63: {  	_ =	shalt  }
0x64: {  	_ =	shalt  }
0x65: {  	_ =	shalt  }
0x66: {  	_ =	shalt  }
0x67: {  	_ =	shalt  }
0x68: {  	_ =	shalt  }
0x69: {  	_ =	shalt  }
0x6a: {  	_ =	shalt  }
0x6b: {  	_ =	shalt  }
0x6c: {  	_ =	shalt  }
0x6d: {  	_ =	shalt  }
0x6e: {  	_ =	shalt  }
0x6f: {  	_ =	shalt  }
0x70: {  	_ =	shalt  }
0x71: {  	_ =	shalt  }
0x72: {  	_ =	shalt  }
0x73: {  	_ =	shalt  }
0x74: {  	_ =	shalt  }
0x75: {  	_ =	shalt  }
0x76: {  	_ =	shalt  }
0x77: {  	_ =	shalt  }
0x78: {  	_ =	shalt  }
0x79: {  	_ =	shalt  }
0x7a: {  	_ =	shalt  }
0x7b: {  	_ =	shalt  }
0x7c: {  	_ =	shalt  }
0x7d: {  	_ =	shalt  }
0x7e: {  	_ =	shalt  }
0x7f: {  	_ =	shalt  }
0x80: {  	_ =	shalt  }
0x81: {  	_ =	shalt  }
0x82: {  	_ =	shalt  }
0x83: {  	_ =	shalt  }
0x84: {  	_ =	shalt  }
0x85: {  	_ =	shalt  }
0x86: {  	_ =	shalt  }
0x87: {  	_ =	shalt  }
.Lfunc_end0:
.L_simem_size_0:
called_computation_lowered:
.L_overlay_start_0:
0x88: {  	s2 =	sld [smem:$0x3FD9]  }
0x89: {  	s3 =	sld [smem:$0x3FFE];
	_ =	sdelay $0x1  }
0x8a: {  	s1 =	srdreg.scid  }
0x8b: {  	s0 =	sand.u32 $0x1, s1  }
0x8c: {  	s17 =	sshll.u32 s0, $0xA;
	s2 =	sadd.s32 s3, s2  }
0x8d: {  	s2 =	sadd.s32 s2, s17  }
0x8e: {  	[smem:$0x3FC3] =	sst s2  }
0x8f: {  	_ = 	snop  }
0x90: {  	(tm) =	ssettm $0x1  }
0x91: {  	s18 =	sld [smem:$0x3FFB];
	_ =	sdelay $0x3  }
0x92: {  	_ =	strace s18  }
0x93: {  	s2 =	sld [smem:$0x3FFC];
	_ =	sdelay $0x3  }
0x94: {  	_ =	strace s2  }
0x95: {  	s2 =	sld [smem:$0x3FFD];
	_ =	sdelay $0x3  }
0x96: {  	_ =	strace s2  }
0x97: {  	_ =	strace $0x8FFFFFFF  }
0x98: {  	s19 =	sld [smem:$0x3FDB];
	_ =	sdelay $0x1  }
0x99: {  	s20 =	simm.s32 $_scs_section_size  }
0x9a: {  	s4 =	simm.s32 $_size__tile_overlayer_lowered;
	s5 =	simm.s32 $_tile_overlayer_lowered  }
0x9b: {  	s6 =	simm.s32 $0x1BFF;
	s21 =	sshll.u32 s5, $0x1;
	s3 =	sadd.s32 s20, s19  }
0x9c: {  	s22 =	simm.s32 $0x0;
	s4 =	sshll.u32 s4, $0x1;
	s5 =	sadd.s32 s21, s3  }
0x9d: {  	[timem:s22], [sflag:s6] =	dma.local [hbm:s5], s4  }
0x9e: {  	_ =	swait.ge [sflag:s6], s4  }
0x9f: {  	s4 =	ssub.s32 $0x0, s4;
	[sflag:s6] =	ssyncset.done $0x0  }
0xa0: {  	[sflag:s6] =	ssyncadd.s32 s4;
	_ =	sdelay $0x1  }
0xa1: {  	s23 =	simm.s32 $0x1B8B  }
0xa2: {  	_ =	swait.ge [sflag:s23], $0x1  }
0xa3: {  	[sflag:s23] =	ssyncset.done $0x0  }
0xa4: {  	[sflag:s23] =	ssyncadd.s32 $0xFFFFFFFF  }
0xa5: {  	s4 =	sld [smem:$0x0]  }
0xa6: {  	s5 =	sand.u32 $0xFFFFFFFE, s1  }
0xa7: {  	p0 =	sne.s32 s1, s5  }
0xa8: {  	s5 =	sshll.u32 @p0 s5, $0xE  }
0xa9: {  	s5 =	sadd.s32 @p0 $0x11B8D, s5;
	s6 =	sshll.u32 @p0 s4, $0x11  }
0xaa: {  	s5 =	sor.u32 @p0 s6, s5  }
0xab: {  	[sflag:s5] =	ssyncadd.remote.s32 @p0 $0x1;
	_ =	sdelay $0x1  }
0xac: {  	s5 =	simm.s32 @p0 $0x1B8D  }
0xad: {  	_ =	swait.eq @p0 [sflag:s5], $0x1  }
0xae: {  	[sflag:s5] =	ssyncadd.s32 @p0 $0xFFFFFFFF  }
0xaf: {  	s6 =	sshll.u32 @!p0 s1, $0xE  }
0xb0: {  	s6 =	sor.u32 @!p0 $0x4000, s6;
	s5 =	simm.s32 @!p0 $0x1B8D  }
0xb1: {  	s4 =	sshll.u32 @!p0 s4, $0x11;
	s6 =	sadd.s32 @!p0 $0x11B8D, s6;
	_ =	swait.eq @!p0 [sflag:s5], $0x1  }
0xb2: {  	s4 =	sor.u32 @!p0 s4, s6;
	[sflag:s5] =	ssyncadd.s32 @!p0 $0xFFFFFFFF  }
0xb3: {  	s25 =	simm.s32 $0x1B8E;
	s24 =	sld [smem:$0x3FFE];
	[sflag:s4] =	ssyncadd.remote.s32 @!p0 $0x1  }
0xb4: {  	s26 =	simm.s32 $execute0_lowered;
	[smem:$0x3FD2] =	sst s25  }
0xb5: {  	s5 =	sshll.u32 s26, $0x1;
	_ =	strace $0x80000049;
	[dreg:$0x1] =	wrdreg $0xFFFFFFFF  }
0xb6: {  	s28 =	simm.s32 $_size_execute0_lowered;
	s3 =	sadd.s32 s3, s5;
	[dreg:$0x0] =	wrdreg $0x0  }
0xb7: {  	s5 =	sshll.u32 s28, $0x1;
	[dreg:$0x2] =	wrdreg s3  }
0xb8: {  	[dreg:$0x3] =	wrdreg s5  }
0xb9: {  	[dreg:$0x4] =	wrdreg $0xC0  }
0xba: {  	_ =	task [dreg:s22], $0x5FFFF  }
0xbb: {  	[dreg:$0x1] =	wrdreg $0xFFFFFFFF  }
0xbc: {  	[dreg:$0x0] =	wrdreg $0x60  }
0xbd: {  	[dreg:$0x2] =	wrdreg s24  }
0xbe: {  	[dreg:$0x3] =	wrdreg $0x9  }
0xbf: {  	_ =	task.clear_ibuf [dreg:s22], $0x4FFFF;
	_ =	strace $0x90000049  }
0xc0: {  	s29 =	simm.s32 $0x9;
	_ =	strace $0x8000004B  }
0xc1: {  	_ =	swait.ge [sflag:s29], $0x1  }
0xc2: {  	[sflag:s29] =	ssyncadd.s32 $0xFFFFFFFF  }
0xc3: {  	_ =	strace $0x9000004B  }
0xc4: {  	_ =	sfence  }
0xc5: {  	s30 =	sld [smem:$0x0];
	_ =	sdelay $0x2  }
0xc6: {  	s31 =	sshll.u32 s1, $0xD;
	s1 =	sshrl.u32 s1, $0x2  }
0xc7: {  	s4 =	sand.u32 $0x4000, s31;
	s1 =	sadd.s32 s1, s30  }
0xc8: {  	s0 =	sor.u32 s4, s0;
	s1 =	sshll.u32 s1, $0x11  }
0xc9: {  	s0 =	sor.u32 s1, s0  }
0xca: {  	s0 =	sadd.s32 $0x8F2B, s0  }
0xcb: {  	[sflag:s0] =	ssyncadd.remote.s32 $0x1  }
0xcc: {  	_ =	sfence.sel $0xFFFF  }
0xcd: {  	[dreg:$0x0] =	wrdreg $0xFFFFFFFF;
	(pc) =	sbr.abs _section_cstart, $3  }
0xce: {  	[dreg:$0x1] =	wrdreg $0xFFFFFFFF  }
0xcf: {  	_ =	task.clear_ibuf [dreg:s22], $0x2FFFF;
	_ =	strace $0x9FFFFFFF  }
0xd0: {  	(tm) =	ssettm $0x7FFFFFFF  }
0xd1: {  	_ =	shalt  }
tec
execute0_lowered:
.L_overlay_start_1:
0x0: {  	(tag) =	ssettag $0x1  }
0x1: {  	s5 =	rddreg [dreg:$0x0]  }
0x2: {  	s0 =	rddreg [dreg:$0x1];
	s3 =	srdreg.scid  }
0x3: {  	s2 =	simm.s32 $0x0;
	s1 =	stileid.u32;
	s11 =	simm.s32 $0x5  }
0x4: {  	s12 =	simm.s32 $0x80;
	s13 =	simm.s32 $0x2000;
	s14 =	simm.s32 $0x6000  }
0x5: {  	s15 =	simm.s32 $0xA000;
	s16 =	simm.s32 $0xE000;
	s17 =	simm.s32 $0x1  }
0x6: {  	s18 =	simm.s32 $0x2;
	s19 =	simm.s32 $0x3;
	s20 =	simm.s32 $0x4  }
0x7: {  	s21 =	simm.s32 $0x0;
	s6 =	sand.u32 $0x1, s3;
	[smem:$0x7FF] =	sst s2  }
0x8: {  	s4 =	sshll.u32 s1, $0xD;
	s3 =	sadd.s32 $0x308000, s5;
	s9 =	sshll.u32 s1, $0x11  }
0x9: {  	s7 =	sshll.u32 s6, $0xC;
	_ =	strace $0x8000004A;
	s8 =	ssub.s32 $0x2, s6  }
0xa: {  	s9 =	sadd.s32 s9, s5;
	s31 =	sshll.u32 s6, $0x10;
	s7 =	sor.u32 s7, s4  }
0xb: {  	s4 =	sadd.s32 $0x408000, s5;
	s10 =	sshrl.u32 s8, $0x1;
	s7 =	sshrl.u32 s7, $0x3  }
0xc: {  	s9 =	sadd.s32 s31, s9;
	s8 =	ssub.s32 s8, s10;
	s7 =	sadd.s32 s7, s5  }
0xd: {  	s10 =	simm.s32 $0x1000;
	s5 =	sadd.s32 $0x20C000, s7;
	s6 =	sadd.s32 $0x208000, s7  }
0xe: {  	s7 =	smax.u32 s8, $0x1;
	s8 =	sadd.s32 $0x708000, s9;
	s9 =	sadd.s32 $0x908000, s9  }
.LBB2_1:
0xf: {  	[tilespmem:s2], [sflag:$0x5] =	stream.linear.gather [hbm4b:s5+s2], $0x1000, $0x38;
	[tilespmem:$0x12000] =	vst v63  }
0x10: {  	_ = 	snop  }
0x11: {  	[tilespmem:s10], [sflag:$0x5] =	stream.linear.gather [hbm4b:s6+s2], $0x1000, $0x38;
	[tilespmem:$0x12000] =	vst v63  }
0x12: {  	_ =	swait.ge [sflag:s11], $0x1000  }
0x13: {  	[sflag:s11] =	ssyncset.done $0x0  }
0x14: {  	[sflag:s11] =	ssyncadd.s32 $0xFFFFF000  }
0x15: {  	_ =	swait.ge [sflag:s11], $0x1000  }
0x16: {  	[sflag:s11] =	ssyncset.done $0x0  }
0x17: {  	s22 =	simm.s32 $0x0;
	[sflag:s11] =	ssyncadd.s32 $0xFFFFF000  }
0x18: {  	[tilespmem:s13], [sflag:$0x1] =	stream.indirect.gather [hbm4b:s3+s12], $0x80, s22, s12, $0xb8;
	[tilespmem:$0x12000] =	vst v63  }
0x19: {  	s30 =	simm.s32 $0x1000  }
0x1a: {  	[tilespmem:s14], [sflag:$0x2] =	stream.indirect.gather [hbm4b:s4+s12], $0x80, s30, s12, $0xb8;
	[tilespmem:$0x12000] =	vst v63  }
0x1b: {  	_ = 	snop  }
0x1c: {  	[tilespmem:s15], [sflag:$0x1] =	stream.indirect.gather [hbm4b:s3+s12], $0x80, s12, s12, $0xb8;
	[tilespmem:$0x12000] =	vst v63  }
0x1d: {  	s22 =	simm.s32 $0x1080  }
0x1e: {  	[tilespmem:s16], [sflag:$0x2] =	stream.indirect.gather [hbm4b:s4+s12], $0x80, s22, s12, $0xb8;
	[tilespmem:$0x12000] =	vst v63  }
0x1f: {  	_ =	swait.ge [sflag:s17], $0x4000  }
0x20: {  	[sflag:s17] =	ssyncset.done $0x0  }
0x21: {  	s23 =	sadd.s32 $0x0, s8;
	[sflag:s17] =	ssyncadd.s32 $0xFFFFC000  }
0x22: {  	[hbm4b:s23+s2] =	stream.linear.scatter [tilespmem:s13], [sflag:$0x3], $0x4000, $0x38;
	[tilespmem:$0x12000] =	vst v63  }
0x23: {  	_ =	swait.ge [sflag:s18], $0x4000  }
0x24: {  	[sflag:s18] =	ssyncset.done $0x0  }
0x25: {  	s24 =	sadd.s32 $0x0, s9;
	[sflag:s18] =	ssyncadd.s32 $0xFFFFC000  }
0x26: {  	[hbm4b:s24+s2] =	stream.linear.scatter [tilespmem:s14], [sflag:$0x4], $0x4000, $0x38;
	[tilespmem:$0x12000] =	vst v63  }
0x27: {  	_ =	swait.ge [sflag:s17], $0x4000  }
0x28: {  	[sflag:s17] =	ssyncset.done $0x0  }
0x29: {  	s23 =	sadd.s32 $0x800, s23;
	[sflag:s17] =	ssyncadd.s32 $0xFFFFC000  }
0x2a: {  	[hbm4b:s23+s2] =	stream.linear.scatter [tilespmem:s15], [sflag:$0x3], $0x4000, $0x38;
	[tilespmem:$0x12000] =	vst v63  }
0x2b: {  	_ =	swait.ge [sflag:s18], $0x4000  }
0x2c: {  	[sflag:s18] =	ssyncset.done $0x0  }
0x2d: {  	s31 =	sadd.s32 $0x800, s24;
	[sflag:s18] =	ssyncadd.s32 $0xFFFFC000  }
0x2e: {  	[hbm4b:s31+s2] =	stream.linear.scatter [tilespmem:s16], [sflag:$0x4], $0x4000, $0x38;
	[tilespmem:$0x12000] =	vst v63  }
0x2f: {  	_ =	swait.ge [sflag:s19], $0x4000  }
0x30: {  	[sflag:s19] =	ssyncset.done $0x0  }
0x31: {  	[sflag:s19] =	ssyncadd.s32 $0xFFFFC000  }
0x32: {  	_ =	swait.ge [sflag:s20], $0x4000  }
0x33: {  	[sflag:s20] =	ssyncset.done $0x0  }
0x34: {  	[sflag:s20] =	ssyncadd.s32 $0xFFFFC000  }
0x35: {  	_ =	swait.ge [sflag:s19], $0x4000  }
0x36: {  	[sflag:s19] =	ssyncset.done $0x0  }
0x37: {  	[sflag:s19] =	ssyncadd.s32 $0xFFFFC000  }
0x38: {  	s25 =	simm.s32 $0x2000;
	_ =	swait.ge [sflag:s20], $0x4000  }
0x39: {  	s24 =	simm.s32 $0x180;
	s23 =	simm.s32 $0x1000;
	[sflag:s20] =	ssyncset.done $0x0  }
.LBB2_2:
0x3a: {  	s26 =	sadd.s32 $0xFFFFFF80, s24  }
0x3b: {  	[sflag:s20] =	ssyncadd.s32 $0xFFFFC000;
	s22 =	sadd.s32 $0x100, s22;
	s28 =	smov.u32 s25  }
0x3c: {  	[tilespmem:s13], [sflag:$0x1] =	stream.indirect.gather [hbm4b:s3+s12], $0x80, s26, s12, $0xb8;
	[tilespmem:$0x12000] =	vst v63  }
0x3d: {  	p0 =	sne.s32 s25, $0xF000;
	s25 =	sadd.s32 $0x1000, s25;
	s26 =	sadd.s32 $0xFFFFFF80, s22  }
0x3e: {  	[tilespmem:s14], [sflag:$0x2] =	stream.indirect.gather [hbm4b:s4+s12], $0x80, s26, s12, $0xb8;
	[tilespmem:$0x12000] =	vst v63  }
0x3f: {  	_ = 	snop  }
0x40: {  	[tilespmem:s15], [sflag:$0x1] =	stream.indirect.gather [hbm4b:s3+s12], $0x80, s24, s12, $0xb8;
	[tilespmem:$0x12000] =	vst v63  }
0x41: {  	_ = 	snop  }
0x42: {  	[tilespmem:s16], [sflag:$0x2] =	stream.indirect.gather [hbm4b:s4+s12], $0x80, s22, s12, $0xb8;
	[tilespmem:$0x12000] =	vst v63  }
0x43: {  	_ =	swait.ge [sflag:s17], $0x4000  }
0x44: {  	[sflag:s17] =	ssyncset.done $0x0  }
0x45: {  	s26 =	sadd.s32 s23, s8;
	[sflag:s17] =	ssyncadd.s32 $0xFFFFC000  }
0x46: {  	[hbm4b:s26+s2] =	stream.linear.scatter [tilespmem:s13], [sflag:$0x3], $0x4000, $0x38;
	[tilespmem:$0x12000] =	vst v63  }
0x47: {  	_ =	swait.ge [sflag:s18], $0x4000  }
0x48: {  	[sflag:s18] =	ssyncset.done $0x0  }
0x49: {  	s29 =	sadd.s32 s23, s9;
	s23 =	smov.u32 s28;
	[sflag:s18] =	ssyncadd.s32 $0xFFFFC000  }
0x4a: {  	[hbm4b:s29+s2] =	stream.linear.scatter [tilespmem:s14], [sflag:$0x4], $0x4000, $0x38;
	[tilespmem:$0x12000] =	vst v63  }
0x4b: {  	_ =	swait.ge [sflag:s17], $0x4000  }
0x4c: {  	[sflag:s17] =	ssyncset.done $0x0  }
0x4d: {  	s26 =	sadd.s32 $0x800, s26;
	[sflag:s17] =	ssyncadd.s32 $0xFFFFC000  }
0x4e: {  	[hbm4b:s26+s2] =	stream.linear.scatter [tilespmem:s15], [sflag:$0x3], $0x4000, $0x38;
	[tilespmem:$0x12000] =	vst v63  }
0x4f: {  	_ =	swait.ge [sflag:s18], $0x4000  }
0x50: {  	[sflag:s18] =	ssyncset.done $0x0  }
0x51: {  	s26 =	sadd.s32 $0x800, s29;
	[sflag:s18] =	ssyncadd.s32 $0xFFFFC000  }
0x52: {  	[hbm4b:s26+s2] =	stream.linear.scatter [tilespmem:s16], [sflag:$0x4], $0x4000, $0x38;
	[tilespmem:$0x12000] =	vst v63  }
0x53: {  	_ =	swait.ge [sflag:s19], $0x4000  }
0x54: {  	[sflag:s19] =	ssyncset.done $0x0  }
0x55: {  	[sflag:s19] =	ssyncadd.s32 $0xFFFFC000  }
0x56: {  	_ =	swait.ge [sflag:s20], $0x4000  }
0x57: {  	[sflag:s20] =	ssyncset.done $0x0  }
0x58: {  	[sflag:s20] =	ssyncadd.s32 $0xFFFFC000  }
.Ltmp0:
0x59: {  	_ =	swait.ge [sflag:s19], $0x4000;
	(pc) =	sbr.rel @p0 .LBB2_2-.Ltmp0, $4  }
0x5a: {  	[sflag:s19] =	ssyncset.done $0x0  }
0x5b: {  	[sflag:s19] =	ssyncadd.s32 $0xFFFFC000  }
0x5c: {  	_ =	swait.ge [sflag:s20], $0x4000  }
0x5d: {  	s24 =	sadd.s32 $0x100, s24;
	[sflag:s20] =	ssyncset.done $0x0  }
0x5e: {  	s25 =	sadd.s32 $0xFFFFFF80, s24;
	[sflag:s20] =	ssyncadd.s32 $0xFFFFC000;
	s22 =	sadd.s32 $0x100, s22  }
0x5f: {  	[tilespmem:s13], [sflag:$0x1] =	stream.indirect.gather [hbm4b:s3+s12], $0x80, s25, s12, $0xb8;
	[tilespmem:$0x12000] =	vst v63  }
0x60: {  	s28 =	sadd.s32 $0xFFFFFF80, s22  }
0x61: {  	[tilespmem:s14], [sflag:$0x2] =	stream.indirect.gather [hbm4b:s4+s12], $0x80, s28, s12, $0xb8;
	[tilespmem:$0x12000] =	vst v63  }
0x62: {  	_ = 	snop  }
0x63: {  	[tilespmem:s15], [sflag:$0x1] =	stream.indirect.gather [hbm4b:s3+s12], $0x80, s24, s12, $0xb8;
	[tilespmem:$0x12000] =	vst v63  }
0x64: {  	_ = 	snop  }
0x65: {  	[tilespmem:s16], [sflag:$0x2] =	stream.indirect.gather [hbm4b:s4+s12], $0x80, s22, s12, $0xb8;
	[tilespmem:$0x12000] =	vst v63  }
0x66: {  	_ =	swait.ge [sflag:s17], $0x4000  }
0x67: {  	[sflag:s17] =	ssyncset.done $0x0  }
0x68: {  	s29 =	sadd.s32 s23, s8;
	[sflag:s17] =	ssyncadd.s32 $0xFFFFC000  }
0x69: {  	[hbm4b:s29+s2] =	stream.linear.scatter [tilespmem:s13], [sflag:$0x3], $0x4000, $0x38;
	[tilespmem:$0x12000] =	vst v63  }
0x6a: {  	_ =	swait.ge [sflag:s18], $0x4000  }
0x6b: {  	[sflag:s18] =	ssyncset.done $0x0  }
0x6c: {  	s30 =	sadd.s32 s23, s9;
	[sflag:s18] =	ssyncadd.s32 $0xFFFFC000  }
0x6d: {  	[hbm4b:s30+s2] =	stream.linear.scatter [tilespmem:s14], [sflag:$0x4], $0x4000, $0x38;
	[tilespmem:$0x12000] =	vst v63  }
0x6e: {  	_ =	swait.ge [sflag:s17], $0x4000  }
0x6f: {  	[sflag:s17] =	ssyncset.done $0x0  }
0x70: {  	s22 =	sadd.s32 $0x800, s29;
	[sflag:s17] =	ssyncadd.s32 $0xFFFFC000  }
0x71: {  	[hbm4b:s22+s2] =	stream.linear.scatter [tilespmem:s15], [sflag:$0x3], $0x4000, $0x38;
	[tilespmem:$0x12000] =	vst v63  }
0x72: {  	_ =	swait.ge [sflag:s18], $0x4000  }
0x73: {  	[sflag:s18] =	ssyncset.done $0x0  }
0x74: {  	s31 =	sadd.s32 $0x800, s30;
	[sflag:s18] =	ssyncadd.s32 $0xFFFFC000  }
0x75: {  	[hbm4b:s31+s2] =	stream.linear.scatter [tilespmem:s16], [sflag:$0x4], $0x4000, $0x38;
	[tilespmem:$0x12000] =	vst v63  }
0x76: {  	_ =	swait.ge [sflag:s19], $0x4000  }
0x77: {  	[sflag:s19] =	ssyncset.done $0x0  }
0x78: {  	[sflag:s19] =	ssyncadd.s32 $0xFFFFC000  }
0x79: {  	_ =	swait.ge [sflag:s20], $0x4000  }
0x7a: {  	[sflag:s20] =	ssyncset.done $0x0  }
0x7b: {  	s21 =	sadd.s32 $0x1, s21;
	[sflag:s20] =	ssyncadd.s32 $0xFFFFC000  }
0x7c: {  	p0 =	sne.s32 s21, s7;
	_ =	swait.ge [sflag:s19], $0x4000  }
.Ltmp1:
0x7d: {  	[sflag:s19] =	ssyncset.done $0x0;
	(pc) =	sbr.rel @p0 .LBB2_1-.Ltmp1, $4  }
0x7e: {  	[sflag:s19] =	ssyncadd.s32 $0xFFFFC000  }
0x7f: {  	_ =	swait.ge [sflag:s20], $0x4000  }
0x80: {  	[sflag:s20] =	ssyncset.done $0x0  }
0x81: {  	[sflag:s20] =	ssyncadd.s32 $0xFFFFC000  }
0x82: {  	_ =	sfence.sel $0x180000  }
0x83: {  	[bflag:$0x0] =	sbarrier.arrive $0xFFFF  }
0x84: {  	p0 =	sne.s32 s1, $0x0;
	_ =	strace $0x9000004A  }
0x85: {  	s0 =	sadd.s32 @!p0 $0x100000, s0;
	[bflag:$0x2] =	sbarrier.arrive $0xFFFF  }
0x86: {  	[sflag:s0] =	ssyncadd.tile.s32 @!p0 $0x1;
	_ =	shalt  }
.Lfunc_end2:
_tile_overlayer_lowered:
.L_overlay_start_2:
0x87: {  	(tag) =	ssettag $0x2  }
0x88: {  	s0 =	rddreg [dreg:$0x0];
	s2 =	stileid.u32  }
0x89: {  	s1 =	rddreg [dreg:$0x1];
	p0 =	sne.s32 s2, $0x0  }
0x8a: {  	s3 =	rddreg [dreg:$0x2];
	[bflag:$0x3] =	sbarrier.arrive $0xFFFF;
	s2 =	simm.s32 @!p0 $0x1C06  }
0x8b: {  	[timem:s3], [sflag:s2] =	dma.local @!p0 [hbm:s0], s1  }
0x8c: {  	s0 =	simm.s32 @!p0 $0x6  }
0x8d: {  	_ =	swait.ge @!p0 [sflag:s0], s1  }
0x8e: {  	s1 =	ssub.s32 @!p0 $0x0, s1;
	[sflag:s0] =	ssyncset.done @!p0 $0x0  }
0x8f: {  	[sflag:s0] =	ssyncadd.s32 @!p0 s1  }
0x90: {  	[bflag:$0x3] =	sbarrier.arrive $0xFFFF  }
0x91: {  	_ =	shalt  }

// kernel: kernel.14.cloned.1.call-start
scs
__scs_entry_jumppad:
0x0: {  	(pc) =	sbr.rel $0x88, $3  }
0x1: {  	(tag) =	ssettag $0x0;
	lr =	simm.s32 $0x1  }
0x2: {  	[smem:$0x3F9C] =	sst lr;
	_ =	strace $0xD0000000  }
0x3: {  	_ = 	snop  }
0x4: {  	_ = 	snop  }
0x5: {  	_ = 	snop  }
0x6: {  	_ = 	snop  }
0x7: {  	_ = 	snop  }
__scs_overlays_trampoline_lowered:
0x8: {  	[smem:$0x3FAB] =	sst s0  }
0x9: {  	[smem:$0x3FAC] =	sst s1  }
0xa: {  	[smem:$0x3FAD] =	sst s2  }
0xb: {  	[smem:$0x3FAE] =	sst s3  }
0xc: {  	[smem:$0x3FAF] =	sst s4  }
0xd: {  	[smem:$0x3FB0] =	sst s5  }
0xe: {  	[smem:$0x3FB1] =	sst s6  }
0xf: {  	[smem:$0x3FB2] =	sst s7  }
0x10: {  	[smem:$0x3FB3] =	sst s8  }
0x11: {  	[smem:$0x3FB4] =	sst s9;
	s0 =	simm.s32 @!p0 $0x0  }
0x12: {  	s1 =	sld [smem:$0x3F9A];
	s0 =	simm.s32 @p0 $0x1  }
0x13: {  	[smem:$0x3FB5] =	sst s0;
	s0 =	simm.s32 @!p1 $0x0  }
0x14: {  	s2 =	sld [smem:$0x3F99];
	s0 =	simm.s32 @p1 $0x1  }
0x15: {  	[smem:$0x3FB6] =	sst s0;
	s0 =	simm.s32 @!p2 $0x0  }
0x16: {  	s3 =	sld [smem:$0x3FDB];
	s0 =	simm.s32 @p2 $0x1  }
0x17: {  	s4 =	simm.s32 $0x1BF5;
	[smem:$0x3FB8] =	sst s0  }
0x18: {  	s0 =	sld [smem:$0x3F9B];
	_ =	swait.ge [sflag:s4], $0x0  }
0x19: {  	s7 =	sld [smem:$0x3F9C]  }
0x1a: {  	s8 =	sadd.s32 $0xFFFFE003, lr  }
0x1b: {  	s9 =	sadd.s32 $0xFFFFFEF7, lr;
	s5 =	simm.s32 $0xFFFFFFFF;
	p2 =	slt.u32 s8, $0xFFFFF086  }
0x1c: {  	p1 =	slt.u32 s9, $0xF7A;
	s5 =	simm.s32 @!p2 $0x0  }
0x1d: {  	s5 =	simm.s32 @p1 $0x1;
	p0 =	seq.s32 s7, s2  }
0x1e: {  	s7 =	smul.u32 @!p0 $0xF7A, s2;
	p2 =	seq.s32 @!p0 s5, $0x0  }
0x1f: {  	s9 =	smul.u32 $0xF7A, s1;
	s8 =	simm.s32 @!p0 $0x1BF5;
	p2 =	por !p2, p0  }
0x20: {  	[sflag:s8] =	ssyncset.s32 @!p0 $0xFFFFF086;
	s6 =	sadd.s32 @!p0 s3, s7;
	s7 =	simm.s32 @!p0 $0x108  }
0x21: {  	s3 =	sadd.s32 s3, s9;
	s6 =	sadd.s32 @!p0 $0x88, s6;
	s7 =	simm.s32 @p2 $0x1082  }
0x22: {  	[simem:s7], [sflag:s8] =	dma.local @!p0 [hbm:s6], $0xF7A  }
0x23: {  	s9 =	sor.u32 $0xD0000000, s2;
	s6 =	simm.s32 $0x108;
	_ =	swait.ge @!p0 [sflag:s8], $0x0  }
0x24: {  	s3 =	sadd.s32 $0x88, s3;
	s6 =	simm.s32 @!p1 $0x1082;
	[sflag:s4] =	ssyncset.s32 $0xFFFFF086  }
0x25: {  	[simem:s6], [sflag:s4] =	dma.local [hbm:s3], $0xF7A  }
0x26: {  	[smem:$0x3F9C] =	sst s1;
	(tag) =	ssettag s2;
	_ =	strace s9  }
0x27: {  	s1 =	sld [smem:$0x3FAC]  }
0x28: {  	s2 =	sld [smem:$0x3FAD]  }
0x29: {  	s4 =	sld [smem:$0x3FAF]  }
0x2a: {  	p0 =	seq.s32 s5, $0x0;
	s5 =	sld [smem:$0x3FB0]  }
0x2b: {  	s6 =	sld [smem:$0x3FB1]  }
0x2c: {  	s7 =	sld [smem:$0x3FB2]  }
0x2d: {  	s3 =	simm.s32 $0x108;
	s8 =	sld [smem:$0x3FB3]  }
0x2e: {  	s3 =	simm.s32 @!p0 $0x1082;
	s9 =	sld [smem:$0x3FB4]  }
0x2f: {  	lr =	sadd.s32 s0, s3;
	s0 =	sld [smem:$0x3FAB]  }
0x30: {  	s3 =	sld [smem:$0x3FAE]  }
0x31: {  	[smem:$0x3FB7] =	sst s10  }
0x32: {  	s10 =	sld [smem:$0x3FB5];
	_ =	sdelay $0x3  }
0x33: {  	p0 =	seq.s32 s10, $0x1;
	s10 =	sld [smem:$0x3FB7];
	_ =	sdelay $0x3  }
0x34: {  	[smem:$0x3FB7] =	sst s10  }
0x35: {  	s10 =	sld [smem:$0x3FB6];
	_ =	sdelay $0x3  }
0x36: {  	p1 =	seq.s32 s10, $0x1;
	s10 =	sld [smem:$0x3FB7];
	_ =	sdelay $0x3  }
0x37: {  	[smem:$0x3FB7] =	sst s10  }
0x38: {  	s10 =	sld [smem:$0x3FB8]  }
0x39: {  	_ = 	snop;
	(pc) =	sbr.ind lr, $3  }
0x3a: {  	_ = 	snop  }
0x3b: {  	_ = 	snop  }
0x3c: {  	p2 =	seq.s32 s10, $0x1;
	s10 =	sld [smem:$0x3FB7]  }
0x3d: {  	_ =	shalt  }
0x3e: {  	_ =	shalt  }
0x3f: {  	_ =	shalt  }
0x40: {  	_ =	shalt  }
0x41: {  	_ =	shalt  }
0x42: {  	_ =	shalt  }
0x43: {  	_ =	shalt  }
0x44: {  	_ =	shalt  }
0x45: {  	_ =	shalt  }
0x46: {  	_ =	shalt  }
0x47: {  	_ =	shalt  }
0x48: {  	_ =	shalt  }
0x49: {  	_ =	shalt  }
0x4a: {  	_ =	shalt  }
0x4b: {  	_ =	shalt  }
0x4c: {  	_ =	shalt  }
0x4d: {  	_ =	shalt  }
0x4e: {  	_ =	shalt  }
0x4f: {  	_ =	shalt  }
0x50: {  	_ =	shalt  }
0x51: {  	_ =	shalt  }
0x52: {  	_ =	shalt  }
0x53: {  	_ =	shalt  }
0x54: {  	_ =	shalt  }
0x55: {  	_ =	shalt  }
0x56: {  	_ =	shalt  }
0x57: {  	_ =	shalt  }
0x58: {  	_ =	shalt  }
0x59: {  	_ =	shalt  }
0x5a: {  	_ =	shalt  }
0x5b: {  	_ =	shalt  }
0x5c: {  	_ =	shalt  }
0x5d: {  	_ =	shalt  }
0x5e: {  	_ =	shalt  }
0x5f: {  	_ =	shalt  }
0x60: {  	_ =	shalt  }
0x61: {  	_ =	shalt  }
0x62: {  	_ =	shalt  }
0x63: {  	_ =	shalt  }
0x64: {  	_ =	shalt  }
0x65: {  	_ =	shalt  }
0x66: {  	_ =	shalt  }
0x67: {  	_ =	shalt  }
0x68: {  	_ =	shalt  }
0x69: {  	_ =	shalt  }
0x6a: {  	_ =	shalt  }
0x6b: {  	_ =	shalt  }
0x6c: {  	_ =	shalt  }
0x6d: {  	_ =	shalt  }
0x6e: {  	_ =	shalt  }
0x6f: {  	_ =	shalt  }
0x70: {  	_ =	shalt  }
0x71: {  	_ =	shalt  }
0x72: {  	_ =	shalt  }
0x73: {  	_ =	shalt  }
0x74: {  	_ =	shalt  }
0x75: {  	_ =	shalt  }
0x76: {  	_ =	shalt  }
0x77: {  	_ =	shalt  }
0x78: {  	_ =	shalt  }
0x79: {  	_ =	shalt  }
0x7a: {  	_ =	shalt  }
0x7b: {  	_ =	shalt  }
0x7c: {  	_ =	shalt  }
0x7d: {  	_ =	shalt  }
0x7e: {  	_ =	shalt  }
0x7f: {  	_ =	shalt  }
0x80: {  	_ =	shalt  }
0x81: {  	_ =	shalt  }
0x82: {  	_ =	shalt  }
0x83: {  	_ =	shalt  }
0x84: {  	_ =	shalt  }
0x85: {  	_ =	shalt  }
0x86: {  	_ =	shalt  }
0x87: {  	_ =	shalt  }
.Lfunc_end0:
.L_simem_size_0:
called_computation.1_lowered:
.L_overlay_start_0:
0x88: {  	s2 =	sld [smem:$0x3FD9]  }
0x89: {  	s3 =	sld [smem:$0x3FFE];
	_ =	sdelay $0x1  }
0x8a: {  	s1 =	srdreg.scid  }
0x8b: {  	s0 =	sand.u32 $0x1, s1  }
0x8c: {  	s17 =	sshll.u32 s0, $0xA;
	s2 =	sadd.s32 s3, s2  }
0x8d: {  	s2 =	sadd.s32 s2, s17  }
0x8e: {  	[smem:$0x3FC3] =	sst s2  }
0x8f: {  	_ = 	snop  }
0x90: {  	(tm) =	ssettm $0x1  }
0x91: {  	s18 =	sld [smem:$0x3FFB];
	_ =	sdelay $0x3  }
0x92: {  	_ =	strace s18  }
0x93: {  	s2 =	sld [smem:$0x3FFC];
	_ =	sdelay $0x3  }
0x94: {  	_ =	strace s2  }
0x95: {  	s2 =	sld [smem:$0x3FFD];
	_ =	sdelay $0x3  }
0x96: {  	_ =	strace s2  }
0x97: {  	_ =	strace $0x8FFFFFFF  }
0x98: {  	s19 =	sld [smem:$0x3FDB];
	_ =	sdelay $0x1  }
0x99: {  	s20 =	simm.s32 $_scs_section_size  }
0x9a: {  	s4 =	simm.s32 $_size__tile_overlayer_lowered;
	s5 =	simm.s32 $_tile_overlayer_lowered  }
0x9b: {  	s6 =	simm.s32 $0x1BFF;
	s21 =	sshll.u32 s5, $0x1;
	s3 =	sadd.s32 s20, s19  }
0x9c: {  	s22 =	simm.s32 $0x0;
	s4 =	sshll.u32 s4, $0x1;
	s5 =	sadd.s32 s21, s3  }
0x9d: {  	[timem:s22], [sflag:s6] =	dma.local [hbm:s5], s4  }
0x9e: {  	_ =	swait.ge [sflag:s6], s4  }
0x9f: {  	s4 =	ssub.s32 $0x0, s4;
	[sflag:s6] =	ssyncset.done $0x0  }
0xa0: {  	[sflag:s6] =	ssyncadd.s32 s4;
	_ =	sdelay $0x1  }
0xa1: {  	s23 =	simm.s32 $0x1B8B  }
0xa2: {  	_ =	swait.ge [sflag:s23], $0x1  }
0xa3: {  	[sflag:s23] =	ssyncset.done $0x0  }
0xa4: {  	[sflag:s23] =	ssyncadd.s32 $0xFFFFFFFF  }
0xa5: {  	s4 =	sld [smem:$0x0]  }
0xa6: {  	s5 =	sand.u32 $0xFFFFFFFE, s1  }
0xa7: {  	p0 =	sne.s32 s1, s5  }
0xa8: {  	s5 =	sshll.u32 @p0 s5, $0xE  }
0xa9: {  	s5 =	sadd.s32 @p0 $0x11B8D, s5;
	s6 =	sshll.u32 @p0 s4, $0x11  }
0xaa: {  	s5 =	sor.u32 @p0 s6, s5  }
0xab: {  	[sflag:s5] =	ssyncadd.remote.s32 @p0 $0x1;
	_ =	sdelay $0x1  }
0xac: {  	s5 =	simm.s32 @p0 $0x1B8D  }
0xad: {  	_ =	swait.eq @p0 [sflag:s5], $0x1  }
0xae: {  	[sflag:s5] =	ssyncadd.s32 @p0 $0xFFFFFFFF  }
0xaf: {  	s6 =	sshll.u32 @!p0 s1, $0xE  }
0xb0: {  	s6 =	sor.u32 @!p0 $0x4000, s6;
	s5 =	simm.s32 @!p0 $0x1B8D  }
0xb1: {  	s4 =	sshll.u32 @!p0 s4, $0x11;
	s6 =	sadd.s32 @!p0 $0x11B8D, s6;
	_ =	swait.eq @!p0 [sflag:s5], $0x1  }
0xb2: {  	s4 =	sor.u32 @!p0 s4, s6;
	[sflag:s5] =	ssyncadd.s32 @!p0 $0xFFFFFFFF  }
0xb3: {  	s25 =	simm.s32 $0x1B8E;
	s24 =	sld [smem:$0x3FFE];
	[sflag:s4] =	ssyncadd.remote.s32 @!p0 $0x1  }
0xb4: {  	s26 =	simm.s32 $execute0_lowered;
	[smem:$0x3FD2] =	sst s25  }
0xb5: {  	s5 =	sshll.u32 s26, $0x1;
	_ =	strace $0x8000004F;
	[dreg:$0x1] =	wrdreg $0xFFFFFFFF  }
0xb6: {  	s28 =	simm.s32 $_size_execute0_lowered;
	s3 =	sadd.s32 s3, s5;
	[dreg:$0x0] =	wrdreg $0x0  }
0xb7: {  	s5 =	sshll.u32 s28, $0x1;
	[dreg:$0x2] =	wrdreg s3  }
0xb8: {  	[dreg:$0x3] =	wrdreg s5  }
0xb9: {  	[dreg:$0x4] =	wrdreg $0xC0  }
0xba: {  	_ =	task [dreg:s22], $0x5FFFF  }
0xbb: {  	[dreg:$0x1] =	wrdreg $0xFFFFFFFF  }
0xbc: {  	[dreg:$0x0] =	wrdreg $0x60  }
0xbd: {  	[dreg:$0x2] =	wrdreg s24  }
0xbe: {  	[dreg:$0x3] =	wrdreg $0x9  }
0xbf: {  	_ =	task.clear_ibuf [dreg:s22], $0x4FFFF;
	_ =	strace $0x9000004F  }
0xc0: {  	s29 =	simm.s32 $0x9;
	_ =	strace $0x80000051  }
0xc1: {  	_ =	swait.ge [sflag:s29], $0x1  }
0xc2: {  	[sflag:s29] =	ssyncadd.s32 $0xFFFFFFFF  }
0xc3: {  	_ =	strace $0x90000051  }
0xc4: {  	_ =	sfence  }
0xc5: {  	s30 =	sld [smem:$0x0];
	_ =	sdelay $0x2  }
0xc6: {  	s31 =	sshll.u32 s1, $0xD;
	s1 =	sshrl.u32 s1, $0x2  }
0xc7: {  	s4 =	sand.u32 $0x4000, s31;
	s1 =	sadd.s32 s1, s30  }
0xc8: {  	s0 =	sor.u32 s4, s0;
	s1 =	sshll.u32 s1, $0x11  }
0xc9: {  	s0 =	sor.u32 s1, s0  }
0xca: {  	s0 =	sadd.s32 $0x8F2B, s0  }
0xcb: {  	[sflag:s0] =	ssyncadd.remote.s32 $0x1  }
0xcc: {  	_ =	sfence.sel $0xFFFF  }
0xcd: {  	[dreg:$0x0] =	wrdreg $0xFFFFFFFF;
	(pc) =	sbr.abs _section_cstart, $3  }
0xce: {  	[dreg:$0x1] =	wrdreg $0xFFFFFFFF  }
0xcf: {  	_ =	task.clear_ibuf [dreg:s22], $0x2FFFF;
	_ =	strace $0x9FFFFFFF  }
0xd0: {  	(tm) =	ssettm $0x7FFFFFFF  }
0xd1: {  	_ =	shalt  }
tec
execute0_lowered:
.L_overlay_start_1:
0x0: {  	(tag) =	ssettag $0x1  }
0x1: {  	s3 =	rddreg [dreg:$0x0]  }
0x2: {  	s0 =	rddreg [dreg:$0x1];
	s4 =	srdreg.scid  }
0x3: {  	s2 =	simm.s32 $0x0;
	s1 =	stileid.u32;
	s9 =	simm.s32 $0x9000  }
0x4: {  	s10 =	simm.s32 $0x2;
	s11 =	simm.s32 $0x80;
	s12 =	simm.s32 $0x5000  }
0x5: {  	s13 =	simm.s32 $0xD000;
	s14 =	simm.s32 $0x3;
	s15 =	simm.s32 $0x0  }
0x6: {  	s4 =	sand.u32 $0x1, s4;
	[smem:$0x7FF] =	sst s2;
	s5 =	sshll.u32 s1, $0xD  }
0x7: {  	s7 =	sshll.u32 s1, $0x11;
	s6 =	sshll.u32 s4, $0xC;
	_ =	strace $0x80000050  }
0x8: {  	s30 =	sadd.s32 s7, s3;
	s31 =	ssub.s32 $0x2, s4;
	s4 =	sshll.u32 s4, $0x10  }
0x9: {  	s5 =	sor.u32 s6, s5;
	s8 =	sshrl.u32 s31, $0x1;
	s6 =	sadd.s32 s4, s30  }
0xa: {  	s5 =	sshrl.u32 s5, $0x3;
	s7 =	ssub.s32 s31, s8;
	s6 =	sadd.s32 $0x215000, s6  }
0xb: {  	s8 =	simm.s32 $0x1000;
	s5 =	sadd.s32 s5, s3;
	s3 =	sadd.s32 $0x414000, s3  }
0xc: {  	s4 =	sadd.s32 $0x210000, s5;
	s5 =	smax.u32 s7, $0x1;
	s7 =	simm.s32 $0x1  }
.LBB2_1:
0xd: {  	[tilespmem:s2], [sflag:$0x1] =	stream.linear.gather [hbm4b:s4+s2], $0x1000, $0x38;
	[tilespmem:$0x11000] =	vst v63  }
0xe: {  	_ =	swait.ge [sflag:s7], $0x1000  }
0xf: {  	[sflag:s7] =	ssyncset.done $0x0  }
0x10: {  	s16 =	sadd.s32 $0xFFFFF000, s6;
	[sflag:s7] =	ssyncadd.s32 $0xFFFFF000  }
0x11: {  	[tilespmem:s8], [sflag:$0x2] =	stream.linear.gather [hbm4b:s16+s2], $0x8000, $0x38;
	[tilespmem:$0x11000] =	vst v63  }
0x12: {  	_ = 	snop  }
0x13: {  	[tilespmem:s9], [sflag:$0x2] =	stream.linear.gather [hbm4b:s6+s2], $0x8000, $0x38;
	[tilespmem:$0x11000] =	vst v63  }
0x14: {  	_ =	swait.ge [sflag:s10], $0x8000  }
0x15: {  	[sflag:s10] =	ssyncset.done $0x0  }
0x16: {  	s28 =	simm.s32 $0x0;
	[sflag:s10] =	ssyncadd.s32 $0xFFFF8000  }
0x17: {  	[hbm4b:s3+s11] =	stream.indirect.scatter [tilespmem:s8], [sflag:$0x3], $0x80, s28, s11, $0xb8;
	[tilespmem:$0x11000] =	vst v63  }
0x18: {  	s29 =	simm.s32 $0x80  }
0x19: {  	[hbm4b:s3+s11] =	stream.indirect.scatter [tilespmem:s12], [sflag:$0x3], $0x80, s29, s11, $0xb8;
	[tilespmem:$0x11000] =	vst v63  }
0x1a: {  	_ =	swait.ge [sflag:s10], $0x8000  }
0x1b: {  	[sflag:s10] =	ssyncset.done $0x0  }
0x1c: {  	s30 =	simm.s32 $0x100;
	[sflag:s10] =	ssyncadd.s32 $0xFFFF8000  }
0x1d: {  	[hbm4b:s3+s11] =	stream.indirect.scatter [tilespmem:s9], [sflag:$0x3], $0x80, s30, s11, $0xb8;
	[tilespmem:$0x11000] =	vst v63  }
0x1e: {  	s31 =	simm.s32 $0x180  }
0x1f: {  	[hbm4b:s3+s11] =	stream.indirect.scatter [tilespmem:s13], [sflag:$0x3], $0x80, s31, s11, $0xb8;
	[tilespmem:$0x11000] =	vst v63  }
0x20: {  	_ =	swait.ge [sflag:s14], $0x4000  }
0x21: {  	[sflag:s14] =	ssyncset.done $0x0  }
0x22: {  	[sflag:s14] =	ssyncadd.s32 $0xFFFFC000  }
0x23: {  	_ =	swait.ge [sflag:s14], $0x4000  }
0x24: {  	[sflag:s14] =	ssyncset.done $0x0  }
0x25: {  	[sflag:s14] =	ssyncadd.s32 $0xFFFFC000  }
0x26: {  	_ =	swait.ge [sflag:s14], $0x4000  }
0x27: {  	[sflag:s14] =	ssyncset.done $0x0  }
0x28: {  	[sflag:s14] =	ssyncadd.s32 $0xFFFFC000  }
0x29: {  	s18 =	simm.s32 $0x1000;
	_ =	swait.ge [sflag:s14], $0x4000  }
0x2a: {  	s17 =	sadd.s32 $0x2000, s6;
	s16 =	simm.s32 $0x800;
	[sflag:s14] =	ssyncset.done $0x0  }
.LBB2_2:
0x2b: {  	p0 =	sne.s32 s18, $0x3800;
	s19 =	sadd.s32 $0xFFFFF000, s17;
	[sflag:s14] =	ssyncadd.s32 $0xFFFFC000  }
0x2c: {  	[tilespmem:s8], [sflag:$0x2] =	stream.linear.gather [hbm4b:s19+s2], $0x8000, $0x38;
	[tilespmem:$0x11000] =	vst v63  }
0x2d: {  	s19 =	smov.u32 s18;
	s18 =	sadd.s32 $0x800, s18  }
0x2e: {  	[tilespmem:s9], [sflag:$0x2] =	stream.linear.gather [hbm4b:s17+s2], $0x8000, $0x38;
	[tilespmem:$0x11000] =	vst v63  }
0x2f: {  	_ =	swait.ge [sflag:s10], $0x8000  }
0x30: {  	[sflag:s10] =	ssyncset.done $0x0  }
0x31: {  	s20 =	sshra.s32 s16, $0x2;
	s16 =	smov.u32 s19;
	[sflag:s10] =	ssyncadd.s32 $0xFFFF8000  }
0x32: {  	[hbm4b:s3+s11] =	stream.indirect.scatter [tilespmem:s8], [sflag:$0x3], $0x80, s20, s11, $0xb8;
	[tilespmem:$0x11000] =	vst v63  }
0x33: {  	s19 =	sadd.s32 $0x80, s20  }
0x34: {  	[hbm4b:s3+s11] =	stream.indirect.scatter [tilespmem:s12], [sflag:$0x3], $0x80, s19, s11, $0xb8;
	[tilespmem:$0x11000] =	vst v63  }
0x35: {  	_ =	swait.ge [sflag:s10], $0x8000  }
0x36: {  	[sflag:s10] =	ssyncset.done $0x0  }
0x37: {  	s19 =	sadd.s32 $0x100, s20;
	[sflag:s10] =	ssyncadd.s32 $0xFFFF8000  }
0x38: {  	[hbm4b:s3+s11] =	stream.indirect.scatter [tilespmem:s9], [sflag:$0x3], $0x80, s19, s11, $0xb8;
	[tilespmem:$0x11000] =	vst v63  }
0x39: {  	s19 =	sadd.s32 $0x180, s20  }
0x3a: {  	[hbm4b:s3+s11] =	stream.indirect.scatter [tilespmem:s13], [sflag:$0x3], $0x80, s19, s11, $0xb8;
	[tilespmem:$0x11000] =	vst v63  }
0x3b: {  	_ =	swait.ge [sflag:s14], $0x4000  }
0x3c: {  	[sflag:s14] =	ssyncset.done $0x0  }
0x3d: {  	[sflag:s14] =	ssyncadd.s32 $0xFFFFC000  }
0x3e: {  	_ =	swait.ge [sflag:s14], $0x4000  }
0x3f: {  	[sflag:s14] =	ssyncset.done $0x0  }
0x40: {  	[sflag:s14] =	ssyncadd.s32 $0xFFFFC000  }
.Ltmp0:
0x41: {  	_ =	swait.ge [sflag:s14], $0x4000;
	(pc) =	sbr.rel @p0 .LBB2_2-.Ltmp0, $4  }
0x42: {  	[sflag:s14] =	ssyncset.done $0x0  }
0x43: {  	[sflag:s14] =	ssyncadd.s32 $0xFFFFC000  }
0x44: {  	_ =	swait.ge [sflag:s14], $0x4000  }
0x45: {  	s17 =	sadd.s32 $0x2000, s17;
	[sflag:s14] =	ssyncset.done $0x0  }
0x46: {  	s18 =	sadd.s32 $0xFFFFF000, s17;
	[sflag:s14] =	ssyncadd.s32 $0xFFFFC000  }
0x47: {  	[tilespmem:s8], [sflag:$0x2] =	stream.linear.gather [hbm4b:s18+s2], $0x8000, $0x38;
	[tilespmem:$0x11000] =	vst v63  }
0x48: {  	_ = 	snop  }
0x49: {  	[tilespmem:s9], [sflag:$0x2] =	stream.linear.gather [hbm4b:s17+s2], $0x8000, $0x38;
	[tilespmem:$0x11000] =	vst v63  }
0x4a: {  	_ =	swait.ge [sflag:s10], $0x8000  }
0x4b: {  	[sflag:s10] =	ssyncset.done $0x0  }
0x4c: {  	s16 =	sshra.s32 s16, $0x2;
	[sflag:s10] =	ssyncadd.s32 $0xFFFF8000  }
0x4d: {  	[hbm4b:s3+s11] =	stream.indirect.scatter [tilespmem:s8], [sflag:$0x3], $0x80, s16, s11, $0xb8;
	[tilespmem:$0x11000] =	vst v63  }
0x4e: {  	s30 =	sadd.s32 $0x80, s16  }
0x4f: {  	[hbm4b:s3+s11] =	stream.indirect.scatter [tilespmem:s12], [sflag:$0x3], $0x80, s30, s11, $0xb8;
	[tilespmem:$0x11000] =	vst v63  }
0x50: {  	_ =	swait.ge [sflag:s10], $0x8000  }
0x51: {  	[sflag:s10] =	ssyncset.done $0x0  }
0x52: {  	s31 =	sadd.s32 $0x100, s16;
	[sflag:s10] =	ssyncadd.s32 $0xFFFF8000  }
0x53: {  	[hbm4b:s3+s11] =	stream.indirect.scatter [tilespmem:s9], [sflag:$0x3], $0x80, s31, s11, $0xb8;
	[tilespmem:$0x11000] =	vst v63  }
0x54: {  	s16 =	sadd.s32 $0x180, s16  }
0x55: {  	[hbm4b:s3+s11] =	stream.indirect.scatter [tilespmem:s13], [sflag:$0x3], $0x80, s16, s11, $0xb8;
	[tilespmem:$0x11000] =	vst v63  }
0x56: {  	_ =	swait.ge [sflag:s14], $0x4000  }
0x57: {  	[sflag:s14] =	ssyncset.done $0x0  }
0x58: {  	[sflag:s14] =	ssyncadd.s32 $0xFFFFC000  }
0x59: {  	_ =	swait.ge [sflag:s14], $0x4000  }
0x5a: {  	[sflag:s14] =	ssyncset.done $0x0  }
0x5b: {  	s15 =	sadd.s32 $0x1, s15;
	[sflag:s14] =	ssyncadd.s32 $0xFFFFC000  }
0x5c: {  	p0 =	sne.s32 s15, s5;
	_ =	swait.ge [sflag:s14], $0x4000  }
.Ltmp1:
0x5d: {  	[sflag:s14] =	ssyncset.done $0x0;
	(pc) =	sbr.rel @p0 .LBB2_1-.Ltmp1, $4  }
0x5e: {  	[sflag:s14] =	ssyncadd.s32 $0xFFFFC000  }
0x5f: {  	_ =	swait.ge [sflag:s14], $0x4000  }
0x60: {  	[sflag:s14] =	ssyncset.done $0x0  }
0x61: {  	[sflag:s14] =	ssyncadd.s32 $0xFFFFC000  }
0x62: {  	_ =	sfence.sel $0x180000  }
0x63: {  	[bflag:$0x0] =	sbarrier.arrive $0xFFFF  }
0x64: {  	p0 =	sne.s32 s1, $0x0;
	_ =	strace $0x90000050  }
0x65: {  	s0 =	sadd.s32 @!p0 $0x100000, s0;
	[bflag:$0x2] =	sbarrier.arrive $0xFFFF  }
0x66: {  	[sflag:s0] =	ssyncadd.tile.s32 @!p0 $0x1;
	_ =	shalt  }
.Lfunc_end2:
_tile_overlayer_lowered:
.L_overlay_start_2:
0x67: {  	(tag) =	ssettag $0x2  }
0x68: {  	s0 =	rddreg [dreg:$0x0];
	s2 =	stileid.u32  }
0x69: {  	s1 =	rddreg [dreg:$0x1];
	p0 =	sne.s32 s2, $0x0  }
0x6a: {  	s3 =	rddreg [dreg:$0x2];
	[bflag:$0x3] =	sbarrier.arrive $0xFFFF;
	s2 =	simm.s32 @!p0 $0x1C04  }
0x6b: {  	[timem:s3], [sflag:s2] =	dma.local @!p0 [hbm:s0], s1  }
0x6c: {  	s0 =	simm.s32 @!p0 $0x4  }
0x6d: {  	_ =	swait.ge @!p0 [sflag:s0], s1  }
0x6e: {  	s1 =	ssub.s32 @!p0 $0x0, s1;
	[sflag:s0] =	ssyncset.done @!p0 $0x0  }
0x6f: {  	[sflag:s0] =	ssyncadd.s32 @!p0 s1  }
0x70: {  	[bflag:$0x3] =	sbarrier.arrive $0xFFFF  }
0x71: {  	_ =	shalt  }

// kernel: kernel.17.cloned.1.call-start
scs
__scs_entry_jumppad:
0x0: {  	(pc) =	sbr.rel $0x88, $3  }
0x1: {  	(tag) =	ssettag $0x0;
	lr =	simm.s32 $0x1  }
0x2: {  	[smem:$0x3F9C] =	sst lr;
	_ =	strace $0xD0000000  }
0x3: {  	_ = 	snop  }
0x4: {  	_ = 	snop  }
0x5: {  	_ = 	snop  }
0x6: {  	_ = 	snop  }
0x7: {  	_ = 	snop  }
__scs_overlays_trampoline_lowered:
0x8: {  	[smem:$0x3FAB] =	sst s0  }
0x9: {  	[smem:$0x3FAC] =	sst s1  }
0xa: {  	[smem:$0x3FAD] =	sst s2  }
0xb: {  	[smem:$0x3FAE] =	sst s3  }
0xc: {  	[smem:$0x3FAF] =	sst s4  }
0xd: {  	[smem:$0x3FB0] =	sst s5  }
0xe: {  	[smem:$0x3FB1] =	sst s6  }
0xf: {  	[smem:$0x3FB2] =	sst s7  }
0x10: {  	[smem:$0x3FB3] =	sst s8  }
0x11: {  	[smem:$0x3FB4] =	sst s9;
	s0 =	simm.s32 @!p0 $0x0  }
0x12: {  	s1 =	sld [smem:$0x3F9A];
	s0 =	simm.s32 @p0 $0x1  }
0x13: {  	[smem:$0x3FB5] =	sst s0;
	s0 =	simm.s32 @!p1 $0x0  }
0x14: {  	s2 =	sld [smem:$0x3F99];
	s0 =	simm.s32 @p1 $0x1  }
0x15: {  	[smem:$0x3FB6] =	sst s0;
	s0 =	simm.s32 @!p2 $0x0  }
0x16: {  	s3 =	sld [smem:$0x3FDB];
	s0 =	simm.s32 @p2 $0x1  }
0x17: {  	s4 =	simm.s32 $0x1BF5;
	[smem:$0x3FB8] =	sst s0  }
0x18: {  	s0 =	sld [smem:$0x3F9B];
	_ =	swait.ge [sflag:s4], $0x0  }
0x19: {  	s7 =	sld [smem:$0x3F9C]  }
0x1a: {  	s8 =	sadd.s32 $0xFFFFE003, lr  }
0x1b: {  	s9 =	sadd.s32 $0xFFFFFEF7, lr;
	s5 =	simm.s32 $0xFFFFFFFF;
	p2 =	slt.u32 s8, $0xFFFFF086  }
0x1c: {  	p1 =	slt.u32 s9, $0xF7A;
	s5 =	simm.s32 @!p2 $0x0  }
0x1d: {  	s5 =	simm.s32 @p1 $0x1;
	p0 =	seq.s32 s7, s2  }
0x1e: {  	s7 =	smul.u32 @!p0 $0xF7A, s2;
	p2 =	seq.s32 @!p0 s5, $0x0  }
0x1f: {  	s9 =	smul.u32 $0xF7A, s1;
	s8 =	simm.s32 @!p0 $0x1BF5;
	p2 =	por !p2, p0  }
0x20: {  	[sflag:s8] =	ssyncset.s32 @!p0 $0xFFFFF086;
	s6 =	sadd.s32 @!p0 s3, s7;
	s7 =	simm.s32 @!p0 $0x108  }
0x21: {  	s3 =	sadd.s32 s3, s9;
	s6 =	sadd.s32 @!p0 $0x88, s6;
	s7 =	simm.s32 @p2 $0x1082  }
0x22: {  	[simem:s7], [sflag:s8] =	dma.local @!p0 [hbm:s6], $0xF7A  }
0x23: {  	s9 =	sor.u32 $0xD0000000, s2;
	s6 =	simm.s32 $0x108;
	_ =	swait.ge @!p0 [sflag:s8], $0x0  }
0x24: {  	s3 =	sadd.s32 $0x88, s3;
	s6 =	simm.s32 @!p1 $0x1082;
	[sflag:s4] =	ssyncset.s32 $0xFFFFF086  }
0x25: {  	[simem:s6], [sflag:s4] =	dma.local [hbm:s3], $0xF7A  }
0x26: {  	[smem:$0x3F9C] =	sst s1;
	(tag) =	ssettag s2;
	_ =	strace s9  }
0x27: {  	s1 =	sld [smem:$0x3FAC]  }
0x28: {  	s2 =	sld [smem:$0x3FAD]  }
0x29: {  	s4 =	sld [smem:$0x3FAF]  }
0x2a: {  	p0 =	seq.s32 s5, $0x0;
	s5 =	sld [smem:$0x3FB0]  }
0x2b: {  	s6 =	sld [smem:$0x3FB1]  }
0x2c: {  	s7 =	sld [smem:$0x3FB2]  }
0x2d: {  	s3 =	simm.s32 $0x108;
	s8 =	sld [smem:$0x3FB3]  }
0x2e: {  	s3 =	simm.s32 @!p0 $0x1082;
	s9 =	sld [smem:$0x3FB4]  }
0x2f: {  	lr =	sadd.s32 s0, s3;
	s0 =	sld [smem:$0x3FAB]  }
0x30: {  	s3 =	sld [smem:$0x3FAE]  }
0x31: {  	[smem:$0x3FB7] =	sst s10  }
0x32: {  	s10 =	sld [smem:$0x3FB5];
	_ =	sdelay $0x3  }
0x33: {  	p0 =	seq.s32 s10, $0x1;
	s10 =	sld [smem:$0x3FB7];
	_ =	sdelay $0x3  }
0x34: {  	[smem:$0x3FB7] =	sst s10  }
0x35: {  	s10 =	sld [smem:$0x3FB6];
	_ =	sdelay $0x3  }
0x36: {  	p1 =	seq.s32 s10, $0x1;
	s10 =	sld [smem:$0x3FB7];
	_ =	sdelay $0x3  }
0x37: {  	[smem:$0x3FB7] =	sst s10  }
0x38: {  	s10 =	sld [smem:$0x3FB8]  }
0x39: {  	_ = 	snop;
	(pc) =	sbr.ind lr, $3  }
0x3a: {  	_ = 	snop  }
0x3b: {  	_ = 	snop  }
0x3c: {  	p2 =	seq.s32 s10, $0x1;
	s10 =	sld [smem:$0x3FB7]  }
0x3d: {  	_ =	shalt  }
0x3e: {  	_ =	shalt  }
0x3f: {  	_ =	shalt  }
0x40: {  	_ =	shalt  }
0x41: {  	_ =	shalt  }
0x42: {  	_ =	shalt  }
0x43: {  	_ =	shalt  }
0x44: {  	_ =	shalt  }
0x45: {  	_ =	shalt  }
0x46: {  	_ =	shalt  }
0x47: {  	_ =	shalt  }
0x48: {  	_ =	shalt  }
0x49: {  	_ =	shalt  }
0x4a: {  	_ =	shalt  }
0x4b: {  	_ =	shalt  }
0x4c: {  	_ =	shalt  }
0x4d: {  	_ =	shalt  }
0x4e: {  	_ =	shalt  }
0x4f: {  	_ =	shalt  }
0x50: {  	_ =	shalt  }
0x51: {  	_ =	shalt  }
0x52: {  	_ =	shalt  }
0x53: {  	_ =	shalt  }
0x54: {  	_ =	shalt  }
0x55: {  	_ =	shalt  }
0x56: {  	_ =	shalt  }
0x57: {  	_ =	shalt  }
0x58: {  	_ =	shalt  }
0x59: {  	_ =	shalt  }
0x5a: {  	_ =	shalt  }
0x5b: {  	_ =	shalt  }
0x5c: {  	_ =	shalt  }
0x5d: {  	_ =	shalt  }
0x5e: {  	_ =	shalt  }
0x5f: {  	_ =	shalt  }
0x60: {  	_ =	shalt  }
0x61: {  	_ =	shalt  }
0x62: {  	_ =	shalt  }
0x63: {  	_ =	shalt  }
0x64: {  	_ =	shalt  }
0x65: {  	_ =	shalt  }
0x66: {  	_ =	shalt  }
0x67: {  	_ =	shalt  }
0x68: {  	_ =	shalt  }
0x69: {  	_ =	shalt  }
0x6a: {  	_ =	shalt  }
0x6b: {  	_ =	shalt  }
0x6c: {  	_ =	shalt  }
0x6d: {  	_ =	shalt  }
0x6e: {  	_ =	shalt  }
0x6f: {  	_ =	shalt  }
0x70: {  	_ =	shalt  }
0x71: {  	_ =	shalt  }
0x72: {  	_ =	shalt  }
0x73: {  	_ =	shalt  }
0x74: {  	_ =	shalt  }
0x75: {  	_ =	shalt  }
0x76: {  	_ =	shalt  }
0x77: {  	_ =	shalt  }
0x78: {  	_ =	shalt  }
0x79: {  	_ =	shalt  }
0x7a: {  	_ =	shalt  }
0x7b: {  	_ =	shalt  }
0x7c: {  	_ =	shalt  }
0x7d: {  	_ =	shalt  }
0x7e: {  	_ =	shalt  }
0x7f: {  	_ =	shalt  }
0x80: {  	_ =	shalt  }
0x81: {  	_ =	shalt  }
0x82: {  	_ =	shalt  }
0x83: {  	_ =	shalt  }
0x84: {  	_ =	shalt  }
0x85: {  	_ =	shalt  }
0x86: {  	_ =	shalt  }
0x87: {  	_ =	shalt  }
.Lfunc_end0:
.L_simem_size_0:
called_computation.2_lowered:
.L_overlay_start_0:
0x88: {  	s2 =	sld [smem:$0x3FD9]  }
0x89: {  	s3 =	sld [smem:$0x3FFE];
	_ =	sdelay $0x1  }
0x8a: {  	s1 =	srdreg.scid  }
0x8b: {  	s0 =	sand.u32 $0x1, s1  }
0x8c: {  	s17 =	sshll.u32 s0, $0xA;
	s2 =	sadd.s32 s3, s2  }
0x8d: {  	s2 =	sadd.s32 s2, s17  }
0x8e: {  	[smem:$0x3FC3] =	sst s2  }
0x8f: {  	_ = 	snop  }
0x90: {  	s2 =	sld [smem:$0x3FD0];
	(tm) =	ssettm $0x1  }
0x91: {  	s18 =	sld [smem:$0x3FFB];
	_ =	sdelay $0x3  }
0x92: {  	_ =	strace s18  }
0x93: {  	s3 =	sld [smem:$0x3FFC];
	_ =	sdelay $0x3  }
0x94: {  	_ =	strace s3  }
0x95: {  	s3 =	sld [smem:$0x3FFD];
	_ =	sdelay $0x3  }
0x96: {  	_ =	strace s3  }
0x97: {  	_ =	strace $0x8FFFFFFF  }
0x98: {  	s19 =	sld [smem:$0x3FDB];
	_ =	sdelay $0x1  }
0x99: {  	s4 =	simm.s32 $_scs_section_size  }
0x9a: {  	s5 =	simm.s32 $_size__tile_overlayer_lowered;
	s6 =	simm.s32 $_tile_overlayer_lowered  }
0x9b: {  	s22 =	simm.s32 $0x1BFF;
	s21 =	sshll.u32 s6, $0x1;
	s3 =	sadd.s32 s4, s19  }
0x9c: {  	s7 =	simm.s32 $0x0;
	s20 =	sshll.u32 s5, $0x1;
	s5 =	sadd.s32 s21, s3  }
0x9d: {  	[timem:s7], [sflag:s22] =	dma.local [hbm:s5], s20  }
0x9e: {  	_ =	swait.ge [sflag:s22], s20  }
0x9f: {  	s4 =	ssub.s32 $0x0, s20;
	[sflag:s22] =	ssyncset.done $0x0  }
0xa0: {  	[sflag:s22] =	ssyncadd.s32 s4;
	_ =	sdelay $0x1  }
0xa1: {  	s23 =	simm.s32 $0x1B8B  }
0xa2: {  	_ =	swait.ge [sflag:s23], $0x1  }
0xa3: {  	[sflag:s23] =	ssyncset.done $0x0  }
0xa4: {  	s25 =	simm.s32 $0x1B8E;
	s24 =	sld [smem:$0x3FFE];
	[sflag:s23] =	ssyncadd.s32 $0xFFFFFFFF  }
0xa5: {  	s26 =	simm.s32 $execute0_lowered;
	[smem:$0x3FD2] =	sst s25  }
0xa6: {  	s5 =	sshll.u32 s26, $0x1;
	_ =	strace $0x80000046;
	[dreg:$0x1] =	wrdreg $0xFFFFFFFF  }
0xa7: {  	s28 =	simm.s32 $_size_execute0_lowered;
	s3 =	sadd.s32 s3, s5;
	[dreg:$0x0] =	wrdreg $0x0  }
0xa8: {  	s5 =	sshll.u32 s28, $0x1;
	[dreg:$0x2] =	wrdreg s3  }
0xa9: {  	[dreg:$0x3] =	wrdreg s5  }
0xaa: {  	[dreg:$0x4] =	wrdreg $0xC0  }
0xab: {  	_ =	task [dreg:s7], $0x5FFFF  }
0xac: {  	[dreg:$0x1] =	wrdreg $0xFFFFFFFF  }
0xad: {  	[dreg:$0x0] =	wrdreg $0x60  }
0xae: {  	[dreg:$0x2] =	wrdreg s24  }
0xaf: {  	[dreg:$0x3] =	wrdreg s2  }
0xb0: {  	[dreg:$0x4] =	wrdreg $0xA  }
0xb1: {  	_ =	task.clear_ibuf [dreg:s7], $0x5FFFF;
	_ =	strace $0x90000046  }
0xb2: {  	s29 =	simm.s32 $0xA;
	_ =	strace $0x80000048  }
0xb3: {  	_ =	swait.ge [sflag:s29], $0x1  }
0xb4: {  	[sflag:s29] =	ssyncadd.s32 $0xFFFFFFFF  }
0xb5: {  	_ =	strace $0x90000048  }
0xb6: {  	_ =	sfence  }
0xb7: {  	s30 =	sld [smem:$0x0];
	_ =	sdelay $0x2  }
0xb8: {  	s31 =	sshll.u32 s1, $0xD;
	s1 =	sshrl.u32 s1, $0x2  }
0xb9: {  	s3 =	sand.u32 $0x4000, s31;
	s1 =	sadd.s32 s1, s30  }
0xba: {  	s0 =	sor.u32 s3, s0;
	s1 =	sshll.u32 s1, $0x11  }
0xbb: {  	s0 =	sor.u32 s1, s0  }
0xbc: {  	s0 =	sadd.s32 $0x8F2B, s0  }
0xbd: {  	[sflag:s0] =	ssyncadd.remote.s32 $0x1  }
0xbe: {  	_ =	sfence.sel $0xFFFF  }
0xbf: {  	[dreg:$0x0] =	wrdreg $0xFFFFFFFF;
	(pc) =	sbr.abs _section_cstart, $3  }
0xc0: {  	[dreg:$0x1] =	wrdreg $0xFFFFFFFF  }
0xc1: {  	_ =	task.clear_ibuf [dreg:s7], $0x2FFFF;
	_ =	strace $0x9FFFFFFF  }
0xc2: {  	(tm) =	ssettm $0x7FFFFFFF  }
0xc3: {  	_ =	shalt  }
tec
execute0_lowered:
.L_overlay_start_1:
0x0: {  	(tag) =	ssettag $0x1  }
0x1: {  	s5 =	rddreg [dreg:$0x0]  }
0x2: {  	s6 =	rddreg [dreg:$0x1]  }
0x3: {  	s0 =	rddreg [dreg:$0x2]  }
0x4: {  	s3 =	srdreg.scid;
	s2 =	simm.s32 $0x0;
	s1 =	stileid.u32  }
0x5: {  	s13 =	simm.s32 $0x2000;
	s14 =	simm.s32 $0x6000;
	s15 =	simm.s32 $0xA000  }
0x6: {  	s16 =	simm.s32 $0xE000;
	s17 =	simm.s32 $0x1;
	s18 =	simm.s32 $0x2  }
0x7: {  	s19 =	simm.s32 $0x3;
	s20 =	simm.s32 $0x4;
	s21 =	simm.s32 $0x0  }
0x8: {  	s7 =	sand.u32 $0x1, s3;
	[smem:$0x7FF] =	sst s2;
	s31 =	sshll.u32 s1, $0xD  }
0x9: {  	s3 =	sadd.s32 $0x308000, s5;
	s11 =	sshll.u32 s1, $0x11;
	s4 =	sshll.u32 s7, $0xC  }
0xa: {  	_ =	strace $0x80000047;
	s10 =	ssub.s32 $0x2, s7;
	s11 =	sadd.s32 s11, s5  }
0xb: {  	s7 =	sshll.u32 s7, $0x10;
	s8 =	sor.u32 s4, s31;
	s12 =	sshrl.u32 s10, $0x1  }
0xc: {  	s4 =	sadd.s32 $0x408000, s5;
	s8 =	sshrl.u32 s8, $0x3;
	s10 =	ssub.s32 s10, s12  }
0xd: {  	s12 =	simm.s32 $0x80;
	s9 =	sadd.s32 s8, s5;
	s5 =	sadd.s32 s6, s8  }
0xe: {  	s6 =	sadd.s32 s7, s11;
	s8 =	smax.u32 s10, $0x1;
	s10 =	simm.s32 $0x1000  }
0xf: {  	s11 =	simm.s32 $0x5;
	s7 =	sadd.s32 $0x204000, s9;
	s9 =	sadd.s32 $0x508000, s6  }
.LBB2_1:
0x10: {  	[tilespmem:s2], [sflag:$0x5] =	stream.linear.gather [hbm4b:s5+s2], $0x1000, $0x38;
	[tilespmem:$0x12000] =	vst v63  }
0x11: {  	_ = 	snop  }
0x12: {  	[tilespmem:s10], [sflag:$0x5] =	stream.linear.gather [hbm4b:s7+s2], $0x1000, $0x38;
	[tilespmem:$0x12000] =	vst v63  }
0x13: {  	_ =	swait.ge [sflag:s11], $0x1000  }
0x14: {  	[sflag:s11] =	ssyncset.done $0x0  }
0x15: {  	[sflag:s11] =	ssyncadd.s32 $0xFFFFF000  }
0x16: {  	_ =	swait.ge [sflag:s11], $0x1000  }
0x17: {  	[sflag:s11] =	ssyncset.done $0x0  }
0x18: {  	s22 =	simm.s32 $0x0;
	[sflag:s11] =	ssyncadd.s32 $0xFFFFF000  }
0x19: {  	[tilespmem:s13], [sflag:$0x1] =	stream.indirect.gather [hbm4b:s3+s12], $0x80, s22, s12, $0xb8;
	[tilespmem:$0x12000] =	vst v63  }
0x1a: {  	s30 =	simm.s32 $0x1000  }
0x1b: {  	[tilespmem:s14], [sflag:$0x2] =	stream.indirect.gather [hbm4b:s4+s12], $0x80, s30, s12, $0xb8;
	[tilespmem:$0x12000] =	vst v63  }
0x1c: {  	_ = 	snop  }
0x1d: {  	[tilespmem:s15], [sflag:$0x1] =	stream.indirect.gather [hbm4b:s3+s12], $0x80, s12, s12, $0xb8;
	[tilespmem:$0x12000] =	vst v63  }
0x1e: {  	s22 =	simm.s32 $0x1080  }
0x1f: {  	[tilespmem:s16], [sflag:$0x2] =	stream.indirect.gather [hbm4b:s4+s12], $0x80, s22, s12, $0xb8;
	[tilespmem:$0x12000] =	vst v63  }
0x20: {  	_ =	swait.ge [sflag:s17], $0x4000  }
0x21: {  	[sflag:s17] =	ssyncset.done $0x0  }
0x22: {  	s23 =	sadd.s32 $0x0, s6;
	[sflag:s17] =	ssyncadd.s32 $0xFFFFC000  }
0x23: {  	[hbm4b:s23+s2] =	stream.linear.scatter [tilespmem:s13], [sflag:$0x3], $0x4000, $0x38;
	[tilespmem:$0x12000] =	vst v63  }
0x24: {  	_ =	swait.ge [sflag:s18], $0x4000  }
0x25: {  	[sflag:s18] =	ssyncset.done $0x0  }
0x26: {  	s24 =	sadd.s32 $0x0, s9;
	[sflag:s18] =	ssyncadd.s32 $0xFFFFC000  }
0x27: {  	[hbm4b:s24+s2] =	stream.linear.scatter [tilespmem:s14], [sflag:$0x4], $0x4000, $0x38;
	[tilespmem:$0x12000] =	vst v63  }
0x28: {  	_ =	swait.ge [sflag:s17], $0x4000  }
0x29: {  	[sflag:s17] =	ssyncset.done $0x0  }
0x2a: {  	s23 =	sadd.s32 $0x800, s23;
	[sflag:s17] =	ssyncadd.s32 $0xFFFFC000  }
0x2b: {  	[hbm4b:s23+s2] =	stream.linear.scatter [tilespmem:s15], [sflag:$0x3], $0x4000, $0x38;
	[tilespmem:$0x12000] =	vst v63  }
0x2c: {  	_ =	swait.ge [sflag:s18], $0x4000  }
0x2d: {  	[sflag:s18] =	ssyncset.done $0x0  }
0x2e: {  	s31 =	sadd.s32 $0x800, s24;
	[sflag:s18] =	ssyncadd.s32 $0xFFFFC000  }
0x2f: {  	[hbm4b:s31+s2] =	stream.linear.scatter [tilespmem:s16], [sflag:$0x4], $0x4000, $0x38;
	[tilespmem:$0x12000] =	vst v63  }
0x30: {  	_ =	swait.ge [sflag:s19], $0x4000  }
0x31: {  	[sflag:s19] =	ssyncset.done $0x0  }
0x32: {  	[sflag:s19] =	ssyncadd.s32 $0xFFFFC000  }
0x33: {  	_ =	swait.ge [sflag:s20], $0x4000  }
0x34: {  	[sflag:s20] =	ssyncset.done $0x0  }
0x35: {  	[sflag:s20] =	ssyncadd.s32 $0xFFFFC000  }
0x36: {  	_ =	swait.ge [sflag:s19], $0x4000  }
0x37: {  	[sflag:s19] =	ssyncset.done $0x0  }
0x38: {  	[sflag:s19] =	ssyncadd.s32 $0xFFFFC000  }
0x39: {  	s25 =	simm.s32 $0x2000;
	_ =	swait.ge [sflag:s20], $0x4000  }
0x3a: {  	s24 =	simm.s32 $0x180;
	s23 =	simm.s32 $0x1000;
	[sflag:s20] =	ssyncset.done $0x0  }
.LBB2_2:
0x3b: {  	s26 =	sadd.s32 $0xFFFFFF80, s24  }
0x3c: {  	[sflag:s20] =	ssyncadd.s32 $0xFFFFC000;
	s22 =	sadd.s32 $0x100, s22;
	s28 =	smov.u32 s25  }
0x3d: {  	[tilespmem:s13], [sflag:$0x1] =	stream.indirect.gather [hbm4b:s3+s12], $0x80, s26, s12, $0xb8;
	[tilespmem:$0x12000] =	vst v63  }
0x3e: {  	p0 =	sne.s32 s25, $0xF000;
	s25 =	sadd.s32 $0x1000, s25;
	s26 =	sadd.s32 $0xFFFFFF80, s22  }
0x3f: {  	[tilespmem:s14], [sflag:$0x2] =	stream.indirect.gather [hbm4b:s4+s12], $0x80, s26, s12, $0xb8;
	[tilespmem:$0x12000] =	vst v63  }
0x40: {  	_ = 	snop  }
0x41: {  	[tilespmem:s15], [sflag:$0x1] =	stream.indirect.gather [hbm4b:s3+s12], $0x80, s24, s12, $0xb8;
	[tilespmem:$0x12000] =	vst v63  }
0x42: {  	_ = 	snop  }
0x43: {  	[tilespmem:s16], [sflag:$0x2] =	stream.indirect.gather [hbm4b:s4+s12], $0x80, s22, s12, $0xb8;
	[tilespmem:$0x12000] =	vst v63  }
0x44: {  	_ =	swait.ge [sflag:s17], $0x4000  }
0x45: {  	[sflag:s17] =	ssyncset.done $0x0  }
0x46: {  	s26 =	sadd.s32 s23, s6;
	[sflag:s17] =	ssyncadd.s32 $0xFFFFC000  }
0x47: {  	[hbm4b:s26+s2] =	stream.linear.scatter [tilespmem:s13], [sflag:$0x3], $0x4000, $0x38;
	[tilespmem:$0x12000] =	vst v63  }
0x48: {  	_ =	swait.ge [sflag:s18], $0x4000  }
0x49: {  	[sflag:s18] =	ssyncset.done $0x0  }
0x4a: {  	s29 =	sadd.s32 s23, s9;
	s23 =	smov.u32 s28;
	[sflag:s18] =	ssyncadd.s32 $0xFFFFC000  }
0x4b: {  	[hbm4b:s29+s2] =	stream.linear.scatter [tilespmem:s14], [sflag:$0x4], $0x4000, $0x38;
	[tilespmem:$0x12000] =	vst v63  }
0x4c: {  	_ =	swait.ge [sflag:s17], $0x4000  }
0x4d: {  	[sflag:s17] =	ssyncset.done $0x0  }
0x4e: {  	s26 =	sadd.s32 $0x800, s26;
	[sflag:s17] =	ssyncadd.s32 $0xFFFFC000  }
0x4f: {  	[hbm4b:s26+s2] =	stream.linear.scatter [tilespmem:s15], [sflag:$0x3], $0x4000, $0x38;
	[tilespmem:$0x12000] =	vst v63  }
0x50: {  	_ =	swait.ge [sflag:s18], $0x4000  }
0x51: {  	[sflag:s18] =	ssyncset.done $0x0  }
0x52: {  	s26 =	sadd.s32 $0x800, s29;
	[sflag:s18] =	ssyncadd.s32 $0xFFFFC000  }
0x53: {  	[hbm4b:s26+s2] =	stream.linear.scatter [tilespmem:s16], [sflag:$0x4], $0x4000, $0x38;
	[tilespmem:$0x12000] =	vst v63  }
0x54: {  	_ =	swait.ge [sflag:s19], $0x4000  }
0x55: {  	[sflag:s19] =	ssyncset.done $0x0  }
0x56: {  	[sflag:s19] =	ssyncadd.s32 $0xFFFFC000  }
0x57: {  	_ =	swait.ge [sflag:s20], $0x4000  }
0x58: {  	[sflag:s20] =	ssyncset.done $0x0  }
0x59: {  	[sflag:s20] =	ssyncadd.s32 $0xFFFFC000  }
.Ltmp0:
0x5a: {  	_ =	swait.ge [sflag:s19], $0x4000;
	(pc) =	sbr.rel @p0 .LBB2_2-.Ltmp0, $4  }
0x5b: {  	[sflag:s19] =	ssyncset.done $0x0  }
0x5c: {  	[sflag:s19] =	ssyncadd.s32 $0xFFFFC000  }
0x5d: {  	_ =	swait.ge [sflag:s20], $0x4000  }
0x5e: {  	s24 =	sadd.s32 $0x100, s24;
	[sflag:s20] =	ssyncset.done $0x0  }
0x5f: {  	s25 =	sadd.s32 $0xFFFFFF80, s24;
	[sflag:s20] =	ssyncadd.s32 $0xFFFFC000;
	s22 =	sadd.s32 $0x100, s22  }
0x60: {  	[tilespmem:s13], [sflag:$0x1] =	stream.indirect.gather [hbm4b:s3+s12], $0x80, s25, s12, $0xb8;
	[tilespmem:$0x12000] =	vst v63  }
0x61: {  	s28 =	sadd.s32 $0xFFFFFF80, s22  }
0x62: {  	[tilespmem:s14], [sflag:$0x2] =	stream.indirect.gather [hbm4b:s4+s12], $0x80, s28, s12, $0xb8;
	[tilespmem:$0x12000] =	vst v63  }
0x63: {  	_ = 	snop  }
0x64: {  	[tilespmem:s15], [sflag:$0x1] =	stream.indirect.gather [hbm4b:s3+s12], $0x80, s24, s12, $0xb8;
	[tilespmem:$0x12000] =	vst v63  }
0x65: {  	_ = 	snop  }
0x66: {  	[tilespmem:s16], [sflag:$0x2] =	stream.indirect.gather [hbm4b:s4+s12], $0x80, s22, s12, $0xb8;
	[tilespmem:$0x12000] =	vst v63  }
0x67: {  	_ =	swait.ge [sflag:s17], $0x4000  }
0x68: {  	[sflag:s17] =	ssyncset.done $0x0  }
0x69: {  	s29 =	sadd.s32 s23, s6;
	[sflag:s17] =	ssyncadd.s32 $0xFFFFC000  }
0x6a: {  	[hbm4b:s29+s2] =	stream.linear.scatter [tilespmem:s13], [sflag:$0x3], $0x4000, $0x38;
	[tilespmem:$0x12000] =	vst v63  }
0x6b: {  	_ =	swait.ge [sflag:s18], $0x4000  }
0x6c: {  	[sflag:s18] =	ssyncset.done $0x0  }
0x6d: {  	s30 =	sadd.s32 s23, s9;
	[sflag:s18] =	ssyncadd.s32 $0xFFFFC000  }
0x6e: {  	[hbm4b:s30+s2] =	stream.linear.scatter [tilespmem:s14], [sflag:$0x4], $0x4000, $0x38;
	[tilespmem:$0x12000] =	vst v63  }
0x6f: {  	_ =	swait.ge [sflag:s17], $0x4000  }
0x70: {  	[sflag:s17] =	ssyncset.done $0x0  }
0x71: {  	s22 =	sadd.s32 $0x800, s29;
	[sflag:s17] =	ssyncadd.s32 $0xFFFFC000  }
0x72: {  	[hbm4b:s22+s2] =	stream.linear.scatter [tilespmem:s15], [sflag:$0x3], $0x4000, $0x38;
	[tilespmem:$0x12000] =	vst v63  }
0x73: {  	_ =	swait.ge [sflag:s18], $0x4000  }
0x74: {  	[sflag:s18] =	ssyncset.done $0x0  }
0x75: {  	s31 =	sadd.s32 $0x800, s30;
	[sflag:s18] =	ssyncadd.s32 $0xFFFFC000  }
0x76: {  	[hbm4b:s31+s2] =	stream.linear.scatter [tilespmem:s16], [sflag:$0x4], $0x4000, $0x38;
	[tilespmem:$0x12000] =	vst v63  }
0x77: {  	_ =	swait.ge [sflag:s19], $0x4000  }
0x78: {  	[sflag:s19] =	ssyncset.done $0x0  }
0x79: {  	[sflag:s19] =	ssyncadd.s32 $0xFFFFC000  }
0x7a: {  	_ =	swait.ge [sflag:s20], $0x4000  }
0x7b: {  	[sflag:s20] =	ssyncset.done $0x0  }
0x7c: {  	s21 =	sadd.s32 $0x1, s21;
	[sflag:s20] =	ssyncadd.s32 $0xFFFFC000  }
0x7d: {  	p0 =	sne.s32 s21, s8;
	_ =	swait.ge [sflag:s19], $0x4000  }
.Ltmp1:
0x7e: {  	[sflag:s19] =	ssyncset.done $0x0;
	(pc) =	sbr.rel @p0 .LBB2_1-.Ltmp1, $4  }
0x7f: {  	[sflag:s19] =	ssyncadd.s32 $0xFFFFC000  }
0x80: {  	_ =	swait.ge [sflag:s20], $0x4000  }
0x81: {  	[sflag:s20] =	ssyncset.done $0x0  }
0x82: {  	[sflag:s20] =	ssyncadd.s32 $0xFFFFC000  }
0x83: {  	_ =	sfence.sel $0x180000  }
0x84: {  	[bflag:$0x0] =	sbarrier.arrive $0xFFFF  }
0x85: {  	p0 =	sne.s32 s1, $0x0;
	_ =	strace $0x90000047  }
0x86: {  	s0 =	sadd.s32 @!p0 $0x100000, s0;
	[bflag:$0x2] =	sbarrier.arrive $0xFFFF  }
0x87: {  	[sflag:s0] =	ssyncadd.tile.s32 @!p0 $0x1;
	_ =	shalt  }
.Lfunc_end2:
_tile_overlayer_lowered:
.L_overlay_start_2:
0x88: {  	(tag) =	ssettag $0x2  }
0x89: {  	s0 =	rddreg [dreg:$0x0];
	s2 =	stileid.u32  }
0x8a: {  	s1 =	rddreg [dreg:$0x1];
	p0 =	sne.s32 s2, $0x0  }
0x8b: {  	s3 =	rddreg [dreg:$0x2];
	[bflag:$0x3] =	sbarrier.arrive $0xFFFF;
	s2 =	simm.s32 @!p0 $0x1C06  }
0x8c: {  	[timem:s3], [sflag:s2] =	dma.local @!p0 [hbm:s0], s1  }
0x8d: {  	s0 =	simm.s32 @!p0 $0x6  }
0x8e: {  	_ =	swait.ge @!p0 [sflag:s0], s1  }
0x8f: {  	s1 =	ssub.s32 @!p0 $0x0, s1;
	[sflag:s0] =	ssyncset.done @!p0 $0x0  }
0x90: {  	[sflag:s0] =	ssyncadd.s32 @!p0 s1  }
0x91: {  	[bflag:$0x3] =	sbarrier.arrive $0xFFFF  }
0x92: {  	_ =	shalt  }

// kernel: kernel.20.cloned.1.call-start
scs
__scs_entry_jumppad:
0x0: {  	(pc) =	sbr.rel $0x88, $3  }
0x1: {  	(tag) =	ssettag $0x0;
	lr =	simm.s32 $0x1  }
0x2: {  	[smem:$0x3F9C] =	sst lr;
	_ =	strace $0xD0000000  }
0x3: {  	_ = 	snop  }
0x4: {  	_ = 	snop  }
0x5: {  	_ = 	snop  }
0x6: {  	_ = 	snop  }
0x7: {  	_ = 	snop  }
__scs_overlays_trampoline_lowered:
0x8: {  	[smem:$0x3FAB] =	sst s0  }
0x9: {  	[smem:$0x3FAC] =	sst s1  }
0xa: {  	[smem:$0x3FAD] =	sst s2  }
0xb: {  	[smem:$0x3FAE] =	sst s3  }
0xc: {  	[smem:$0x3FAF] =	sst s4  }
0xd: {  	[smem:$0x3FB0] =	sst s5  }
0xe: {  	[smem:$0x3FB1] =	sst s6  }
0xf: {  	[smem:$0x3FB2] =	sst s7  }
0x10: {  	[smem:$0x3FB3] =	sst s8  }
0x11: {  	[smem:$0x3FB4] =	sst s9;
	s0 =	simm.s32 @!p0 $0x0  }
0x12: {  	s1 =	sld [smem:$0x3F9A];
	s0 =	simm.s32 @p0 $0x1  }
0x13: {  	[smem:$0x3FB5] =	sst s0;
	s0 =	simm.s32 @!p1 $0x0  }
0x14: {  	s2 =	sld [smem:$0x3F99];
	s0 =	simm.s32 @p1 $0x1  }
0x15: {  	[smem:$0x3FB6] =	sst s0;
	s0 =	simm.s32 @!p2 $0x0  }
0x16: {  	s3 =	sld [smem:$0x3FDB];
	s0 =	simm.s32 @p2 $0x1  }
0x17: {  	s4 =	simm.s32 $0x1BF5;
	[smem:$0x3FB8] =	sst s0  }
0x18: {  	s0 =	sld [smem:$0x3F9B];
	_ =	swait.ge [sflag:s4], $0x0  }
0x19: {  	s7 =	sld [smem:$0x3F9C]  }
0x1a: {  	s8 =	sadd.s32 $0xFFFFE003, lr  }
0x1b: {  	s9 =	sadd.s32 $0xFFFFFEF7, lr;
	s5 =	simm.s32 $0xFFFFFFFF;
	p2 =	slt.u32 s8, $0xFFFFF086  }
0x1c: {  	p1 =	slt.u32 s9, $0xF7A;
	s5 =	simm.s32 @!p2 $0x0  }
0x1d: {  	s5 =	simm.s32 @p1 $0x1;
	p0 =	seq.s32 s7, s2  }
0x1e: {  	s7 =	smul.u32 @!p0 $0xF7A, s2;
	p2 =	seq.s32 @!p0 s5, $0x0  }
0x1f: {  	s9 =	smul.u32 $0xF7A, s1;
	s8 =	simm.s32 @!p0 $0x1BF5;
	p2 =	por !p2, p0  }
0x20: {  	[sflag:s8] =	ssyncset.s32 @!p0 $0xFFFFF086;
	s6 =	sadd.s32 @!p0 s3, s7;
	s7 =	simm.s32 @!p0 $0x108  }
0x21: {  	s3 =	sadd.s32 s3, s9;
	s6 =	sadd.s32 @!p0 $0x88, s6;
	s7 =	simm.s32 @p2 $0x1082  }
0x22: {  	[simem:s7], [sflag:s8] =	dma.local @!p0 [hbm:s6], $0xF7A  }
0x23: {  	s9 =	sor.u32 $0xD0000000, s2;
	s6 =	simm.s32 $0x108;
	_ =	swait.ge @!p0 [sflag:s8], $0x0  }
0x24: {  	s3 =	sadd.s32 $0x88, s3;
	s6 =	simm.s32 @!p1 $0x1082;
	[sflag:s4] =	ssyncset.s32 $0xFFFFF086  }
0x25: {  	[simem:s6], [sflag:s4] =	dma.local [hbm:s3], $0xF7A  }
0x26: {  	[smem:$0x3F9C] =	sst s1;
	(tag) =	ssettag s2;
	_ =	strace s9  }
0x27: {  	s1 =	sld [smem:$0x3FAC]  }
0x28: {  	s2 =	sld [smem:$0x3FAD]  }
0x29: {  	s4 =	sld [smem:$0x3FAF]  }
0x2a: {  	p0 =	seq.s32 s5, $0x0;
	s5 =	sld [smem:$0x3FB0]  }
0x2b: {  	s6 =	sld [smem:$0x3FB1]  }
0x2c: {  	s7 =	sld [smem:$0x3FB2]  }
0x2d: {  	s3 =	simm.s32 $0x108;
	s8 =	sld [smem:$0x3FB3]  }
0x2e: {  	s3 =	simm.s32 @!p0 $0x1082;
	s9 =	sld [smem:$0x3FB4]  }
0x2f: {  	lr =	sadd.s32 s0, s3;
	s0 =	sld [smem:$0x3FAB]  }
0x30: {  	s3 =	sld [smem:$0x3FAE]  }
0x31: {  	[smem:$0x3FB7] =	sst s10  }
0x32: {  	s10 =	sld [smem:$0x3FB5];
	_ =	sdelay $0x3  }
0x33: {  	p0 =	seq.s32 s10, $0x1;
	s10 =	sld [smem:$0x3FB7];
	_ =	sdelay $0x3  }
0x34: {  	[smem:$0x3FB7] =	sst s10  }
0x35: {  	s10 =	sld [smem:$0x3FB6];
	_ =	sdelay $0x3  }
0x36: {  	p1 =	seq.s32 s10, $0x1;
	s10 =	sld [smem:$0x3FB7];
	_ =	sdelay $0x3  }
0x37: {  	[smem:$0x3FB7] =	sst s10  }
0x38: {  	s10 =	sld [smem:$0x3FB8]  }
0x39: {  	_ = 	snop;
	(pc) =	sbr.ind lr, $3  }
0x3a: {  	_ = 	snop  }
0x3b: {  	_ = 	snop  }
0x3c: {  	p2 =	seq.s32 s10, $0x1;
	s10 =	sld [smem:$0x3FB7]  }
0x3d: {  	_ =	shalt  }
0x3e: {  	_ =	shalt  }
0x3f: {  	_ =	shalt  }
0x40: {  	_ =	shalt  }
0x41: {  	_ =	shalt  }
0x42: {  	_ =	shalt  }
0x43: {  	_ =	shalt  }
0x44: {  	_ =	shalt  }
0x45: {  	_ =	shalt  }
0x46: {  	_ =	shalt  }
0x47: {  	_ =	shalt  }
0x48: {  	_ =	shalt  }
0x49: {  	_ =	shalt  }
0x4a: {  	_ =	shalt  }
0x4b: {  	_ =	shalt  }
0x4c: {  	_ =	shalt  }
0x4d: {  	_ =	shalt  }
0x4e: {  	_ =	shalt  }
0x4f: {  	_ =	shalt  }
0x50: {  	_ =	shalt  }
0x51: {  	_ =	shalt  }
0x52: {  	_ =	shalt  }
0x53: {  	_ =	shalt  }
0x54: {  	_ =	shalt  }
0x55: {  	_ =	shalt  }
0x56: {  	_ =	shalt  }
0x57: {  	_ =	shalt  }
0x58: {  	_ =	shalt  }
0x59: {  	_ =	shalt  }
0x5a: {  	_ =	shalt  }
0x5b: {  	_ =	shalt  }
0x5c: {  	_ =	shalt  }
0x5d: {  	_ =	shalt  }
0x5e: {  	_ =	shalt  }
0x5f: {  	_ =	shalt  }
0x60: {  	_ =	shalt  }
0x61: {  	_ =	shalt  }
0x62: {  	_ =	shalt  }
0x63: {  	_ =	shalt  }
0x64: {  	_ =	shalt  }
0x65: {  	_ =	shalt  }
0x66: {  	_ =	shalt  }
0x67: {  	_ =	shalt  }
0x68: {  	_ =	shalt  }
0x69: {  	_ =	shalt  }
0x6a: {  	_ =	shalt  }
0x6b: {  	_ =	shalt  }
0x6c: {  	_ =	shalt  }
0x6d: {  	_ =	shalt  }
0x6e: {  	_ =	shalt  }
0x6f: {  	_ =	shalt  }
0x70: {  	_ =	shalt  }
0x71: {  	_ =	shalt  }
0x72: {  	_ =	shalt  }
0x73: {  	_ =	shalt  }
0x74: {  	_ =	shalt  }
0x75: {  	_ =	shalt  }
0x76: {  	_ =	shalt  }
0x77: {  	_ =	shalt  }
0x78: {  	_ =	shalt  }
0x79: {  	_ =	shalt  }
0x7a: {  	_ =	shalt  }
0x7b: {  	_ =	shalt  }
0x7c: {  	_ =	shalt  }
0x7d: {  	_ =	shalt  }
0x7e: {  	_ =	shalt  }
0x7f: {  	_ =	shalt  }
0x80: {  	_ =	shalt  }
0x81: {  	_ =	shalt  }
0x82: {  	_ =	shalt  }
0x83: {  	_ =	shalt  }
0x84: {  	_ =	shalt  }
0x85: {  	_ =	shalt  }
0x86: {  	_ =	shalt  }
0x87: {  	_ =	shalt  }
.Lfunc_end0:
.L_simem_size_0:
called_computation.3_lowered:
.L_overlay_start_0:
0x88: {  	s2 =	sld [smem:$0x3FD9]  }
0x89: {  	s3 =	sld [smem:$0x3FFE];
	_ =	sdelay $0x1  }
0x8a: {  	s1 =	srdreg.scid  }
0x8b: {  	s0 =	sand.u32 $0x1, s1  }
0x8c: {  	s17 =	sshll.u32 s0, $0xA;
	s2 =	sadd.s32 s3, s2  }
0x8d: {  	s2 =	sadd.s32 s2, s17  }
0x8e: {  	[smem:$0x3FC3] =	sst s2  }
0x8f: {  	_ = 	snop  }
0x90: {  	(tm) =	ssettm $0x1  }
0x91: {  	s18 =	sld [smem:$0x3FFB];
	_ =	sdelay $0x3  }
0x92: {  	_ =	strace s18  }
0x93: {  	s2 =	sld [smem:$0x3FFC];
	_ =	sdelay $0x3  }
0x94: {  	_ =	strace s2  }
0x95: {  	s2 =	sld [smem:$0x3FFD];
	_ =	sdelay $0x3  }
0x96: {  	_ =	strace s2  }
0x97: {  	_ =	strace $0x8FFFFFFF  }
0x98: {  	s19 =	sld [smem:$0x3FDB];
	_ =	sdelay $0x1  }
0x99: {  	s20 =	simm.s32 $_scs_section_size  }
0x9a: {  	s4 =	simm.s32 $_size__tile_overlayer_lowered;
	s5 =	simm.s32 $_tile_overlayer_lowered  }
0x9b: {  	s6 =	simm.s32 $0x1BFF;
	s21 =	sshll.u32 s5, $0x1;
	s3 =	sadd.s32 s20, s19  }
0x9c: {  	s22 =	simm.s32 $0x0;
	s4 =	sshll.u32 s4, $0x1;
	s5 =	sadd.s32 s21, s3  }
0x9d: {  	[timem:s22], [sflag:s6] =	dma.local [hbm:s5], s4  }
0x9e: {  	_ =	swait.ge [sflag:s6], s4  }
0x9f: {  	s4 =	ssub.s32 $0x0, s4;
	[sflag:s6] =	ssyncset.done $0x0  }
0xa0: {  	[sflag:s6] =	ssyncadd.s32 s4;
	_ =	sdelay $0x1  }
0xa1: {  	s23 =	simm.s32 $0x1B8B  }
0xa2: {  	_ =	swait.ge [sflag:s23], $0x1  }
0xa3: {  	[sflag:s23] =	ssyncset.done $0x0  }
0xa4: {  	[sflag:s23] =	ssyncadd.s32 $0xFFFFFFFF  }
0xa5: {  	s4 =	sld [smem:$0x0]  }
0xa6: {  	s5 =	sand.u32 $0xFFFFFFFE, s1  }
0xa7: {  	p0 =	sne.s32 s1, s5  }
0xa8: {  	s5 =	sshll.u32 @p0 s5, $0xE  }
0xa9: {  	s5 =	sadd.s32 @p0 $0x11B8D, s5;
	s6 =	sshll.u32 @p0 s4, $0x11  }
0xaa: {  	s5 =	sor.u32 @p0 s6, s5  }
0xab: {  	[sflag:s5] =	ssyncadd.remote.s32 @p0 $0x1;
	_ =	sdelay $0x1  }
0xac: {  	s5 =	simm.s32 @p0 $0x1B8D  }
0xad: {  	_ =	swait.eq @p0 [sflag:s5], $0x1  }
0xae: {  	[sflag:s5] =	ssyncadd.s32 @p0 $0xFFFFFFFF  }
0xaf: {  	s6 =	sshll.u32 @!p0 s1, $0xE  }
0xb0: {  	s6 =	sor.u32 @!p0 $0x4000, s6;
	s5 =	simm.s32 @!p0 $0x1B8D  }
0xb1: {  	s4 =	sshll.u32 @!p0 s4, $0x11;
	s6 =	sadd.s32 @!p0 $0x11B8D, s6;
	_ =	swait.eq @!p0 [sflag:s5], $0x1  }
0xb2: {  	s4 =	sor.u32 @!p0 s4, s6;
	[sflag:s5] =	ssyncadd.s32 @!p0 $0xFFFFFFFF  }
0xb3: {  	s25 =	simm.s32 $0x1B8E;
	s24 =	sld [smem:$0x3FFE];
	[sflag:s4] =	ssyncadd.remote.s32 @!p0 $0x1  }
0xb4: {  	s26 =	simm.s32 $execute0_lowered;
	[smem:$0x3FD2] =	sst s25  }
0xb5: {  	s5 =	sshll.u32 s26, $0x1;
	_ =	strace $0x8000004C;
	[dreg:$0x1] =	wrdreg $0xFFFFFFFF  }
0xb6: {  	s28 =	simm.s32 $_size_execute0_lowered;
	s3 =	sadd.s32 s3, s5;
	[dreg:$0x0] =	wrdreg $0x0  }
0xb7: {  	s5 =	sshll.u32 s28, $0x1;
	[dreg:$0x2] =	wrdreg s3  }
0xb8: {  	[dreg:$0x3] =	wrdreg s5  }
0xb9: {  	[dreg:$0x4] =	wrdreg $0xC0  }
0xba: {  	_ =	task [dreg:s22], $0x5FFFF  }
0xbb: {  	[dreg:$0x1] =	wrdreg $0xFFFFFFFF  }
0xbc: {  	[dreg:$0x0] =	wrdreg $0x60  }
0xbd: {  	[dreg:$0x2] =	wrdreg s24  }
0xbe: {  	[dreg:$0x3] =	wrdreg $0xA  }
0xbf: {  	_ =	task.clear_ibuf [dreg:s22], $0x4FFFF;
	_ =	strace $0x9000004C  }
0xc0: {  	s29 =	simm.s32 $0xA;
	_ =	strace $0x8000004E  }
0xc1: {  	_ =	swait.ge [sflag:s29], $0x1  }
0xc2: {  	[sflag:s29] =	ssyncadd.s32 $0xFFFFFFFF  }
0xc3: {  	_ =	strace $0x9000004E  }
0xc4: {  	_ =	sfence  }
0xc5: {  	s30 =	sld [smem:$0x0];
	_ =	sdelay $0x2  }
0xc6: {  	s31 =	sshll.u32 s1, $0xD;
	s1 =	sshrl.u32 s1, $0x2  }
0xc7: {  	s4 =	sand.u32 $0x4000, s31;
	s1 =	sadd.s32 s1, s30  }
0xc8: {  	s0 =	sor.u32 s4, s0;
	s1 =	sshll.u32 s1, $0x11  }
0xc9: {  	s0 =	sor.u32 s1, s0  }
0xca: {  	s0 =	sadd.s32 $0x8F2B, s0  }
0xcb: {  	[sflag:s0] =	ssyncadd.remote.s32 $0x1  }
0xcc: {  	_ =	sfence.sel $0xFFFF  }
0xcd: {  	[dreg:$0x0] =	wrdreg $0xFFFFFFFF;
	(pc) =	sbr.abs _section_cstart, $3  }
0xce: {  	[dreg:$0x1] =	wrdreg $0xFFFFFFFF  }
0xcf: {  	_ =	task.clear_ibuf [dreg:s22], $0x2FFFF;
	_ =	strace $0x9FFFFFFF  }
0xd0: {  	(tm) =	ssettm $0x7FFFFFFF  }
0xd1: {  	_ =	shalt  }
tec
execute0_lowered:
.L_overlay_start_1:
0x0: {  	(tag) =	ssettag $0x1  }
0x1: {  	s1 =	rddreg [dreg:$0x0]  }
0x2: {  	s0 =	rddreg [dreg:$0x1]  }
0x3: {  	s3 =	simm.s32 $0x0;
	s4 =	srdreg.scid;
	s2 =	stileid.u32  }
0x4: {  	s9 =	simm.s32 $0x9000;
	s10 =	simm.s32 $0x2;
	s11 =	simm.s32 $0x80  }
0x5: {  	s12 =	simm.s32 $0x5000;
	s13 =	simm.s32 $0xD000;
	s14 =	simm.s32 $0x3  }
0x6: {  	s15 =	simm.s32 $0x0;
	[smem:$0x7FF] =	sst s3;
	s4 =	sand.u32 $0x1, s4  }
0x7: {  	s5 =	sshll.u32 s2, $0x11;
	s6 =	sshll.u32 s2, $0xD;
	_ =	strace $0x8000004D  }
0x8: {  	s7 =	sshll.u32 s4, $0xC;
	s5 =	sadd.s32 s5, s1;
	s30 =	ssub.s32 $0x2, s4  }
0x9: {  	s4 =	sshll.u32 s4, $0x10;
	s6 =	sor.u32 s7, s6;
	s8 =	sshrl.u32 s30, $0x1  }
0xa: {  	s31 =	sadd.s32 s4, s5;
	s6 =	sshrl.u32 s6, $0x3;
	s7 =	ssub.s32 s30, s8  }
0xb: {  	s8 =	simm.s32 $0x1000;
	s6 =	sadd.s32 s6, s1;
	s5 =	smax.u32 s7, $0x1  }
0xc: {  	s7 =	simm.s32 $0x1;
	s4 =	sadd.s32 $0x200000, s6;
	s6 =	sadd.s32 $0xB09000, s31  }
.LBB2_1:
0xd: {  	[tilespmem:s3], [sflag:$0x1] =	stream.linear.gather [hbm4b:s4+s3], $0x1000, $0x38;
	[tilespmem:$0x11000] =	vst v63  }
0xe: {  	_ =	swait.ge [sflag:s7], $0x1000  }
0xf: {  	[sflag:s7] =	ssyncset.done $0x0  }
0x10: {  	s16 =	sadd.s32 $0xFFFFF000, s6;
	[sflag:s7] =	ssyncadd.s32 $0xFFFFF000  }
0x11: {  	[tilespmem:s8], [sflag:$0x2] =	stream.linear.gather [hbm4b:s16+s3], $0x8000, $0x38;
	[tilespmem:$0x11000] =	vst v63  }
0x12: {  	_ = 	snop  }
0x13: {  	[tilespmem:s9], [sflag:$0x2] =	stream.linear.gather [hbm4b:s6+s3], $0x8000, $0x38;
	[tilespmem:$0x11000] =	vst v63  }
0x14: {  	_ =	swait.ge [sflag:s10], $0x8000  }
0x15: {  	[sflag:s10] =	ssyncset.done $0x0  }
0x16: {  	s28 =	simm.s32 $0x0;
	[sflag:s10] =	ssyncadd.s32 $0xFFFF8000  }
0x17: {  	[hbm4b:s1+s11] =	stream.indirect.scatter [tilespmem:s8], [sflag:$0x3], $0x80, s28, s11, $0xb8;
	[tilespmem:$0x11000] =	vst v63  }
0x18: {  	s29 =	simm.s32 $0x80  }
0x19: {  	[hbm4b:s1+s11] =	stream.indirect.scatter [tilespmem:s12], [sflag:$0x3], $0x80, s29, s11, $0xb8;
	[tilespmem:$0x11000] =	vst v63  }
0x1a: {  	_ =	swait.ge [sflag:s10], $0x8000  }
0x1b: {  	[sflag:s10] =	ssyncset.done $0x0  }
0x1c: {  	s30 =	simm.s32 $0x100;
	[sflag:s10] =	ssyncadd.s32 $0xFFFF8000  }
0x1d: {  	[hbm4b:s1+s11] =	stream.indirect.scatter [tilespmem:s9], [sflag:$0x3], $0x80, s30, s11, $0xb8;
	[tilespmem:$0x11000] =	vst v63  }
0x1e: {  	s31 =	simm.s32 $0x180  }
0x1f: {  	[hbm4b:s1+s11] =	stream.indirect.scatter [tilespmem:s13], [sflag:$0x3], $0x80, s31, s11, $0xb8;
	[tilespmem:$0x11000] =	vst v63  }
0x20: {  	_ =	swait.ge [sflag:s14], $0x4000  }
0x21: {  	[sflag:s14] =	ssyncset.done $0x0  }
0x22: {  	[sflag:s14] =	ssyncadd.s32 $0xFFFFC000  }
0x23: {  	_ =	swait.ge [sflag:s14], $0x4000  }
0x24: {  	[sflag:s14] =	ssyncset.done $0x0  }
0x25: {  	[sflag:s14] =	ssyncadd.s32 $0xFFFFC000  }
0x26: {  	_ =	swait.ge [sflag:s14], $0x4000  }
0x27: {  	[sflag:s14] =	ssyncset.done $0x0  }
0x28: {  	[sflag:s14] =	ssyncadd.s32 $0xFFFFC000  }
0x29: {  	s18 =	simm.s32 $0x1000;
	_ =	swait.ge [sflag:s14], $0x4000  }
0x2a: {  	s17 =	sadd.s32 $0x2000, s6;
	s16 =	simm.s32 $0x800;
	[sflag:s14] =	ssyncset.done $0x0  }
.LBB2_2:
0x2b: {  	p0 =	sne.s32 s18, $0x3800;
	s19 =	sadd.s32 $0xFFFFF000, s17;
	[sflag:s14] =	ssyncadd.s32 $0xFFFFC000  }
0x2c: {  	[tilespmem:s8], [sflag:$0x2] =	stream.linear.gather [hbm4b:s19+s3], $0x8000, $0x38;
	[tilespmem:$0x11000] =	vst v63  }
0x2d: {  	s19 =	smov.u32 s18;
	s18 =	sadd.s32 $0x800, s18  }
0x2e: {  	[tilespmem:s9], [sflag:$0x2] =	stream.linear.gather [hbm4b:s17+s3], $0x8000, $0x38;
	[tilespmem:$0x11000] =	vst v63  }
0x2f: {  	_ =	swait.ge [sflag:s10], $0x8000  }
0x30: {  	[sflag:s10] =	ssyncset.done $0x0  }
0x31: {  	s20 =	sshra.s32 s16, $0x2;
	s16 =	smov.u32 s19;
	[sflag:s10] =	ssyncadd.s32 $0xFFFF8000  }
0x32: {  	[hbm4b:s1+s11] =	stream.indirect.scatter [tilespmem:s8], [sflag:$0x3], $0x80, s20, s11, $0xb8;
	[tilespmem:$0x11000] =	vst v63  }
0x33: {  	s19 =	sadd.s32 $0x80, s20  }
0x34: {  	[hbm4b:s1+s11] =	stream.indirect.scatter [tilespmem:s12], [sflag:$0x3], $0x80, s19, s11, $0xb8;
	[tilespmem:$0x11000] =	vst v63  }
0x35: {  	_ =	swait.ge [sflag:s10], $0x8000  }
0x36: {  	[sflag:s10] =	ssyncset.done $0x0  }
0x37: {  	s19 =	sadd.s32 $0x100, s20;
	[sflag:s10] =	ssyncadd.s32 $0xFFFF8000  }
0x38: {  	[hbm4b:s1+s11] =	stream.indirect.scatter [tilespmem:s9], [sflag:$0x3], $0x80, s19, s11, $0xb8;
	[tilespmem:$0x11000] =	vst v63  }
0x39: {  	s19 =	sadd.s32 $0x180, s20  }
0x3a: {  	[hbm4b:s1+s11] =	stream.indirect.scatter [tilespmem:s13], [sflag:$0x3], $0x80, s19, s11, $0xb8;
	[tilespmem:$0x11000] =	vst v63  }
0x3b: {  	_ =	swait.ge [sflag:s14], $0x4000  }
0x3c: {  	[sflag:s14] =	ssyncset.done $0x0  }
0x3d: {  	[sflag:s14] =	ssyncadd.s32 $0xFFFFC000  }
0x3e: {  	_ =	swait.ge [sflag:s14], $0x4000  }
0x3f: {  	[sflag:s14] =	ssyncset.done $0x0  }
0x40: {  	[sflag:s14] =	ssyncadd.s32 $0xFFFFC000  }
.Ltmp0:
0x41: {  	_ =	swait.ge [sflag:s14], $0x4000;
	(pc) =	sbr.rel @p0 .LBB2_2-.Ltmp0, $4  }
0x42: {  	[sflag:s14] =	ssyncset.done $0x0  }
0x43: {  	[sflag:s14] =	ssyncadd.s32 $0xFFFFC000  }
0x44: {  	_ =	swait.ge [sflag:s14], $0x4000  }
0x45: {  	s17 =	sadd.s32 $0x2000, s17;
	[sflag:s14] =	ssyncset.done $0x0  }
0x46: {  	s18 =	sadd.s32 $0xFFFFF000, s17;
	[sflag:s14] =	ssyncadd.s32 $0xFFFFC000  }
0x47: {  	[tilespmem:s8], [sflag:$0x2] =	stream.linear.gather [hbm4b:s18+s3], $0x8000, $0x38;
	[tilespmem:$0x11000] =	vst v63  }
0x48: {  	_ = 	snop  }
0x49: {  	[tilespmem:s9], [sflag:$0x2] =	stream.linear.gather [hbm4b:s17+s3], $0x8000, $0x38;
	[tilespmem:$0x11000] =	vst v63  }
0x4a: {  	_ =	swait.ge [sflag:s10], $0x8000  }
0x4b: {  	[sflag:s10] =	ssyncset.done $0x0  }
0x4c: {  	s16 =	sshra.s32 s16, $0x2;
	[sflag:s10] =	ssyncadd.s32 $0xFFFF8000  }
0x4d: {  	[hbm4b:s1+s11] =	stream.indirect.scatter [tilespmem:s8], [sflag:$0x3], $0x80, s16, s11, $0xb8;
	[tilespmem:$0x11000] =	vst v63  }
0x4e: {  	s30 =	sadd.s32 $0x80, s16  }
0x4f: {  	[hbm4b:s1+s11] =	stream.indirect.scatter [tilespmem:s12], [sflag:$0x3], $0x80, s30, s11, $0xb8;
	[tilespmem:$0x11000] =	vst v63  }
0x50: {  	_ =	swait.ge [sflag:s10], $0x8000  }
0x51: {  	[sflag:s10] =	ssyncset.done $0x0  }
0x52: {  	s31 =	sadd.s32 $0x100, s16;
	[sflag:s10] =	ssyncadd.s32 $0xFFFF8000  }
0x53: {  	[hbm4b:s1+s11] =	stream.indirect.scatter [tilespmem:s9], [sflag:$0x3], $0x80, s31, s11, $0xb8;
	[tilespmem:$0x11000] =	vst v63  }
0x54: {  	s16 =	sadd.s32 $0x180, s16  }
0x55: {  	[hbm4b:s1+s11] =	stream.indirect.scatter [tilespmem:s13], [sflag:$0x3], $0x80, s16, s11, $0xb8;
	[tilespmem:$0x11000] =	vst v63  }
0x56: {  	_ =	swait.ge [sflag:s14], $0x4000  }
0x57: {  	[sflag:s14] =	ssyncset.done $0x0  }
0x58: {  	[sflag:s14] =	ssyncadd.s32 $0xFFFFC000  }
0x59: {  	_ =	swait.ge [sflag:s14], $0x4000  }
0x5a: {  	[sflag:s14] =	ssyncset.done $0x0  }
0x5b: {  	s15 =	sadd.s32 $0x1, s15;
	[sflag:s14] =	ssyncadd.s32 $0xFFFFC000  }
0x5c: {  	p0 =	sne.s32 s15, s5;
	_ =	swait.ge [sflag:s14], $0x4000  }
.Ltmp1:
0x5d: {  	[sflag:s14] =	ssyncset.done $0x0;
	(pc) =	sbr.rel @p0 .LBB2_1-.Ltmp1, $4  }
0x5e: {  	[sflag:s14] =	ssyncadd.s32 $0xFFFFC000  }
0x5f: {  	_ =	swait.ge [sflag:s14], $0x4000  }
0x60: {  	[sflag:s14] =	ssyncset.done $0x0  }
0x61: {  	[sflag:s14] =	ssyncadd.s32 $0xFFFFC000  }
0x62: {  	_ =	sfence.sel $0x180000  }
0x63: {  	[bflag:$0x0] =	sbarrier.arrive $0xFFFF  }
0x64: {  	p0 =	sne.s32 s2, $0x0;
	_ =	strace $0x9000004D  }
0x65: {  	s0 =	sadd.s32 @!p0 $0x100000, s0;
	[bflag:$0x2] =	sbarrier.arrive $0xFFFF  }
0x66: {  	[sflag:s0] =	ssyncadd.tile.s32 @!p0 $0x1;
	_ =	shalt  }
.Lfunc_end2:
_tile_overlayer_lowered:
.L_overlay_start_2:
0x67: {  	(tag) =	ssettag $0x2  }
0x68: {  	s0 =	rddreg [dreg:$0x0];
	s2 =	stileid.u32  }
0x69: {  	s1 =	rddreg [dreg:$0x1];
	p0 =	sne.s32 s2, $0x0  }
0x6a: {  	s3 =	rddreg [dreg:$0x2];
	[bflag:$0x3] =	sbarrier.arrive $0xFFFF;
	s2 =	simm.s32 @!p0 $0x1C04  }
0x6b: {  	[timem:s3], [sflag:s2] =	dma.local @!p0 [hbm:s0], s1  }
0x6c: {  	s0 =	simm.s32 @!p0 $0x4  }
0x6d: {  	_ =	swait.ge @!p0 [sflag:s0], s1  }
0x6e: {  	s1 =	ssub.s32 @!p0 $0x0, s1;
	[sflag:s0] =	ssyncset.done @!p0 $0x0  }
0x6f: {  	[sflag:s0] =	ssyncadd.s32 @!p0 s1  }
0x70: {  	[bflag:$0x3] =	sbarrier.arrive $0xFFFF  }
0x71: {  	_ =	shalt  }

</sc_bundles>
